<compile_context>
chip_gen: v7x
topology: tpu7x:2x2x1
jax: 0.10.2.dev20260603
libtpu: 0.0.44.dev20260713+nightly
codegen_flags: <defaults>
</compile_context>

<pallas_src>
import functools

import jax
import jax.numpy as jnp
from jax import lax
from jax.experimental import pallas as pl
from jax.experimental.pallas import tpu as pltpu
from jax.experimental.pallas import tpu_sc as plsc

R, C = 16384, 512
OC = C // 2
NW = 32
ROWS_PER_W = R // NW
N_CHUNK = 16
CH_ROWS = ROWS_PER_W // N_CHUNK
LANES = 16
VECS_PER_ROW = OC // LANES
N_IN = 4
N_OUT = 3

_mesh = plsc.VectorSubcoreMesh(core_axis_name="c", subcore_axis_name="s")


@functools.partial(
    pl.kernel,
    mesh=_mesh,
    out_type=jax.ShapeDtypeStruct((R, OC), jnp.float32),
    scratch_types=[
        *[pltpu.VMEM((CH_ROWS, C), jnp.float32) for _ in range(N_IN)],
        *[pltpu.VMEM((2 * CH_ROWS, OC), jnp.float32) for _ in range(N_OUT)],
        pltpu.SemaphoreType.DMA,
        pltpu.SemaphoreType.DMA,
    ],
    compiler_params=pltpu.CompilerParams(needs_layout_passes=False),
)
def _deinterleave(in_hbm, out_hbm, *refs):
    in_bufs = refs[0:N_IN]
    out_bufs = refs[N_IN:N_IN + N_OUT]
    in_sem, out_sem = refs[N_IN + N_OUT], refs[N_IN + N_OUT + 1]
    wid = lax.axis_index("s") * 2 + lax.axis_index("c")
    row_base = wid * ROWS_PER_W
    iota2 = lax.iota(jnp.int32, LANES) * 2

    def in_copy(c):
        return pltpu.async_copy(
            in_hbm.at[pl.ds(row_base + c * CH_ROWS, CH_ROWS), :],
            in_bufs[c % N_IN], in_sem)

    def out_copy(g):
        return pltpu.async_copy(
            out_bufs[g % N_OUT],
            out_hbm.at[pl.ds(row_base + g * 2 * CH_ROWS, 2 * CH_ROWS), :],
            out_sem)

    in_h = [in_copy(c) for c in range(N_IN)]
    out_h = [None] * N_OUT
    for c in range(N_CHUNK):
        g, half = c // 2, c % 2
        in_h[c % N_IN].wait()
        if half == 0 and out_h[g % N_OUT] is not None:
            out_h[g % N_OUT].wait()
        iv = in_bufs[c % N_IN]
        ov = out_bufs[g % N_OUT]

        @plsc.parallel_loop(0, CH_ROWS * VECS_PER_ROW, 1, unroll=8)
        def _(i):
            r = i >> 4
            j = i & (VECS_PER_ROW - 1)
            col = iota2 + j * (2 * LANES)
            row = jnp.full((LANES,), r, jnp.int32)
            ov[r + half * CH_ROWS, pl.ds(j * LANES, LANES)] = (
                plsc.load_gather(iv, [row, col]))

        if half == 1:
            out_h[g % N_OUT] = out_copy(g)
        if c + N_IN < N_CHUNK:
            in_h[c % N_IN] = in_copy(c + N_IN)
    for h in out_h:
        if h is not None:
            h.wait()


def kernel(inputs):
    return _deinterleave(inputs)

# --- scband reference (transcript-rebuilt; emitter-appended) ---
"""Pipeline reference for scband-column-selector-56143812493757 (READ-ONLY COPY).

The authoritative reference and input builder live on the scoring server;
editing this copy changes nothing except your own understanding.
"""

import jax, jax.numpy as jnp
import numpy as np

INDICES = jnp.array(list(range(0, 512, 2)), dtype=jnp.int32)

def setup_inputs(seed: int = 0) -> dict:
    key = jax.random.key(seed)
    inputs = jax.random.normal(key, (16384, 512), dtype=jnp.float32)
    return {"inputs": inputs}

def reference(inputs):
    # Faithful translation of tf.gather(inputs, indices, axis=1)
    return jnp.take(inputs, INDICES, axis=1)

if __name__ == "__main__":
    import jax
    _d = setup_inputs()
    print(jax.jit(kernel)(*tuple(_d.values())))

</pallas_src>

<mosaic_0001>
#map = affine_map<(d0, d1) -> (0, 0)>
module attributes {stable_mosaic.version = 14 : i64} {
  func.func @_deinterleave(%arg0: i32, %arg1: i32, %arg2: memref<16384x512xf32, #tpu.memory_space<hbm>>, %arg3: memref<16384x256xf32, #tpu.memory_space<hbm>>, %arg4: memref<32x512xf32, #tpu.memory_space<vmem>>, %arg5: memref<32x512xf32, #tpu.memory_space<vmem>>, %arg6: memref<32x512xf32, #tpu.memory_space<vmem>>, %arg7: memref<32x512xf32, #tpu.memory_space<vmem>>, %arg8: memref<64x256xf32, #tpu.memory_space<vmem>>, %arg9: memref<64x256xf32, #tpu.memory_space<vmem>>, %arg10: memref<64x256xf32, #tpu.memory_space<vmem>>, %arg11: memref<!tpu.dma_semaphore, #tpu.memory_space<semaphore_mem>>, %arg12: memref<!tpu.dma_semaphore, #tpu.memory_space<semaphore_mem>>) attributes {dimension_semantics = [#tpu.dimension_semantics<core_parallel>, #tpu.dimension_semantics<subcore_parallel>], iteration_bounds = array<i64: 2, 16>, scalar_prefetch = 0 : i64, scratch_operands = 9 : i64, tpu.core_type = #tpu.core_type<sc_vector_subcore>, window_params = [{transform_indices = #map}, {transform_indices = #map}]} {
    %mul3A = arith.constant 2 : i32
    %mul3A_0 = arith.muli %arg1, %mul3A : i32
    %add3A = arith.addi %mul3A_0, %arg0 : i32
    %mul3A_1 = arith.constant 512 : i32
    %mul3A_2 = arith.muli %add3A, %mul3A_1 : i32
    %iota3A = tpu.iota {dimensions = array<i32: 0>} : vector<16xi32>
    %mul3A_3 = arith.constant 2 : i32
    %mul3A_4 = vector.broadcast %mul3A_3 : i32 to vector<16xi32>
    %mul3A_5 = arith.muli %iota3A, %mul3A_4 : vector<16xi32>
    %add3A_6 = arith.constant 0 : i32
    %add3A_7 = arith.addi %mul3A_2, %add3A_6 : i32
    %dma_start3A = arith.constant 0 : i32
    %dma_start3A_8 = tpu.memref_slice %arg2[%add3A_7, %dma_start3A] : memref<16384x512xf32, #tpu.memory_space<hbm>> -> memref<32x512xf32, #tpu.memory_space<hbm>>
    %dma_start3A_9 = arith.constant 0 : i32
    %dma_start3A_10 = tpu.memref_slice %arg2[%add3A_7, %dma_start3A_9] : memref<16384x512xf32, #tpu.memory_space<hbm>> -> memref<32x512xf32, #tpu.memory_space<hbm>>
    tpu.enqueue_dma source(%dma_start3A_10 : memref<32x512xf32, #tpu.memory_space<hbm>>) target(%arg4 : memref<32x512xf32, #tpu.memory_space<vmem>>) target_semaphore(%arg11 : memref<!tpu.dma_semaphore, #tpu.memory_space<semaphore_mem>>)
    %add3A_11 = arith.constant 32 : i32
    %add3A_12 = arith.addi %mul3A_2, %add3A_11 : i32
    %dma_start3A_13 = arith.constant 0 : i32
    %dma_start3A_14 = tpu.memref_slice %arg2[%add3A_12, %dma_start3A_13] : memref<16384x512xf32, #tpu.memory_space<hbm>> -> memref<32x512xf32, #tpu.memory_space<hbm>>
    %dma_start3A_15 = arith.constant 0 : i32
    %dma_start3A_16 = tpu.memref_slice %arg2[%add3A_12, %dma_start3A_15] : memref<16384x512xf32, #tpu.memory_space<hbm>> -> memref<32x512xf32, #tpu.memory_space<hbm>>
    tpu.enqueue_dma source(%dma_start3A_16 : memref<32x512xf32, #tpu.memory_space<hbm>>) target(%arg5 : memref<32x512xf32, #tpu.memory_space<vmem>>) target_semaphore(%arg11 : memref<!tpu.dma_semaphore, #tpu.memory_space<semaphore_mem>>)
    %add3A_17 = arith.constant 64 : i32
    %add3A_18 = arith.addi %mul3A_2, %add3A_17 : i32
    %dma_start3A_19 = arith.constant 0 : i32
    %dma_start3A_20 = tpu.memref_slice %arg2[%add3A_18, %dma_start3A_19] : memref<16384x512xf32, #tpu.memory_space<hbm>> -> memref<32x512xf32, #tpu.memory_space<hbm>>
    %dma_start3A_21 = arith.constant 0 : i32
    %dma_start3A_22 = tpu.memref_slice %arg2[%add3A_18, %dma_start3A_21] : memref<16384x512xf32, #tpu.memory_space<hbm>> -> memref<32x512xf32, #tpu.memory_space<hbm>>
    tpu.enqueue_dma source(%dma_start3A_22 : memref<32x512xf32, #tpu.memory_space<hbm>>) target(%arg6 : memref<32x512xf32, #tpu.memory_space<vmem>>) target_semaphore(%arg11 : memref<!tpu.dma_semaphore, #tpu.memory_space<semaphore_mem>>)
    %add3A_23 = arith.constant 96 : i32
    %add3A_24 = arith.addi %mul3A_2, %add3A_23 : i32
    %dma_start3A_25 = arith.constant 0 : i32
    %dma_start3A_26 = tpu.memref_slice %arg2[%add3A_24, %dma_start3A_25] : memref<16384x512xf32, #tpu.memory_space<hbm>> -> memref<32x512xf32, #tpu.memory_space<hbm>>
    %dma_start3A_27 = arith.constant 0 : i32
    %dma_start3A_28 = tpu.memref_slice %arg2[%add3A_24, %dma_start3A_27] : memref<16384x512xf32, #tpu.memory_space<hbm>> -> memref<32x512xf32, #tpu.memory_space<hbm>>
    tpu.enqueue_dma source(%dma_start3A_28 : memref<32x512xf32, #tpu.memory_space<hbm>>) target(%arg7 : memref<32x512xf32, #tpu.memory_space<vmem>>) target_semaphore(%arg11 : memref<!tpu.dma_semaphore, #tpu.memory_space<semaphore_mem>>)
    %dma_wait3A = arith.constant 0 : i32
    %dma_wait3A_29 = tpu.memref_slice %arg2[%add3A_7, %dma_wait3A] : memref<16384x512xf32, #tpu.memory_space<hbm>> -> memref<32x512xf32, #tpu.memory_space<hbm>>
    %dma_wait3A_30 = arith.constant 0 : i32
    %dma_wait3A_31 = tpu.memref_slice %arg2[%add3A_7, %dma_wait3A_30] : memref<16384x512xf32, #tpu.memory_space<hbm>> -> memref<32x512xf32, #tpu.memory_space<hbm>>
    tpu.wait_dma2 semaphore(%arg11 : memref<!tpu.dma_semaphore, #tpu.memory_space<semaphore_mem>>) src(%dma_wait3A_31 : memref<32x512xf32, #tpu.memory_space<hbm>>) dst(%arg4 : memref<32x512xf32, #tpu.memory_space<vmem>>)
    %parallel_loop3A = arith.constant 0 : i32
    %parallel_loop3A_32 = arith.constant 512 : i32
    %parallel_loop3A_33 = arith.constant 1 : i32
    scf.for %parallel_loop3A_291 = %parallel_loop3A to %parallel_loop3A_32 step %parallel_loop3A_33  : i32 {
      %parallel_loop3A_292 = arith.constant 4 : i32
      %parallel_loop3A_293 = arith.shrsi %parallel_loop3A_291, %parallel_loop3A_292 : i32
      %parallel_loop3A_294 = arith.constant 15 : i32
      %parallel_loop3A_295 = arith.andi %parallel_loop3A_291, %parallel_loop3A_294 : i32
      %parallel_loop3A_296 = arith.constant 32 : i32
      %parallel_loop3A_297 = arith.muli %parallel_loop3A_295, %parallel_loop3A_296 : i32
      %parallel_loop3A_298 = vector.broadcast %parallel_loop3A_297 : i32 to vector<16xi32>
      %parallel_loop3A_299 = arith.addi %mul3A_5, %parallel_loop3A_298 : vector<16xi32>
      %parallel_loop3A_300 = vector.broadcast %parallel_loop3A_293 : i32 to vector<16xi32>
      %parallel_loop3A_301 = tpu.vector_load_idx %arg4[%parallel_loop3A_300, %parallel_loop3A_299] : memref<32x512xf32, #tpu.memory_space<vmem>>[vector<16xi32>, vector<16xi32>], vector<16xf32>,
      %parallel_loop3A_302 = arith.constant 0 : i32
      %parallel_loop3A_303 = arith.addi %parallel_loop3A_293, %parallel_loop3A_302 : i32
      %parallel_loop3A_304 = arith.constant 16 : i32
      %parallel_loop3A_305 = arith.muli %parallel_loop3A_295, %parallel_loop3A_304 : i32
      %parallel_loop3A_306 = arith.index_cast %parallel_loop3A_303 : i32 to index
      %parallel_loop3A_307 = arith.index_cast %parallel_loop3A_305 : i32 to index
      %parallel_loop3A_308 = tpu.vector_load %arg8[%parallel_loop3A_306, %parallel_loop3A_307] {strides = array<i32>} : memref<64x256xf32, #tpu.memory_space<vmem>>, vector<16xf32>,
      tpu.vector_store %arg8[%parallel_loop3A_306, %parallel_loop3A_307], %parallel_loop3A_301 {strides = array<i32>} : memref<64x256xf32, #tpu.memory_space<vmem>>, vector<16xf32>,
    } {sc.loop_unroll_factor = 8 : i64, sc.parallel_access}
    %add3A_34 = arith.constant 128 : i32
    %add3A_35 = arith.addi %mul3A_2, %add3A_34 : i32
    %dma_start3A_36 = arith.constant 0 : i32
    %dma_start3A_37 = tpu.memref_slice %arg2[%add3A_35, %dma_start3A_36] : memref<16384x512xf32, #tpu.memory_space<hbm>> -> memref<32x512xf32, #tpu.memory_space<hbm>>
    %dma_start3A_38 = arith.constant 0 : i32
    %dma_start3A_39 = tpu.memref_slice %arg2[%add3A_35, %dma_start3A_38] : memref<16384x512xf32, #tpu.memory_space<hbm>> -> memref<32x512xf32, #tpu.memory_space<hbm>>
    tpu.enqueue_dma source(%dma_start3A_39 : memref<32x512xf32, #tpu.memory_space<hbm>>) target(%arg4 : memref<32x512xf32, #tpu.memory_space<vmem>>) target_semaphore(%arg11 : memref<!tpu.dma_semaphore, #tpu.memory_space<semaphore_mem>>)
    %dma_wait3A_40 = arith.constant 0 : i32
    %dma_wait3A_41 = tpu.memref_slice %arg2[%add3A_12, %dma_wait3A_40] : memref<16384x512xf32, #tpu.memory_space<hbm>> -> memref<32x512xf32, #tpu.memory_space<hbm>>
    %dma_wait3A_42 = arith.constant 0 : i32
    %dma_wait3A_43 = tpu.memref_slice %arg2[%add3A_12, %dma_wait3A_42] : memref<16384x512xf32, #tpu.memory_space<hbm>> -> memref<32x512xf32, #tpu.memory_space<hbm>>
    tpu.wait_dma2 semaphore(%arg11 : memref<!tpu.dma_semaphore, #tpu.memory_space<semaphore_mem>>) src(%dma_wait3A_43 : memref<32x512xf32, #tpu.memory_space<hbm>>) dst(%arg5 : memref<32x512xf32, #tpu.memory_space<vmem>>)
    %parallel_loop3A_44 = arith.constant 0 : i32
    %parallel_loop3A_45 = arith.constant 512 : i32
    %parallel_loop3A_46 = arith.constant 1 : i32
    scf.for %parallel_loop3A_291 = %parallel_loop3A_44 to %parallel_loop3A_45 step %parallel_loop3A_46  : i32 {
      %parallel_loop3A_292 = arith.constant 4 : i32
      %parallel_loop3A_293 = arith.shrsi %parallel_loop3A_291, %parallel_loop3A_292 : i32
      %parallel_loop3A_294 = arith.constant 15 : i32
      %parallel_loop3A_295 = arith.andi %parallel_loop3A_291, %parallel_loop3A_294 : i32
      %parallel_loop3A_296 = arith.constant 32 : i32
      %parallel_loop3A_297 = arith.muli %parallel_loop3A_295, %parallel_loop3A_296 : i32
      %parallel_loop3A_298 = vector.broadcast %parallel_loop3A_297 : i32 to vector<16xi32>
      %parallel_loop3A_299 = arith.addi %mul3A_5, %parallel_loop3A_298 : vector<16xi32>
      %parallel_loop3A_300 = vector.broadcast %parallel_loop3A_293 : i32 to vector<16xi32>
      %parallel_loop3A_301 = tpu.vector_load_idx %arg5[%parallel_loop3A_300, %parallel_loop3A_299] : memref<32x512xf32, #tpu.memory_space<vmem>>[vector<16xi32>, vector<16xi32>], vector<16xf32>,
      %parallel_loop3A_302 = arith.constant 32 : i32
      %parallel_loop3A_303 = arith.addi %parallel_loop3A_293, %parallel_loop3A_302 : i32
      %parallel_loop3A_304 = arith.constant 16 : i32
      %parallel_loop3A_305 = arith.muli %parallel_loop3A_295, %parallel_loop3A_304 : i32
      %parallel_loop3A_306 = arith.index_cast %parallel_loop3A_303 : i32 to index
      %parallel_loop3A_307 = arith.index_cast %parallel_loop3A_305 : i32 to index
      %parallel_loop3A_308 = tpu.vector_load %arg8[%parallel_loop3A_306, %parallel_loop3A_307] {strides = array<i32>} : memref<64x256xf32, #tpu.memory_space<vmem>>, vector<16xf32>,
      tpu.vector_store %arg8[%parallel_loop3A_306, %parallel_loop3A_307], %parallel_loop3A_301 {strides = array<i32>} : memref<64x256xf32, #tpu.memory_space<vmem>>, vector<16xf32>,
    } {sc.loop_unroll_factor = 8 : i64, sc.parallel_access}
    %add3A_47 = arith.constant 0 : i32
    %add3A_48 = arith.addi %mul3A_2, %add3A_47 : i32
    %dma_start3A_49 = arith.constant 0 : i32
    %dma_start3A_50 = tpu.memref_slice %arg3[%add3A_48, %dma_start3A_49] : memref<16384x256xf32, #tpu.memory_space<hbm>> -> memref<64x256xf32, #tpu.memory_space<hbm>>
    %dma_start3A_51 = arith.constant 0 : i32
    %dma_start3A_52 = tpu.memref_slice %arg3[%add3A_48, %dma_start3A_51] : memref<16384x256xf32, #tpu.memory_space<hbm>> -> memref<64x256xf32, #tpu.memory_space<hbm>>
    tpu.enqueue_dma source(%arg8 : memref<64x256xf32, #tpu.memory_space<vmem>>) target(%dma_start3A_52 : memref<64x256xf32, #tpu.memory_space<hbm>>) target_semaphore(%arg12 : memref<!tpu.dma_semaphore, #tpu.memory_space<semaphore_mem>>)
    %add3A_53 = arith.constant 160 : i32
    %add3A_54 = arith.addi %mul3A_2, %add3A_53 : i32
    %dma_start3A_55 = arith.constant 0 : i32
    %dma_start3A_56 = tpu.memref_slice %arg2[%add3A_54, %dma_start3A_55] : memref<16384x512xf32, #tpu.memory_space<hbm>> -> memref<32x512xf32, #tpu.memory_space<hbm>>
    %dma_start3A_57 = arith.constant 0 : i32
    %dma_start3A_58 = tpu.memref_slice %arg2[%add3A_54, %dma_start3A_57] : memref<16384x512xf32, #tpu.memory_space<hbm>> -> memref<32x512xf32, #tpu.memory_space<hbm>>
    tpu.enqueue_dma source(%dma_start3A_58 : memref<32x512xf32, #tpu.memory_space<hbm>>) target(%arg5 : memref<32x512xf32, #tpu.memory_space<vmem>>) target_semaphore(%arg11 : memref<!tpu.dma_semaphore, #tpu.memory_space<semaphore_mem>>)
    %dma_wait3A_59 = arith.constant 0 : i32
    %dma_wait3A_60 = tpu.memref_slice %arg2[%add3A_18, %dma_wait3A_59] : memref<16384x512xf32, #tpu.memory_space<hbm>> -> memref<32x512xf32, #tpu.memory_space<hbm>>
    %dma_wait3A_61 = arith.constant 0 : i32
    %dma_wait3A_62 = tpu.memref_slice %arg2[%add3A_18, %dma_wait3A_61] : memref<16384x512xf32, #tpu.memory_space<hbm>> -> memref<32x512xf32, #tpu.memory_space<hbm>>
    tpu.wait_dma2 semaphore(%arg11 : memref<!tpu.dma_semaphore, #tpu.memory_space<semaphore_mem>>) src(%dma_wait3A_62 : memref<32x512xf32, #tpu.memory_space<hbm>>) dst(%arg6 : memref<32x512xf32, #tpu.memory_space<vmem>>)
    %parallel_loop3A_63 = arith.constant 0 : i32
    %parallel_loop3A_64 = arith.constant 512 : i32
    %parallel_loop3A_65 = arith.constant 1 : i32
    scf.for %parallel_loop3A_291 = %parallel_loop3A_63 to %parallel_loop3A_64 step %parallel_loop3A_65  : i32 {
      %parallel_loop3A_292 = arith.constant 4 : i32
      %parallel_loop3A_293 = arith.shrsi %parallel_loop3A_291, %parallel_loop3A_292 : i32
      %parallel_loop3A_294 = arith.constant 15 : i32
      %parallel_loop3A_295 = arith.andi %parallel_loop3A_291, %parallel_loop3A_294 : i32
      %parallel_loop3A_296 = arith.constant 32 : i32
      %parallel_loop3A_297 = arith.muli %parallel_loop3A_295, %parallel_loop3A_296 : i32
      %parallel_loop3A_298 = vector.broadcast %parallel_loop3A_297 : i32 to vector<16xi32>
      %parallel_loop3A_299 = arith.addi %mul3A_5, %parallel_loop3A_298 : vector<16xi32>
      %parallel_loop3A_300 = vector.broadcast %parallel_loop3A_293 : i32 to vector<16xi32>
      %parallel_loop3A_301 = tpu.vector_load_idx %arg6[%parallel_loop3A_300, %parallel_loop3A_299] : memref<32x512xf32, #tpu.memory_space<vmem>>[vector<16xi32>, vector<16xi32>], vector<16xf32>,
      %parallel_loop3A_302 = arith.constant 0 : i32
      %parallel_loop3A_303 = arith.addi %parallel_loop3A_293, %parallel_loop3A_302 : i32
      %parallel_loop3A_304 = arith.constant 16 : i32
      %parallel_loop3A_305 = arith.muli %parallel_loop3A_295, %parallel_loop3A_304 : i32
      %parallel_loop3A_306 = arith.index_cast %parallel_loop3A_303 : i32 to index
      %parallel_loop3A_307 = arith.index_cast %parallel_loop3A_305 : i32 to index
      %parallel_loop3A_308 = tpu.vector_load %arg9[%parallel_loop3A_306, %parallel_loop3A_307] {strides = array<i32>} : memref<64x256xf32, #tpu.memory_space<vmem>>, vector<16xf32>,
      tpu.vector_store %arg9[%parallel_loop3A_306, %parallel_loop3A_307], %parallel_loop3A_301 {strides = array<i32>} : memref<64x256xf32, #tpu.memory_space<vmem>>, vector<16xf32>,
    } {sc.loop_unroll_factor = 8 : i64, sc.parallel_access}
    %add3A_66 = arith.constant 192 : i32
    %add3A_67 = arith.addi %mul3A_2, %add3A_66 : i32
    %dma_start3A_68 = arith.constant 0 : i32
    %dma_start3A_69 = tpu.memref_slice %arg2[%add3A_67, %dma_start3A_68] : memref<16384x512xf32, #tpu.memory_space<hbm>> -> memref<32x512xf32, #tpu.memory_space<hbm>>
    %dma_start3A_70 = arith.constant 0 : i32
    %dma_start3A_71 = tpu.memref_slice %arg2[%add3A_67, %dma_start3A_70] : memref<16384x512xf32, #tpu.memory_space<hbm>> -> memref<32x512xf32, #tpu.memory_space<hbm>>
    tpu.enqueue_dma source(%dma_start3A_71 : memref<32x512xf32, #tpu.memory_space<hbm>>) target(%arg6 : memref<32x512xf32, #tpu.memory_space<vmem>>) target_semaphore(%arg11 : memref<!tpu.dma_semaphore, #tpu.memory_space<semaphore_mem>>)
    %dma_wait3A_72 = arith.constant 0 : i32
    %dma_wait3A_73 = tpu.memref_slice %arg2[%add3A_24, %dma_wait3A_72] : memref<16384x512xf32, #tpu.memory_space<hbm>> -> memref<32x512xf32, #tpu.memory_space<hbm>>
    %dma_wait3A_74 = arith.constant 0 : i32
    %dma_wait3A_75 = tpu.memref_slice %arg2[%add3A_24, %dma_wait3A_74] : memref<16384x512xf32, #tpu.memory_space<hbm>> -> memref<32x512xf32, #tpu.memory_space<hbm>>
    tpu.wait_dma2 semaphore(%arg11 : memref<!tpu.dma_semaphore, #tpu.memory_space<semaphore_mem>>) src(%dma_wait3A_75 : memref<32x512xf32, #tpu.memory_space<hbm>>) dst(%arg7 : memref<32x512xf32, #tpu.memory_space<vmem>>)
    %parallel_loop3A_76 = arith.constant 0 : i32
    %parallel_loop3A_77 = arith.constant 512 : i32
    %parallel_loop3A_78 = arith.constant 1 : i32
    scf.for %parallel_loop3A_291 = %parallel_loop3A_76 to %parallel_loop3A_77 step %parallel_loop3A_78  : i32 {
      %parallel_loop3A_292 = arith.constant 4 : i32
      %parallel_loop3A_293 = arith.shrsi %parallel_loop3A_291, %parallel_loop3A_292 : i32
      %parallel_loop3A_294 = arith.constant 15 : i32
      %parallel_loop3A_295 = arith.andi %parallel_loop3A_291, %parallel_loop3A_294 : i32
      %parallel_loop3A_296 = arith.constant 32 : i32
      %parallel_loop3A_297 = arith.muli %parallel_loop3A_295, %parallel_loop3A_296 : i32
      %parallel_loop3A_298 = vector.broadcast %parallel_loop3A_297 : i32 to vector<16xi32>
      %parallel_loop3A_299 = arith.addi %mul3A_5, %parallel_loop3A_298 : vector<16xi32>
      %parallel_loop3A_300 = vector.broadcast %parallel_loop3A_293 : i32 to vector<16xi32>
      %parallel_loop3A_301 = tpu.vector_load_idx %arg7[%parallel_loop3A_300, %parallel_loop3A_299] : memref<32x512xf32, #tpu.memory_space<vmem>>[vector<16xi32>, vector<16xi32>], vector<16xf32>,
      %parallel_loop3A_302 = arith.constant 32 : i32
      %parallel_loop3A_303 = arith.addi %parallel_loop3A_293, %parallel_loop3A_302 : i32
      %parallel_loop3A_304 = arith.constant 16 : i32
      %parallel_loop3A_305 = arith.muli %parallel_loop3A_295, %parallel_loop3A_304 : i32
      %parallel_loop3A_306 = arith.index_cast %parallel_loop3A_303 : i32 to index
      %parallel_loop3A_307 = arith.index_cast %parallel_loop3A_305 : i32 to index
      %parallel_loop3A_308 = tpu.vector_load %arg9[%parallel_loop3A_306, %parallel_loop3A_307] {strides = array<i32>} : memref<64x256xf32, #tpu.memory_space<vmem>>, vector<16xf32>,
      tpu.vector_store %arg9[%parallel_loop3A_306, %parallel_loop3A_307], %parallel_loop3A_301 {strides = array<i32>} : memref<64x256xf32, #tpu.memory_space<vmem>>, vector<16xf32>,
    } {sc.loop_unroll_factor = 8 : i64, sc.parallel_access}
    %add3A_79 = arith.constant 64 : i32
    %add3A_80 = arith.addi %mul3A_2, %add3A_79 : i32
    %dma_start3A_81 = arith.constant 0 : i32
    %dma_start3A_82 = tpu.memref_slice %arg3[%add3A_80, %dma_start3A_81] : memref<16384x256xf32, #tpu.memory_space<hbm>> -> memref<64x256xf32, #tpu.memory_space<hbm>>
    %dma_start3A_83 = arith.constant 0 : i32
    %dma_start3A_84 = tpu.memref_slice %arg3[%add3A_80, %dma_start3A_83] : memref<16384x256xf32, #tpu.memory_space<hbm>> -> memref<64x256xf32, #tpu.memory_space<hbm>>
    tpu.enqueue_dma source(%arg9 : memref<64x256xf32, #tpu.memory_space<vmem>>) target(%dma_start3A_84 : memref<64x256xf32, #tpu.memory_space<hbm>>) target_semaphore(%arg12 : memref<!tpu.dma_semaphore, #tpu.memory_space<semaphore_mem>>)
    %add3A_85 = arith.constant 224 : i32
    %add3A_86 = arith.addi %mul3A_2, %add3A_85 : i32
    %dma_start3A_87 = arith.constant 0 : i32
    %dma_start3A_88 = tpu.memref_slice %arg2[%add3A_86, %dma_start3A_87] : memref<16384x512xf32, #tpu.memory_space<hbm>> -> memref<32x512xf32, #tpu.memory_space<hbm>>
    %dma_start3A_89 = arith.constant 0 : i32
    %dma_start3A_90 = tpu.memref_slice %arg2[%add3A_86, %dma_start3A_89] : memref<16384x512xf32, #tpu.memory_space<hbm>> -> memref<32x512xf32, #tpu.memory_space<hbm>>
    tpu.enqueue_dma source(%dma_start3A_90 : memref<32x512xf32, #tpu.memory_space<hbm>>) target(%arg7 : memref<32x512xf32, #tpu.memory_space<vmem>>) target_semaphore(%arg11 : memref<!tpu.dma_semaphore, #tpu.memory_space<semaphore_mem>>)
    %dma_wait3A_91 = arith.constant 0 : i32
    %dma_wait3A_92 = tpu.memref_slice %arg2[%add3A_35, %dma_wait3A_91] : memref<16384x512xf32, #tpu.memory_space<hbm>> -> memref<32x512xf32, #tpu.memory_space<hbm>>
    %dma_wait3A_93 = arith.constant 0 : i32
    %dma_wait3A_94 = tpu.memref_slice %arg2[%add3A_35, %dma_wait3A_93] : memref<16384x512xf32, #tpu.memory_space<hbm>> -> memref<32x512xf32, #tpu.memory_space<hbm>>
    tpu.wait_dma2 semaphore(%arg11 : memref<!tpu.dma_semaphore, #tpu.memory_space<semaphore_mem>>) src(%dma_wait3A_94 : memref<32x512xf32, #tpu.memory_space<hbm>>) dst(%arg4 : memref<32x512xf32, #tpu.memory_space<vmem>>)
    %parallel_loop3A_95 = arith.constant 0 : i32
    %parallel_loop3A_96 = arith.constant 512 : i32
    %parallel_loop3A_97 = arith.constant 1 : i32
    scf.for %parallel_loop3A_291 = %parallel_loop3A_95 to %parallel_loop3A_96 step %parallel_loop3A_97  : i32 {
      %parallel_loop3A_292 = arith.constant 4 : i32
      %parallel_loop3A_293 = arith.shrsi %parallel_loop3A_291, %parallel_loop3A_292 : i32
      %parallel_loop3A_294 = arith.constant 15 : i32
      %parallel_loop3A_295 = arith.andi %parallel_loop3A_291, %parallel_loop3A_294 : i32
      %parallel_loop3A_296 = arith.constant 32 : i32
      %parallel_loop3A_297 = arith.muli %parallel_loop3A_295, %parallel_loop3A_296 : i32
      %parallel_loop3A_298 = vector.broadcast %parallel_loop3A_297 : i32 to vector<16xi32>
      %parallel_loop3A_299 = arith.addi %mul3A_5, %parallel_loop3A_298 : vector<16xi32>
      %parallel_loop3A_300 = vector.broadcast %parallel_loop3A_293 : i32 to vector<16xi32>
      %parallel_loop3A_301 = tpu.vector_load_idx %arg4[%parallel_loop3A_300, %parallel_loop3A_299] : memref<32x512xf32, #tpu.memory_space<vmem>>[vector<16xi32>, vector<16xi32>], vector<16xf32>,
      %parallel_loop3A_302 = arith.constant 0 : i32
      %parallel_loop3A_303 = arith.addi %parallel_loop3A_293, %parallel_loop3A_302 : i32
      %parallel_loop3A_304 = arith.constant 16 : i32
      %parallel_loop3A_305 = arith.muli %parallel_loop3A_295, %parallel_loop3A_304 : i32
      %parallel_loop3A_306 = arith.index_cast %parallel_loop3A_303 : i32 to index
      %parallel_loop3A_307 = arith.index_cast %parallel_loop3A_305 : i32 to index
      %parallel_loop3A_308 = tpu.vector_load %arg10[%parallel_loop3A_306, %parallel_loop3A_307] {strides = array<i32>} : memref<64x256xf32, #tpu.memory_space<vmem>>, vector<16xf32>,
      tpu.vector_store %arg10[%parallel_loop3A_306, %parallel_loop3A_307], %parallel_loop3A_301 {strides = array<i32>} : memref<64x256xf32, #tpu.memory_space<vmem>>, vector<16xf32>,
    } {sc.loop_unroll_factor = 8 : i64, sc.parallel_access}
    %add3A_98 = arith.constant 256 : i32
    %add3A_99 = arith.addi %mul3A_2, %add3A_98 : i32
    %dma_start3A_100 = arith.constant 0 : i32
    %dma_start3A_101 = tpu.memref_slice %arg2[%add3A_99, %dma_start3A_100] : memref<16384x512xf32, #tpu.memory_space<hbm>> -> memref<32x512xf32, #tpu.memory_space<hbm>>
    %dma_start3A_102 = arith.constant 0 : i32
    %dma_start3A_103 = tpu.memref_slice %arg2[%add3A_99, %dma_start3A_102] : memref<16384x512xf32, #tpu.memory_space<hbm>> -> memref<32x512xf32, #tpu.memory_space<hbm>>
    tpu.enqueue_dma source(%dma_start3A_103 : memref<32x512xf32, #tpu.memory_space<hbm>>) target(%arg4 : memref<32x512xf32, #tpu.memory_space<vmem>>) target_semaphore(%arg11 : memref<!tpu.dma_semaphore, #tpu.memory_space<semaphore_mem>>)
    %dma_wait3A_104 = arith.constant 0 : i32
    %dma_wait3A_105 = tpu.memref_slice %arg2[%add3A_54, %dma_wait3A_104] : memref<16384x512xf32, #tpu.memory_space<hbm>> -> memref<32x512xf32, #tpu.memory_space<hbm>>
    %dma_wait3A_106 = arith.constant 0 : i32
    %dma_wait3A_107 = tpu.memref_slice %arg2[%add3A_54, %dma_wait3A_106] : memref<16384x512xf32, #tpu.memory_space<hbm>> -> memref<32x512xf32, #tpu.memory_space<hbm>>
    tpu.wait_dma2 semaphore(%arg11 : memref<!tpu.dma_semaphore, #tpu.memory_space<semaphore_mem>>) src(%dma_wait3A_107 : memref<32x512xf32, #tpu.memory_space<hbm>>) dst(%arg5 : memref<32x512xf32, #tpu.memory_space<vmem>>)
    %parallel_loop3A_108 = arith.constant 0 : i32
    %parallel_loop3A_109 = arith.constant 512 : i32
    %parallel_loop3A_110 = arith.constant 1 : i32
    scf.for %parallel_loop3A_291 = %parallel_loop3A_108 to %parallel_loop3A_109 step %parallel_loop3A_110  : i32 {
      %parallel_loop3A_292 = arith.constant 4 : i32
      %parallel_loop3A_293 = arith.shrsi %parallel_loop3A_291, %parallel_loop3A_292 : i32
      %parallel_loop3A_294 = arith.constant 15 : i32
      %parallel_loop3A_295 = arith.andi %parallel_loop3A_291, %parallel_loop3A_294 : i32
      %parallel_loop3A_296 = arith.constant 32 : i32
      %parallel_loop3A_297 = arith.muli %parallel_loop3A_295, %parallel_loop3A_296 : i32
      %parallel_loop3A_298 = vector.broadcast %parallel_loop3A_297 : i32 to vector<16xi32>
      %parallel_loop3A_299 = arith.addi %mul3A_5, %parallel_loop3A_298 : vector<16xi32>
      %parallel_loop3A_300 = vector.broadcast %parallel_loop3A_293 : i32 to vector<16xi32>
      %parallel_loop3A_301 = tpu.vector_load_idx %arg5[%parallel_loop3A_300, %parallel_loop3A_299] : memref<32x512xf32, #tpu.memory_space<vmem>>[vector<16xi32>, vector<16xi32>], vector<16xf32>,
      %parallel_loop3A_302 = arith.constant 32 : i32
      %parallel_loop3A_303 = arith.addi %parallel_loop3A_293, %parallel_loop3A_302 : i32
      %parallel_loop3A_304 = arith.constant 16 : i32
      %parallel_loop3A_305 = arith.muli %parallel_loop3A_295, %parallel_loop3A_304 : i32
      %parallel_loop3A_306 = arith.index_cast %parallel_loop3A_303 : i32 to index
      %parallel_loop3A_307 = arith.index_cast %parallel_loop3A_305 : i32 to index
      %parallel_loop3A_308 = tpu.vector_load %arg10[%parallel_loop3A_306, %parallel_loop3A_307] {strides = array<i32>} : memref<64x256xf32, #tpu.memory_space<vmem>>, vector<16xf32>,
      tpu.vector_store %arg10[%parallel_loop3A_306, %parallel_loop3A_307], %parallel_loop3A_301 {strides = array<i32>} : memref<64x256xf32, #tpu.memory_space<vmem>>, vector<16xf32>,
    } {sc.loop_unroll_factor = 8 : i64, sc.parallel_access}
    %add3A_111 = arith.constant 128 : i32
    %add3A_112 = arith.addi %mul3A_2, %add3A_111 : i32
    %dma_start3A_113 = arith.constant 0 : i32
    %dma_start3A_114 = tpu.memref_slice %arg3[%add3A_112, %dma_start3A_113] : memref<16384x256xf32, #tpu.memory_space<hbm>> -> memref<64x256xf32, #tpu.memory_space<hbm>>
    %dma_start3A_115 = arith.constant 0 : i32
    %dma_start3A_116 = tpu.memref_slice %arg3[%add3A_112, %dma_start3A_115] : memref<16384x256xf32, #tpu.memory_space<hbm>> -> memref<64x256xf32, #tpu.memory_space<hbm>>
    tpu.enqueue_dma source(%arg10 : memref<64x256xf32, #tpu.memory_space<vmem>>) target(%dma_start3A_116 : memref<64x256xf32, #tpu.memory_space<hbm>>) target_semaphore(%arg12 : memref<!tpu.dma_semaphore, #tpu.memory_space<semaphore_mem>>)
    %add3A_117 = arith.constant 288 : i32
    %add3A_118 = arith.addi %mul3A_2, %add3A_117 : i32
    %dma_start3A_119 = arith.constant 0 : i32
    %dma_start3A_120 = tpu.memref_slice %arg2[%add3A_118, %dma_start3A_119] : memref<16384x512xf32, #tpu.memory_space<hbm>> -> memref<32x512xf32, #tpu.memory_space<hbm>>
    %dma_start3A_121 = arith.constant 0 : i32
    %dma_start3A_122 = tpu.memref_slice %arg2[%add3A_118, %dma_start3A_121] : memref<16384x512xf32, #tpu.memory_space<hbm>> -> memref<32x512xf32, #tpu.memory_space<hbm>>
    tpu.enqueue_dma source(%dma_start3A_122 : memref<32x512xf32, #tpu.memory_space<hbm>>) target(%arg5 : memref<32x512xf32, #tpu.memory_space<vmem>>) target_semaphore(%arg11 : memref<!tpu.dma_semaphore, #tpu.memory_space<semaphore_mem>>)
    %dma_wait3A_123 = arith.constant 0 : i32
    %dma_wait3A_124 = tpu.memref_slice %arg2[%add3A_67, %dma_wait3A_123] : memref<16384x512xf32, #tpu.memory_space<hbm>> -> memref<32x512xf32, #tpu.memory_space<hbm>>
    %dma_wait3A_125 = arith.constant 0 : i32
    %dma_wait3A_126 = tpu.memref_slice %arg2[%add3A_67, %dma_wait3A_125] : memref<16384x512xf32, #tpu.memory_space<hbm>> -> memref<32x512xf32, #tpu.memory_space<hbm>>
    tpu.wait_dma2 semaphore(%arg11 : memref<!tpu.dma_semaphore, #tpu.memory_space<semaphore_mem>>) src(%dma_wait3A_126 : memref<32x512xf32, #tpu.memory_space<hbm>>) dst(%arg6 : memref<32x512xf32, #tpu.memory_space<vmem>>)
    %dma_wait3A_127 = arith.constant 0 : i32
    %dma_wait3A_128 = tpu.memref_slice %arg3[%add3A_48, %dma_wait3A_127] : memref<16384x256xf32, #tpu.memory_space<hbm>> -> memref<64x256xf32, #tpu.memory_space<hbm>>
    %dma_wait3A_129 = arith.constant 0 : i32
    %dma_wait3A_130 = tpu.memref_slice %arg3[%add3A_48, %dma_wait3A_129] : memref<16384x256xf32, #tpu.memory_space<hbm>> -> memref<64x256xf32, #tpu.memory_space<hbm>>
    tpu.wait_dma2 semaphore(%arg12 : memref<!tpu.dma_semaphore, #tpu.memory_space<semaphore_mem>>) src(%arg8 : memref<64x256xf32, #tpu.memory_space<vmem>>) dst(%dma_wait3A_130 : memref<64x256xf32, #tpu.memory_space<hbm>>)
    %parallel_loop3A_131 = arith.constant 0 : i32
    %parallel_loop3A_132 = arith.constant 512 : i32
    %parallel_loop3A_133 = arith.constant 1 : i32
    scf.for %parallel_loop3A_291 = %parallel_loop3A_131 to %parallel_loop3A_132 step %parallel_loop3A_133  : i32 {
      %parallel_loop3A_292 = arith.constant 4 : i32
      %parallel_loop3A_293 = arith.shrsi %parallel_loop3A_291, %parallel_loop3A_292 : i32
      %parallel_loop3A_294 = arith.constant 15 : i32
      %parallel_loop3A_295 = arith.andi %parallel_loop3A_291, %parallel_loop3A_294 : i32
      %parallel_loop3A_296 = arith.constant 32 : i32
      %parallel_loop3A_297 = arith.muli %parallel_loop3A_295, %parallel_loop3A_296 : i32
      %parallel_loop3A_298 = vector.broadcast %parallel_loop3A_297 : i32 to vector<16xi32>
      %parallel_loop3A_299 = arith.addi %mul3A_5, %parallel_loop3A_298 : vector<16xi32>
      %parallel_loop3A_300 = vector.broadcast %parallel_loop3A_293 : i32 to vector<16xi32>
      %parallel_loop3A_301 = tpu.vector_load_idx %arg6[%parallel_loop3A_300, %parallel_loop3A_299] : memref<32x512xf32, #tpu.memory_space<vmem>>[vector<16xi32>, vector<16xi32>], vector<16xf32>,
      %parallel_loop3A_302 = arith.constant 0 : i32
      %parallel_loop3A_303 = arith.addi %parallel_loop3A_293, %parallel_loop3A_302 : i32
      %parallel_loop3A_304 = arith.constant 16 : i32
      %parallel_loop3A_305 = arith.muli %parallel_loop3A_295, %parallel_loop3A_304 : i32
      %parallel_loop3A_306 = arith.index_cast %parallel_loop3A_303 : i32 to index
      %parallel_loop3A_307 = arith.index_cast %parallel_loop3A_305 : i32 to index
      %parallel_loop3A_308 = tpu.vector_load %arg8[%parallel_loop3A_306, %parallel_loop3A_307] {strides = array<i32>} : memref<64x256xf32, #tpu.memory_space<vmem>>, vector<16xf32>,
      tpu.vector_store %arg8[%parallel_loop3A_306, %parallel_loop3A_307], %parallel_loop3A_301 {strides = array<i32>} : memref<64x256xf32, #tpu.memory_space<vmem>>, vector<16xf32>,
    } {sc.loop_unroll_factor = 8 : i64, sc.parallel_access}
    %add3A_134 = arith.constant 320 : i32
    %add3A_135 = arith.addi %mul3A_2, %add3A_134 : i32
    %dma_start3A_136 = arith.constant 0 : i32
    %dma_start3A_137 = tpu.memref_slice %arg2[%add3A_135, %dma_start3A_136] : memref<16384x512xf32, #tpu.memory_space<hbm>> -> memref<32x512xf32, #tpu.memory_space<hbm>>
    %dma_start3A_138 = arith.constant 0 : i32
    %dma_start3A_139 = tpu.memref_slice %arg2[%add3A_135, %dma_start3A_138] : memref<16384x512xf32, #tpu.memory_space<hbm>> -> memref<32x512xf32, #tpu.memory_space<hbm>>
    tpu.enqueue_dma source(%dma_start3A_139 : memref<32x512xf32, #tpu.memory_space<hbm>>) target(%arg6 : memref<32x512xf32, #tpu.memory_space<vmem>>) target_semaphore(%arg11 : memref<!tpu.dma_semaphore, #tpu.memory_space<semaphore_mem>>)
    %dma_wait3A_140 = arith.constant 0 : i32
    %dma_wait3A_141 = tpu.memref_slice %arg2[%add3A_86, %dma_wait3A_140] : memref<16384x512xf32, #tpu.memory_space<hbm>> -> memref<32x512xf32, #tpu.memory_space<hbm>>
    %dma_wait3A_142 = arith.constant 0 : i32
    %dma_wait3A_143 = tpu.memref_slice %arg2[%add3A_86, %dma_wait3A_142] : memref<16384x512xf32, #tpu.memory_space<hbm>> -> memref<32x512xf32, #tpu.memory_space<hbm>>
    tpu.wait_dma2 semaphore(%arg11 : memref<!tpu.dma_semaphore, #tpu.memory_space<semaphore_mem>>) src(%dma_wait3A_143 : memref<32x512xf32, #tpu.memory_space<hbm>>) dst(%arg7 : memref<32x512xf32, #tpu.memory_space<vmem>>)
    %parallel_loop3A_144 = arith.constant 0 : i32
    %parallel_loop3A_145 = arith.constant 512 : i32
    %parallel_loop3A_146 = arith.constant 1 : i32
    scf.for %parallel_loop3A_291 = %parallel_loop3A_144 to %parallel_loop3A_145 step %parallel_loop3A_146  : i32 {
      %parallel_loop3A_292 = arith.constant 4 : i32
      %parallel_loop3A_293 = arith.shrsi %parallel_loop3A_291, %parallel_loop3A_292 : i32
      %parallel_loop3A_294 = arith.constant 15 : i32
      %parallel_loop3A_295 = arith.andi %parallel_loop3A_291, %parallel_loop3A_294 : i32
      %parallel_loop3A_296 = arith.constant 32 : i32
      %parallel_loop3A_297 = arith.muli %parallel_loop3A_295, %parallel_loop3A_296 : i32
      %parallel_loop3A_298 = vector.broadcast %parallel_loop3A_297 : i32 to vector<16xi32>
      %parallel_loop3A_299 = arith.addi %mul3A_5, %parallel_loop3A_298 : vector<16xi32>
      %parallel_loop3A_300 = vector.broadcast %parallel_loop3A_293 : i32 to vector<16xi32>
      %parallel_loop3A_301 = tpu.vector_load_idx %arg7[%parallel_loop3A_300, %parallel_loop3A_299] : memref<32x512xf32, #tpu.memory_space<vmem>>[vector<16xi32>, vector<16xi32>], vector<16xf32>,
      %parallel_loop3A_302 = arith.constant 32 : i32
      %parallel_loop3A_303 = arith.addi %parallel_loop3A_293, %parallel_loop3A_302 : i32
      %parallel_loop3A_304 = arith.constant 16 : i32
      %parallel_loop3A_305 = arith.muli %parallel_loop3A_295, %parallel_loop3A_304 : i32
      %parallel_loop3A_306 = arith.index_cast %parallel_loop3A_303 : i32 to index
      %parallel_loop3A_307 = arith.index_cast %parallel_loop3A_305 : i32 to index
      %parallel_loop3A_308 = tpu.vector_load %arg8[%parallel_loop3A_306, %parallel_loop3A_307] {strides = array<i32>} : memref<64x256xf32, #tpu.memory_space<vmem>>, vector<16xf32>,
      tpu.vector_store %arg8[%parallel_loop3A_306, %parallel_loop3A_307], %parallel_loop3A_301 {strides = array<i32>} : memref<64x256xf32, #tpu.memory_space<vmem>>, vector<16xf32>,
    } {sc.loop_unroll_factor = 8 : i64, sc.parallel_access}
    %add3A_147 = arith.constant 192 : i32
    %add3A_148 = arith.addi %mul3A_2, %add3A_147 : i32
    %dma_start3A_149 = arith.constant 0 : i32
    %dma_start3A_150 = tpu.memref_slice %arg3[%add3A_148, %dma_start3A_149] : memref<16384x256xf32, #tpu.memory_space<hbm>> -> memref<64x256xf32, #tpu.memory_space<hbm>>
    %dma_start3A_151 = arith.constant 0 : i32
    %dma_start3A_152 = tpu.memref_slice %arg3[%add3A_148, %dma_start3A_151] : memref<16384x256xf32, #tpu.memory_space<hbm>> -> memref<64x256xf32, #tpu.memory_space<hbm>>
    tpu.enqueue_dma source(%arg8 : memref<64x256xf32, #tpu.memory_space<vmem>>) target(%dma_start3A_152 : memref<64x256xf32, #tpu.memory_space<hbm>>) target_semaphore(%arg12 : memref<!tpu.dma_semaphore, #tpu.memory_space<semaphore_mem>>)
    %add3A_153 = arith.constant 352 : i32
    %add3A_154 = arith.addi %mul3A_2, %add3A_153 : i32
    %dma_start3A_155 = arith.constant 0 : i32
    %dma_start3A_156 = tpu.memref_slice %arg2[%add3A_154, %dma_start3A_155] : memref<16384x512xf32, #tpu.memory_space<hbm>> -> memref<32x512xf32, #tpu.memory_space<hbm>>
    %dma_start3A_157 = arith.constant 0 : i32
    %dma_start3A_158 = tpu.memref_slice %arg2[%add3A_154, %dma_start3A_157] : memref<16384x512xf32, #tpu.memory_space<hbm>> -> memref<32x512xf32, #tpu.memory_space<hbm>>
    tpu.enqueue_dma source(%dma_start3A_158 : memref<32x512xf32, #tpu.memory_space<hbm>>) target(%arg7 : memref<32x512xf32, #tpu.memory_space<vmem>>) target_semaphore(%arg11 : memref<!tpu.dma_semaphore, #tpu.memory_space<semaphore_mem>>)
    %dma_wait3A_159 = arith.constant 0 : i32
    %dma_wait3A_160 = tpu.memref_slice %arg2[%add3A_99, %dma_wait3A_159] : memref<16384x512xf32, #tpu.memory_space<hbm>> -> memref<32x512xf32, #tpu.memory_space<hbm>>
    %dma_wait3A_161 = arith.constant 0 : i32
    %dma_wait3A_162 = tpu.memref_slice %arg2[%add3A_99, %dma_wait3A_161] : memref<16384x512xf32, #tpu.memory_space<hbm>> -> memref<32x512xf32, #tpu.memory_space<hbm>>
    tpu.wait_dma2 semaphore(%arg11 : memref<!tpu.dma_semaphore, #tpu.memory_space<semaphore_mem>>) src(%dma_wait3A_162 : memref<32x512xf32, #tpu.memory_space<hbm>>) dst(%arg4 : memref<32x512xf32, #tpu.memory_space<vmem>>)
    %dma_wait3A_163 = arith.constant 0 : i32
    %dma_wait3A_164 = tpu.memref_slice %arg3[%add3A_80, %dma_wait3A_163] : memref<16384x256xf32, #tpu.memory_space<hbm>> -> memref<64x256xf32, #tpu.memory_space<hbm>>
    %dma_wait3A_165 = arith.constant 0 : i32
    %dma_wait3A_166 = tpu.memref_slice %arg3[%add3A_80, %dma_wait3A_165] : memref<16384x256xf32, #tpu.memory_space<hbm>> -> memref<64x256xf32, #tpu.memory_space<hbm>>
    tpu.wait_dma2 semaphore(%arg12 : memref<!tpu.dma_semaphore, #tpu.memory_space<semaphore_mem>>) src(%arg9 : memref<64x256xf32, #tpu.memory_space<vmem>>) dst(%dma_wait3A_166 : memref<64x256xf32, #tpu.memory_space<hbm>>)
    %parallel_loop3A_167 = arith.constant 0 : i32
    %parallel_loop3A_168 = arith.constant 512 : i32
    %parallel_loop3A_169 = arith.constant 1 : i32
    scf.for %parallel_loop3A_291 = %parallel_loop3A_167 to %parallel_loop3A_168 step %parallel_loop3A_169  : i32 {
      %parallel_loop3A_292 = arith.constant 4 : i32
      %parallel_loop3A_293 = arith.shrsi %parallel_loop3A_291, %parallel_loop3A_292 : i32
      %parallel_loop3A_294 = arith.constant 15 : i32
      %parallel_loop3A_295 = arith.andi %parallel_loop3A_291, %parallel_loop3A_294 : i32
      %parallel_loop3A_296 = arith.constant 32 : i32
      %parallel_loop3A_297 = arith.muli %parallel_loop3A_295, %parallel_loop3A_296 : i32
      %parallel_loop3A_298 = vector.broadcast %parallel_loop3A_297 : i32 to vector<16xi32>
      %parallel_loop3A_299 = arith.addi %mul3A_5, %parallel_loop3A_298 : vector<16xi32>
      %parallel_loop3A_300 = vector.broadcast %parallel_loop3A_293 : i32 to vector<16xi32>
      %parallel_loop3A_301 = tpu.vector_load_idx %arg4[%parallel_loop3A_300, %parallel_loop3A_299] : memref<32x512xf32, #tpu.memory_space<vmem>>[vector<16xi32>, vector<16xi32>], vector<16xf32>,
      %parallel_loop3A_302 = arith.constant 0 : i32
      %parallel_loop3A_303 = arith.addi %parallel_loop3A_293, %parallel_loop3A_302 : i32
      %parallel_loop3A_304 = arith.constant 16 : i32
      %parallel_loop3A_305 = arith.muli %parallel_loop3A_295, %parallel_loop3A_304 : i32
      %parallel_loop3A_306 = arith.index_cast %parallel_loop3A_303 : i32 to index
      %parallel_loop3A_307 = arith.index_cast %parallel_loop3A_305 : i32 to index
      %parallel_loop3A_308 = tpu.vector_load %arg9[%parallel_loop3A_306, %parallel_loop3A_307] {strides = array<i32>} : memref<64x256xf32, #tpu.memory_space<vmem>>, vector<16xf32>,
      tpu.vector_store %arg9[%parallel_loop3A_306, %parallel_loop3A_307], %parallel_loop3A_301 {strides = array<i32>} : memref<64x256xf32, #tpu.memory_space<vmem>>, vector<16xf32>,
    } {sc.loop_unroll_factor = 8 : i64, sc.parallel_access}
    %add3A_170 = arith.constant 384 : i32
    %add3A_171 = arith.addi %mul3A_2, %add3A_170 : i32
    %dma_start3A_172 = arith.constant 0 : i32
    %dma_start3A_173 = tpu.memref_slice %arg2[%add3A_171, %dma_start3A_172] : memref<16384x512xf32, #tpu.memory_space<hbm>> -> memref<32x512xf32, #tpu.memory_space<hbm>>
    %dma_start3A_174 = arith.constant 0 : i32
    %dma_start3A_175 = tpu.memref_slice %arg2[%add3A_171, %dma_start3A_174] : memref<16384x512xf32, #tpu.memory_space<hbm>> -> memref<32x512xf32, #tpu.memory_space<hbm>>
    tpu.enqueue_dma source(%dma_start3A_175 : memref<32x512xf32, #tpu.memory_space<hbm>>) target(%arg4 : memref<32x512xf32, #tpu.memory_space<vmem>>) target_semaphore(%arg11 : memref<!tpu.dma_semaphore, #tpu.memory_space<semaphore_mem>>)
    %dma_wait3A_176 = arith.constant 0 : i32
    %dma_wait3A_177 = tpu.memref_slice %arg2[%add3A_118, %dma_wait3A_176] : memref<16384x512xf32, #tpu.memory_space<hbm>> -> memref<32x512xf32, #tpu.memory_space<hbm>>
    %dma_wait3A_178 = arith.constant 0 : i32
    %dma_wait3A_179 = tpu.memref_slice %arg2[%add3A_118, %dma_wait3A_178] : memref<16384x512xf32, #tpu.memory_space<hbm>> -> memref<32x512xf32, #tpu.memory_space<hbm>>
    tpu.wait_dma2 semaphore(%arg11 : memref<!tpu.dma_semaphore, #tpu.memory_space<semaphore_mem>>) src(%dma_wait3A_179 : memref<32x512xf32, #tpu.memory_space<hbm>>) dst(%arg5 : memref<32x512xf32, #tpu.memory_space<vmem>>)
    %parallel_loop3A_180 = arith.constant 0 : i32
    %parallel_loop3A_181 = arith.constant 512 : i32
    %parallel_loop3A_182 = arith.constant 1 : i32
    scf.for %parallel_loop3A_291 = %parallel_loop3A_180 to %parallel_loop3A_181 step %parallel_loop3A_182  : i32 {
      %parallel_loop3A_292 = arith.constant 4 : i32
      %parallel_loop3A_293 = arith.shrsi %parallel_loop3A_291, %parallel_loop3A_292 : i32
      %parallel_loop3A_294 = arith.constant 15 : i32
      %parallel_loop3A_295 = arith.andi %parallel_loop3A_291, %parallel_loop3A_294 : i32
      %parallel_loop3A_296 = arith.constant 32 : i32
      %parallel_loop3A_297 = arith.muli %parallel_loop3A_295, %parallel_loop3A_296 : i32
      %parallel_loop3A_298 = vector.broadcast %parallel_loop3A_297 : i32 to vector<16xi32>
      %parallel_loop3A_299 = arith.addi %mul3A_5, %parallel_loop3A_298 : vector<16xi32>
      %parallel_loop3A_300 = vector.broadcast %parallel_loop3A_293 : i32 to vector<16xi32>
      %parallel_loop3A_301 = tpu.vector_load_idx %arg5[%parallel_loop3A_300, %parallel_loop3A_299] : memref<32x512xf32, #tpu.memory_space<vmem>>[vector<16xi32>, vector<16xi32>], vector<16xf32>,
      %parallel_loop3A_302 = arith.constant 32 : i32
      %parallel_loop3A_303 = arith.addi %parallel_loop3A_293, %parallel_loop3A_302 : i32
      %parallel_loop3A_304 = arith.constant 16 : i32
      %parallel_loop3A_305 = arith.muli %parallel_loop3A_295, %parallel_loop3A_304 : i32
      %parallel_loop3A_306 = arith.index_cast %parallel_loop3A_303 : i32 to index
      %parallel_loop3A_307 = arith.index_cast %parallel_loop3A_305 : i32 to index
      %parallel_loop3A_308 = tpu.vector_load %arg9[%parallel_loop3A_306, %parallel_loop3A_307] {strides = array<i32>} : memref<64x256xf32, #tpu.memory_space<vmem>>, vector<16xf32>,
      tpu.vector_store %arg9[%parallel_loop3A_306, %parallel_loop3A_307], %parallel_loop3A_301 {strides = array<i32>} : memref<64x256xf32, #tpu.memory_space<vmem>>, vector<16xf32>,
    } {sc.loop_unroll_factor = 8 : i64, sc.parallel_access}
    %add3A_183 = arith.constant 256 : i32
    %add3A_184 = arith.addi %mul3A_2, %add3A_183 : i32
    %dma_start3A_185 = arith.constant 0 : i32
    %dma_start3A_186 = tpu.memref_slice %arg3[%add3A_184, %dma_start3A_185] : memref<16384x256xf32, #tpu.memory_space<hbm>> -> memref<64x256xf32, #tpu.memory_space<hbm>>
    %dma_start3A_187 = arith.constant 0 : i32
    %dma_start3A_188 = tpu.memref_slice %arg3[%add3A_184, %dma_start3A_187] : memref<16384x256xf32, #tpu.memory_space<hbm>> -> memref<64x256xf32, #tpu.memory_space<hbm>>
    tpu.enqueue_dma source(%arg9 : memref<64x256xf32, #tpu.memory_space<vmem>>) target(%dma_start3A_188 : memref<64x256xf32, #tpu.memory_space<hbm>>) target_semaphore(%arg12 : memref<!tpu.dma_semaphore, #tpu.memory_space<semaphore_mem>>)
    %add3A_189 = arith.constant 416 : i32
    %add3A_190 = arith.addi %mul3A_2, %add3A_189 : i32
    %dma_start3A_191 = arith.constant 0 : i32
    %dma_start3A_192 = tpu.memref_slice %arg2[%add3A_190, %dma_start3A_191] : memref<16384x512xf32, #tpu.memory_space<hbm>> -> memref<32x512xf32, #tpu.memory_space<hbm>>
    %dma_start3A_193 = arith.constant 0 : i32
    %dma_start3A_194 = tpu.memref_slice %arg2[%add3A_190, %dma_start3A_193] : memref<16384x512xf32, #tpu.memory_space<hbm>> -> memref<32x512xf32, #tpu.memory_space<hbm>>
    tpu.enqueue_dma source(%dma_start3A_194 : memref<32x512xf32, #tpu.memory_space<hbm>>) target(%arg5 : memref<32x512xf32, #tpu.memory_space<vmem>>) target_semaphore(%arg11 : memref<!tpu.dma_semaphore, #tpu.memory_space<semaphore_mem>>)
    %dma_wait3A_195 = arith.constant 0 : i32
    %dma_wait3A_196 = tpu.memref_slice %arg2[%add3A_135, %dma_wait3A_195] : memref<16384x512xf32, #tpu.memory_space<hbm>> -> memref<32x512xf32, #tpu.memory_space<hbm>>
    %dma_wait3A_197 = arith.constant 0 : i32
    %dma_wait3A_198 = tpu.memref_slice %arg2[%add3A_135, %dma_wait3A_197] : memref<16384x512xf32, #tpu.memory_space<hbm>> -> memref<32x512xf32, #tpu.memory_space<hbm>>
    tpu.wait_dma2 semaphore(%arg11 : memref<!tpu.dma_semaphore, #tpu.memory_space<semaphore_mem>>) src(%dma_wait3A_198 : memref<32x512xf32, #tpu.memory_space<hbm>>) dst(%arg6 : memref<32x512xf32, #tpu.memory_space<vmem>>)
    %dma_wait3A_199 = arith.constant 0 : i32
    %dma_wait3A_200 = tpu.memref_slice %arg3[%add3A_112, %dma_wait3A_199] : memref<16384x256xf32, #tpu.memory_space<hbm>> -> memref<64x256xf32, #tpu.memory_space<hbm>>
    %dma_wait3A_201 = arith.constant 0 : i32
    %dma_wait3A_202 = tpu.memref_slice %arg3[%add3A_112, %dma_wait3A_201] : memref<16384x256xf32, #tpu.memory_space<hbm>> -> memref<64x256xf32, #tpu.memory_space<hbm>>
    tpu.wait_dma2 semaphore(%arg12 : memref<!tpu.dma_semaphore, #tpu.memory_space<semaphore_mem>>) src(%arg10 : memref<64x256xf32, #tpu.memory_space<vmem>>) dst(%dma_wait3A_202 : memref<64x256xf32, #tpu.memory_space<hbm>>)
    %parallel_loop3A_203 = arith.constant 0 : i32
    %parallel_loop3A_204 = arith.constant 512 : i32
    %parallel_loop3A_205 = arith.constant 1 : i32
    scf.for %parallel_loop3A_291 = %parallel_loop3A_203 to %parallel_loop3A_204 step %parallel_loop3A_205  : i32 {
      %parallel_loop3A_292 = arith.constant 4 : i32
      %parallel_loop3A_293 = arith.shrsi %parallel_loop3A_291, %parallel_loop3A_292 : i32
      %parallel_loop3A_294 = arith.constant 15 : i32
      %parallel_loop3A_295 = arith.andi %parallel_loop3A_291, %parallel_loop3A_294 : i32
      %parallel_loop3A_296 = arith.constant 32 : i32
      %parallel_loop3A_297 = arith.muli %parallel_loop3A_295, %parallel_loop3A_296 : i32
      %parallel_loop3A_298 = vector.broadcast %parallel_loop3A_297 : i32 to vector<16xi32>
      %parallel_loop3A_299 = arith.addi %mul3A_5, %parallel_loop3A_298 : vector<16xi32>
      %parallel_loop3A_300 = vector.broadcast %parallel_loop3A_293 : i32 to vector<16xi32>
      %parallel_loop3A_301 = tpu.vector_load_idx %arg6[%parallel_loop3A_300, %parallel_loop3A_299] : memref<32x512xf32, #tpu.memory_space<vmem>>[vector<16xi32>, vector<16xi32>], vector<16xf32>,
      %parallel_loop3A_302 = arith.constant 0 : i32
      %parallel_loop3A_303 = arith.addi %parallel_loop3A_293, %parallel_loop3A_302 : i32
      %parallel_loop3A_304 = arith.constant 16 : i32
      %parallel_loop3A_305 = arith.muli %parallel_loop3A_295, %parallel_loop3A_304 : i32
      %parallel_loop3A_306 = arith.index_cast %parallel_loop3A_303 : i32 to index
      %parallel_loop3A_307 = arith.index_cast %parallel_loop3A_305 : i32 to index
      %parallel_loop3A_308 = tpu.vector_load %arg10[%parallel_loop3A_306, %parallel_loop3A_307] {strides = array<i32>} : memref<64x256xf32, #tpu.memory_space<vmem>>, vector<16xf32>,
      tpu.vector_store %arg10[%parallel_loop3A_306, %parallel_loop3A_307], %parallel_loop3A_301 {strides = array<i32>} : memref<64x256xf32, #tpu.memory_space<vmem>>, vector<16xf32>,
    } {sc.loop_unroll_factor = 8 : i64, sc.parallel_access}
    %add3A_206 = arith.constant 448 : i32
    %add3A_207 = arith.addi %mul3A_2, %add3A_206 : i32
    %dma_start3A_208 = arith.constant 0 : i32
    %dma_start3A_209 = tpu.memref_slice %arg2[%add3A_207, %dma_start3A_208] : memref<16384x512xf32, #tpu.memory_space<hbm>> -> memref<32x512xf32, #tpu.memory_space<hbm>>
    %dma_start3A_210 = arith.constant 0 : i32
    %dma_start3A_211 = tpu.memref_slice %arg2[%add3A_207, %dma_start3A_210] : memref<16384x512xf32, #tpu.memory_space<hbm>> -> memref<32x512xf32, #tpu.memory_space<hbm>>
    tpu.enqueue_dma source(%dma_start3A_211 : memref<32x512xf32, #tpu.memory_space<hbm>>) target(%arg6 : memref<32x512xf32, #tpu.memory_space<vmem>>) target_semaphore(%arg11 : memref<!tpu.dma_semaphore, #tpu.memory_space<semaphore_mem>>)
    %dma_wait3A_212 = arith.constant 0 : i32
    %dma_wait3A_213 = tpu.memref_slice %arg2[%add3A_154, %dma_wait3A_212] : memref<16384x512xf32, #tpu.memory_space<hbm>> -> memref<32x512xf32, #tpu.memory_space<hbm>>
    %dma_wait3A_214 = arith.constant 0 : i32
    %dma_wait3A_215 = tpu.memref_slice %arg2[%add3A_154, %dma_wait3A_214] : memref<16384x512xf32, #tpu.memory_space<hbm>> -> memref<32x512xf32, #tpu.memory_space<hbm>>
    tpu.wait_dma2 semaphore(%arg11 : memref<!tpu.dma_semaphore, #tpu.memory_space<semaphore_mem>>) src(%dma_wait3A_215 : memref<32x512xf32, #tpu.memory_space<hbm>>) dst(%arg7 : memref<32x512xf32, #tpu.memory_space<vmem>>)
    %parallel_loop3A_216 = arith.constant 0 : i32
    %parallel_loop3A_217 = arith.constant 512 : i32
    %parallel_loop3A_218 = arith.constant 1 : i32
    scf.for %parallel_loop3A_291 = %parallel_loop3A_216 to %parallel_loop3A_217 step %parallel_loop3A_218  : i32 {
      %parallel_loop3A_292 = arith.constant 4 : i32
      %parallel_loop3A_293 = arith.shrsi %parallel_loop3A_291, %parallel_loop3A_292 : i32
      %parallel_loop3A_294 = arith.constant 15 : i32
      %parallel_loop3A_295 = arith.andi %parallel_loop3A_291, %parallel_loop3A_294 : i32
      %parallel_loop3A_296 = arith.constant 32 : i32
      %parallel_loop3A_297 = arith.muli %parallel_loop3A_295, %parallel_loop3A_296 : i32
      %parallel_loop3A_298 = vector.broadcast %parallel_loop3A_297 : i32 to vector<16xi32>
      %parallel_loop3A_299 = arith.addi %mul3A_5, %parallel_loop3A_298 : vector<16xi32>
      %parallel_loop3A_300 = vector.broadcast %parallel_loop3A_293 : i32 to vector<16xi32>
      %parallel_loop3A_301 = tpu.vector_load_idx %arg7[%parallel_loop3A_300, %parallel_loop3A_299] : memref<32x512xf32, #tpu.memory_space<vmem>>[vector<16xi32>, vector<16xi32>], vector<16xf32>,
      %parallel_loop3A_302 = arith.constant 32 : i32
      %parallel_loop3A_303 = arith.addi %parallel_loop3A_293, %parallel_loop3A_302 : i32
      %parallel_loop3A_304 = arith.constant 16 : i32
      %parallel_loop3A_305 = arith.muli %parallel_loop3A_295, %parallel_loop3A_304 : i32
      %parallel_loop3A_306 = arith.index_cast %parallel_loop3A_303 : i32 to index
      %parallel_loop3A_307 = arith.index_cast %parallel_loop3A_305 : i32 to index
      %parallel_loop3A_308 = tpu.vector_load %arg10[%parallel_loop3A_306, %parallel_loop3A_307] {strides = array<i32>} : memref<64x256xf32, #tpu.memory_space<vmem>>, vector<16xf32>,
      tpu.vector_store %arg10[%parallel_loop3A_306, %parallel_loop3A_307], %parallel_loop3A_301 {strides = array<i32>} : memref<64x256xf32, #tpu.memory_space<vmem>>, vector<16xf32>,
    } {sc.loop_unroll_factor = 8 : i64, sc.parallel_access}
    %add3A_219 = arith.constant 320 : i32
    %add3A_220 = arith.addi %mul3A_2, %add3A_219 : i32
    %dma_start3A_221 = arith.constant 0 : i32
    %dma_start3A_222 = tpu.memref_slice %arg3[%add3A_220, %dma_start3A_221] : memref<16384x256xf32, #tpu.memory_space<hbm>> -> memref<64x256xf32, #tpu.memory_space<hbm>>
    %dma_start3A_223 = arith.constant 0 : i32
    %dma_start3A_224 = tpu.memref_slice %arg3[%add3A_220, %dma_start3A_223] : memref<16384x256xf32, #tpu.memory_space<hbm>> -> memref<64x256xf32, #tpu.memory_space<hbm>>
    tpu.enqueue_dma source(%arg10 : memref<64x256xf32, #tpu.memory_space<vmem>>) target(%dma_start3A_224 : memref<64x256xf32, #tpu.memory_space<hbm>>) target_semaphore(%arg12 : memref<!tpu.dma_semaphore, #tpu.memory_space<semaphore_mem>>)
    %add3A_225 = arith.constant 480 : i32
    %add3A_226 = arith.addi %mul3A_2, %add3A_225 : i32
    %dma_start3A_227 = arith.constant 0 : i32
    %dma_start3A_228 = tpu.memref_slice %arg2[%add3A_226, %dma_start3A_227] : memref<16384x512xf32, #tpu.memory_space<hbm>> -> memref<32x512xf32, #tpu.memory_space<hbm>>
    %dma_start3A_229 = arith.constant 0 : i32
    %dma_start3A_230 = tpu.memref_slice %arg2[%add3A_226, %dma_start3A_229] : memref<16384x512xf32, #tpu.memory_space<hbm>> -> memref<32x512xf32, #tpu.memory_space<hbm>>
    tpu.enqueue_dma source(%dma_start3A_230 : memref<32x512xf32, #tpu.memory_space<hbm>>) target(%arg7 : memref<32x512xf32, #tpu.memory_space<vmem>>) target_semaphore(%arg11 : memref<!tpu.dma_semaphore, #tpu.memory_space<semaphore_mem>>)
    %dma_wait3A_231 = arith.constant 0 : i32
    %dma_wait3A_232 = tpu.memref_slice %arg2[%add3A_171, %dma_wait3A_231] : memref<16384x512xf32, #tpu.memory_space<hbm>> -> memref<32x512xf32, #tpu.memory_space<hbm>>
    %dma_wait3A_233 = arith.constant 0 : i32
    %dma_wait3A_234 = tpu.memref_slice %arg2[%add3A_171, %dma_wait3A_233] : memref<16384x512xf32, #tpu.memory_space<hbm>> -> memref<32x512xf32, #tpu.memory_space<hbm>>
    tpu.wait_dma2 semaphore(%arg11 : memref<!tpu.dma_semaphore, #tpu.memory_space<semaphore_mem>>) src(%dma_wait3A_234 : memref<32x512xf32, #tpu.memory_space<hbm>>) dst(%arg4 : memref<32x512xf32, #tpu.memory_space<vmem>>)
    %dma_wait3A_235 = arith.constant 0 : i32
    %dma_wait3A_236 = tpu.memref_slice %arg3[%add3A_148, %dma_wait3A_235] : memref<16384x256xf32, #tpu.memory_space<hbm>> -> memref<64x256xf32, #tpu.memory_space<hbm>>
    %dma_wait3A_237 = arith.constant 0 : i32
    %dma_wait3A_238 = tpu.memref_slice %arg3[%add3A_148, %dma_wait3A_237] : memref<16384x256xf32, #tpu.memory_space<hbm>> -> memref<64x256xf32, #tpu.memory_space<hbm>>
    tpu.wait_dma2 semaphore(%arg12 : memref<!tpu.dma_semaphore, #tpu.memory_space<semaphore_mem>>) src(%arg8 : memref<64x256xf32, #tpu.memory_space<vmem>>) dst(%dma_wait3A_238 : memref<64x256xf32, #tpu.memory_space<hbm>>)
    %parallel_loop3A_239 = arith.constant 0 : i32
    %parallel_loop3A_240 = arith.constant 512 : i32
    %parallel_loop3A_241 = arith.constant 1 : i32
    scf.for %parallel_loop3A_291 = %parallel_loop3A_239 to %parallel_loop3A_240 step %parallel_loop3A_241  : i32 {
      %parallel_loop3A_292 = arith.constant 4 : i32
      %parallel_loop3A_293 = arith.shrsi %parallel_loop3A_291, %parallel_loop3A_292 : i32
      %parallel_loop3A_294 = arith.constant 15 : i32
      %parallel_loop3A_295 = arith.andi %parallel_loop3A_291, %parallel_loop3A_294 : i32
      %parallel_loop3A_296 = arith.constant 32 : i32
      %parallel_loop3A_297 = arith.muli %parallel_loop3A_295, %parallel_loop3A_296 : i32
      %parallel_loop3A_298 = vector.broadcast %parallel_loop3A_297 : i32 to vector<16xi32>
      %parallel_loop3A_299 = arith.addi %mul3A_5, %parallel_loop3A_298 : vector<16xi32>
      %parallel_loop3A_300 = vector.broadcast %parallel_loop3A_293 : i32 to vector<16xi32>
      %parallel_loop3A_301 = tpu.vector_load_idx %arg4[%parallel_loop3A_300, %parallel_loop3A_299] : memref<32x512xf32, #tpu.memory_space<vmem>>[vector<16xi32>, vector<16xi32>], vector<16xf32>,
      %parallel_loop3A_302 = arith.constant 0 : i32
      %parallel_loop3A_303 = arith.addi %parallel_loop3A_293, %parallel_loop3A_302 : i32
      %parallel_loop3A_304 = arith.constant 16 : i32
      %parallel_loop3A_305 = arith.muli %parallel_loop3A_295, %parallel_loop3A_304 : i32
      %parallel_loop3A_306 = arith.index_cast %parallel_loop3A_303 : i32 to index
      %parallel_loop3A_307 = arith.index_cast %parallel_loop3A_305 : i32 to index
      %parallel_loop3A_308 = tpu.vector_load %arg8[%parallel_loop3A_306, %parallel_loop3A_307] {strides = array<i32>} : memref<64x256xf32, #tpu.memory_space<vmem>>, vector<16xf32>,
      tpu.vector_store %arg8[%parallel_loop3A_306, %parallel_loop3A_307], %parallel_loop3A_301 {strides = array<i32>} : memref<64x256xf32, #tpu.memory_space<vmem>>, vector<16xf32>,
    } {sc.loop_unroll_factor = 8 : i64, sc.parallel_access}
    %dma_wait3A_242 = arith.constant 0 : i32
    %dma_wait3A_243 = tpu.memref_slice %arg2[%add3A_190, %dma_wait3A_242] : memref<16384x512xf32, #tpu.memory_space<hbm>> -> memref<32x512xf32, #tpu.memory_space<hbm>>
    %dma_wait3A_244 = arith.constant 0 : i32
    %dma_wait3A_245 = tpu.memref_slice %arg2[%add3A_190, %dma_wait3A_244] : memref<16384x512xf32, #tpu.memory_space<hbm>> -> memref<32x512xf32, #tpu.memory_space<hbm>>
    tpu.wait_dma2 semaphore(%arg11 : memref<!tpu.dma_semaphore, #tpu.memory_space<semaphore_mem>>) src(%dma_wait3A_245 : memref<32x512xf32, #tpu.memory_space<hbm>>) dst(%arg5 : memref<32x512xf32, #tpu.memory_space<vmem>>)
    %parallel_loop3A_246 = arith.constant 0 : i32
    %parallel_loop3A_247 = arith.constant 512 : i32
    %parallel_loop3A_248 = arith.constant 1 : i32
    scf.for %parallel_loop3A_291 = %parallel_loop3A_246 to %parallel_loop3A_247 step %parallel_loop3A_248  : i32 {
      %parallel_loop3A_292 = arith.constant 4 : i32
      %parallel_loop3A_293 = arith.shrsi %parallel_loop3A_291, %parallel_loop3A_292 : i32
      %parallel_loop3A_294 = arith.constant 15 : i32
      %parallel_loop3A_295 = arith.andi %parallel_loop3A_291, %parallel_loop3A_294 : i32
      %parallel_loop3A_296 = arith.constant 32 : i32
      %parallel_loop3A_297 = arith.muli %parallel_loop3A_295, %parallel_loop3A_296 : i32
      %parallel_loop3A_298 = vector.broadcast %parallel_loop3A_297 : i32 to vector<16xi32>
      %parallel_loop3A_299 = arith.addi %mul3A_5, %parallel_loop3A_298 : vector<16xi32>
      %parallel_loop3A_300 = vector.broadcast %parallel_loop3A_293 : i32 to vector<16xi32>
      %parallel_loop3A_301 = tpu.vector_load_idx %arg5[%parallel_loop3A_300, %parallel_loop3A_299] : memref<32x512xf32, #tpu.memory_space<vmem>>[vector<16xi32>, vector<16xi32>], vector<16xf32>,
      %parallel_loop3A_302 = arith.constant 32 : i32
      %parallel_loop3A_303 = arith.addi %parallel_loop3A_293, %parallel_loop3A_302 : i32
      %parallel_loop3A_304 = arith.constant 16 : i32
      %parallel_loop3A_305 = arith.muli %parallel_loop3A_295, %parallel_loop3A_304 : i32
      %parallel_loop3A_306 = arith.index_cast %parallel_loop3A_303 : i32 to index
      %parallel_loop3A_307 = arith.index_cast %parallel_loop3A_305 : i32 to index
      %parallel_loop3A_308 = tpu.vector_load %arg8[%parallel_loop3A_306, %parallel_loop3A_307] {strides = array<i32>} : memref<64x256xf32, #tpu.memory_space<vmem>>, vector<16xf32>,
      tpu.vector_store %arg8[%parallel_loop3A_306, %parallel_loop3A_307], %parallel_loop3A_301 {strides = array<i32>} : memref<64x256xf32, #tpu.memory_space<vmem>>, vector<16xf32>,
    } {sc.loop_unroll_factor = 8 : i64, sc.parallel_access}
    %add3A_249 = arith.constant 384 : i32
    %add3A_250 = arith.addi %mul3A_2, %add3A_249 : i32
    %dma_start3A_251 = arith.constant 0 : i32
    %dma_start3A_252 = tpu.memref_slice %arg3[%add3A_250, %dma_start3A_251] : memref<16384x256xf32, #tpu.memory_space<hbm>> -> memref<64x256xf32, #tpu.memory_space<hbm>>
    %dma_start3A_253 = arith.constant 0 : i32
    %dma_start3A_254 = tpu.memref_slice %arg3[%add3A_250, %dma_start3A_253] : memref<16384x256xf32, #tpu.memory_space<hbm>> -> memref<64x256xf32, #tpu.memory_space<hbm>>
    tpu.enqueue_dma source(%arg8 : memref<64x256xf32, #tpu.memory_space<vmem>>) target(%dma_start3A_254 : memref<64x256xf32, #tpu.memory_space<hbm>>) target_semaphore(%arg12 : memref<!tpu.dma_semaphore, #tpu.memory_space<semaphore_mem>>)
    %dma_wait3A_255 = arith.constant 0 : i32
    %dma_wait3A_256 = tpu.memref_slice %arg2[%add3A_207, %dma_wait3A_255] : memref<16384x512xf32, #tpu.memory_space<hbm>> -> memref<32x512xf32, #tpu.memory_space<hbm>>
    %dma_wait3A_257 = arith.constant 0 : i32
    %dma_wait3A_258 = tpu.memref_slice %arg2[%add3A_207, %dma_wait3A_257] : memref<16384x512xf32, #tpu.memory_space<hbm>> -> memref<32x512xf32, #tpu.memory_space<hbm>>
    tpu.wait_dma2 semaphore(%arg11 : memref<!tpu.dma_semaphore, #tpu.memory_space<semaphore_mem>>) src(%dma_wait3A_258 : memref<32x512xf32, #tpu.memory_space<hbm>>) dst(%arg6 : memref<32x512xf32, #tpu.memory_space<vmem>>)
    %dma_wait3A_259 = arith.constant 0 : i32
    %dma_wait3A_260 = tpu.memref_slice %arg3[%add3A_184, %dma_wait3A_259] : memref<16384x256xf32, #tpu.memory_space<hbm>> -> memref<64x256xf32, #tpu.memory_space<hbm>>
    %dma_wait3A_261 = arith.constant 0 : i32
    %dma_wait3A_262 = tpu.memref_slice %arg3[%add3A_184, %dma_wait3A_261] : memref<16384x256xf32, #tpu.memory_space<hbm>> -> memref<64x256xf32, #tpu.memory_space<hbm>>
    tpu.wait_dma2 semaphore(%arg12 : memref<!tpu.dma_semaphore, #tpu.memory_space<semaphore_mem>>) src(%arg9 : memref<64x256xf32, #tpu.memory_space<vmem>>) dst(%dma_wait3A_262 : memref<64x256xf32, #tpu.memory_space<hbm>>)
    %parallel_loop3A_263 = arith.constant 0 : i32
    %parallel_loop3A_264 = arith.constant 512 : i32
    %parallel_loop3A_265 = arith.constant 1 : i32
    scf.for %parallel_loop3A_291 = %parallel_loop3A_263 to %parallel_loop3A_264 step %parallel_loop3A_265  : i32 {
      %parallel_loop3A_292 = arith.constant 4 : i32
      %parallel_loop3A_293 = arith.shrsi %parallel_loop3A_291, %parallel_loop3A_292 : i32
      %parallel_loop3A_294 = arith.constant 15 : i32
      %parallel_loop3A_295 = arith.andi %parallel_loop3A_291, %parallel_loop3A_294 : i32
      %parallel_loop3A_296 = arith.constant 32 : i32
      %parallel_loop3A_297 = arith.muli %parallel_loop3A_295, %parallel_loop3A_296 : i32
      %parallel_loop3A_298 = vector.broadcast %parallel_loop3A_297 : i32 to vector<16xi32>
      %parallel_loop3A_299 = arith.addi %mul3A_5, %parallel_loop3A_298 : vector<16xi32>
      %parallel_loop3A_300 = vector.broadcast %parallel_loop3A_293 : i32 to vector<16xi32>
      %parallel_loop3A_301 = tpu.vector_load_idx %arg6[%parallel_loop3A_300, %parallel_loop3A_299] : memref<32x512xf32, #tpu.memory_space<vmem>>[vector<16xi32>, vector<16xi32>], vector<16xf32>,
      %parallel_loop3A_302 = arith.constant 0 : i32
      %parallel_loop3A_303 = arith.addi %parallel_loop3A_293, %parallel_loop3A_302 : i32
      %parallel_loop3A_304 = arith.constant 16 : i32
      %parallel_loop3A_305 = arith.muli %parallel_loop3A_295, %parallel_loop3A_304 : i32
      %parallel_loop3A_306 = arith.index_cast %parallel_loop3A_303 : i32 to index
      %parallel_loop3A_307 = arith.index_cast %parallel_loop3A_305 : i32 to index
      %parallel_loop3A_308 = tpu.vector_load %arg9[%parallel_loop3A_306, %parallel_loop3A_307] {strides = array<i32>} : memref<64x256xf32, #tpu.memory_space<vmem>>, vector<16xf32>,
      tpu.vector_store %arg9[%parallel_loop3A_306, %parallel_loop3A_307], %parallel_loop3A_301 {strides = array<i32>} : memref<64x256xf32, #tpu.memory_space<vmem>>, vector<16xf32>,
    } {sc.loop_unroll_factor = 8 : i64, sc.parallel_access}
    %dma_wait3A_266 = arith.constant 0 : i32
    %dma_wait3A_267 = tpu.memref_slice %arg2[%add3A_226, %dma_wait3A_266] : memref<16384x512xf32, #tpu.memory_space<hbm>> -> memref<32x512xf32, #tpu.memory_space<hbm>>
    %dma_wait3A_268 = arith.constant 0 : i32
    %dma_wait3A_269 = tpu.memref_slice %arg2[%add3A_226, %dma_wait3A_268] : memref<16384x512xf32, #tpu.memory_space<hbm>> -> memref<32x512xf32, #tpu.memory_space<hbm>>
    tpu.wait_dma2 semaphore(%arg11 : memref<!tpu.dma_semaphore, #tpu.memory_space<semaphore_mem>>) src(%dma_wait3A_269 : memref<32x512xf32, #tpu.memory_space<hbm>>) dst(%arg7 : memref<32x512xf32, #tpu.memory_space<vmem>>)
    %parallel_loop3A_270 = arith.constant 0 : i32
    %parallel_loop3A_271 = arith.constant 512 : i32
    %parallel_loop3A_272 = arith.constant 1 : i32
    scf.for %parallel_loop3A_291 = %parallel_loop3A_270 to %parallel_loop3A_271 step %parallel_loop3A_272  : i32 {
      %parallel_loop3A_292 = arith.constant 4 : i32
      %parallel_loop3A_293 = arith.shrsi %parallel_loop3A_291, %parallel_loop3A_292 : i32
      %parallel_loop3A_294 = arith.constant 15 : i32
      %parallel_loop3A_295 = arith.andi %parallel_loop3A_291, %parallel_loop3A_294 : i32
      %parallel_loop3A_296 = arith.constant 32 : i32
      %parallel_loop3A_297 = arith.muli %parallel_loop3A_295, %parallel_loop3A_296 : i32
      %parallel_loop3A_298 = vector.broadcast %parallel_loop3A_297 : i32 to vector<16xi32>
      %parallel_loop3A_299 = arith.addi %mul3A_5, %parallel_loop3A_298 : vector<16xi32>
      %parallel_loop3A_300 = vector.broadcast %parallel_loop3A_293 : i32 to vector<16xi32>
      %parallel_loop3A_301 = tpu.vector_load_idx %arg7[%parallel_loop3A_300, %parallel_loop3A_299] : memref<32x512xf32, #tpu.memory_space<vmem>>[vector<16xi32>, vector<16xi32>], vector<16xf32>,
      %parallel_loop3A_302 = arith.constant 32 : i32
      %parallel_loop3A_303 = arith.addi %parallel_loop3A_293, %parallel_loop3A_302 : i32
      %parallel_loop3A_304 = arith.constant 16 : i32
      %parallel_loop3A_305 = arith.muli %parallel_loop3A_295, %parallel_loop3A_304 : i32
      %parallel_loop3A_306 = arith.index_cast %parallel_loop3A_303 : i32 to index
      %parallel_loop3A_307 = arith.index_cast %parallel_loop3A_305 : i32 to index
      %parallel_loop3A_308 = tpu.vector_load %arg9[%parallel_loop3A_306, %parallel_loop3A_307] {strides = array<i32>} : memref<64x256xf32, #tpu.memory_space<vmem>>, vector<16xf32>,
      tpu.vector_store %arg9[%parallel_loop3A_306, %parallel_loop3A_307], %parallel_loop3A_301 {strides = array<i32>} : memref<64x256xf32, #tpu.memory_space<vmem>>, vector<16xf32>,
    } {sc.loop_unroll_factor = 8 : i64, sc.parallel_access}
    %add3A_273 = arith.constant 448 : i32
    %add3A_274 = arith.addi %mul3A_2, %add3A_273 : i32
    %dma_start3A_275 = arith.constant 0 : i32
    %dma_start3A_276 = tpu.memref_slice %arg3[%add3A_274, %dma_start3A_275] : memref<16384x256xf32, #tpu.memory_space<hbm>> -> memref<64x256xf32, #tpu.memory_space<hbm>>
    %dma_start3A_277 = arith.constant 0 : i32
    %dma_start3A_278 = tpu.memref_slice %arg3[%add3A_274, %dma_start3A_277] : memref<16384x256xf32, #tpu.memory_space<hbm>> -> memref<64x256xf32, #tpu.memory_space<hbm>>
    tpu.enqueue_dma source(%arg9 : memref<64x256xf32, #tpu.memory_space<vmem>>) target(%dma_start3A_278 : memref<64x256xf32, #tpu.memory_space<hbm>>) target_semaphore(%arg12 : memref<!tpu.dma_semaphore, #tpu.memory_space<semaphore_mem>>)
    %dma_wait3A_279 = arith.constant 0 : i32
    %dma_wait3A_280 = tpu.memref_slice %arg3[%add3A_250, %dma_wait3A_279] : memref<16384x256xf32, #tpu.memory_space<hbm>> -> memref<64x256xf32, #tpu.memory_space<hbm>>
    %dma_wait3A_281 = arith.constant 0 : i32
    %dma_wait3A_282 = tpu.memref_slice %arg3[%add3A_250, %dma_wait3A_281] : memref<16384x256xf32, #tpu.memory_space<hbm>> -> memref<64x256xf32, #tpu.memory_space<hbm>>
    tpu.wait_dma2 semaphore(%arg12 : memref<!tpu.dma_semaphore, #tpu.memory_space<semaphore_mem>>) src(%arg8 : memref<64x256xf32, #tpu.memory_space<vmem>>) dst(%dma_wait3A_282 : memref<64x256xf32, #tpu.memory_space<hbm>>)
    %dma_wait3A_283 = arith.constant 0 : i32
    %dma_wait3A_284 = tpu.memref_slice %arg3[%add3A_274, %dma_wait3A_283] : memref<16384x256xf32, #tpu.memory_space<hbm>> -> memref<64x256xf32, #tpu.memory_space<hbm>>
    %dma_wait3A_285 = arith.constant 0 : i32
    %dma_wait3A_286 = tpu.memref_slice %arg3[%add3A_274, %dma_wait3A_285] : memref<16384x256xf32, #tpu.memory_space<hbm>> -> memref<64x256xf32, #tpu.memory_space<hbm>>
    tpu.wait_dma2 semaphore(%arg12 : memref<!tpu.dma_semaphore, #tpu.memory_space<semaphore_mem>>) src(%arg9 : memref<64x256xf32, #tpu.memory_space<vmem>>) dst(%dma_wait3A_286 : memref<64x256xf32, #tpu.memory_space<hbm>>)
    %dma_wait3A_287 = arith.constant 0 : i32
    %dma_wait3A_288 = tpu.memref_slice %arg3[%add3A_220, %dma_wait3A_287] : memref<16384x256xf32, #tpu.memory_space<hbm>> -> memref<64x256xf32, #tpu.memory_space<hbm>>
    %dma_wait3A_289 = arith.constant 0 : i32
    %dma_wait3A_290 = tpu.memref_slice %arg3[%add3A_220, %dma_wait3A_289] : memref<16384x256xf32, #tpu.memory_space<hbm>> -> memref<64x256xf32, #tpu.memory_space<hbm>>
    tpu.wait_dma2 semaphore(%arg12 : memref<!tpu.dma_semaphore, #tpu.memory_space<semaphore_mem>>) src(%arg10 : memref<64x256xf32, #tpu.memory_space<vmem>>) dst(%dma_wait3A_290 : memref<64x256xf32, #tpu.memory_space<hbm>>)
    return
  }
}

</mosaic_0001>

<sc_bundles>
// kernel: kernel.3.cloned.1.call-start
scs
__scs_entry_jumppad:
0x0: {  	(pc) =	sbr.rel $0x88, $3  }
0x1: {  	(tag) =	ssettag $0x0;
	lr =	simm.s32 $0x1  }
0x2: {  	[smem:$0x3FA0] =	sst lr;
	_ =	strace $0xD0000000  }
0x3: {  	_ = 	snop  }
0x4: {  	_ = 	snop  }
0x5: {  	_ = 	snop  }
0x6: {  	_ = 	snop  }
0x7: {  	_ = 	snop  }
__scs_overlays_trampoline_lowered:
0x8: {  	[smem:$0x3FAF] =	sst s0  }
0x9: {  	[smem:$0x3FB0] =	sst s1  }
0xa: {  	[smem:$0x3FB1] =	sst s2  }
0xb: {  	[smem:$0x3FB2] =	sst s3  }
0xc: {  	[smem:$0x3FB3] =	sst s4  }
0xd: {  	[smem:$0x3FB4] =	sst s5  }
0xe: {  	[smem:$0x3FB5] =	sst s6  }
0xf: {  	[smem:$0x3FB6] =	sst s7  }
0x10: {  	[smem:$0x3FB7] =	sst s8  }
0x11: {  	[smem:$0x3FB8] =	sst s9;
	s0 =	simm.s32 @!p0 $0x0  }
0x12: {  	s1 =	sld [smem:$0x3F9E];
	s0 =	simm.s32 @p0 $0x1  }
0x13: {  	[smem:$0x3FB9] =	sst s0;
	s0 =	simm.s32 @!p1 $0x0  }
0x14: {  	s2 =	sld [smem:$0x3F9D];
	s0 =	simm.s32 @p1 $0x1  }
0x15: {  	[smem:$0x3FBA] =	sst s0;
	s0 =	simm.s32 @!p2 $0x0  }
0x16: {  	s3 =	sld [smem:$0x3FDB];
	s0 =	simm.s32 @p2 $0x1  }
0x17: {  	s4 =	simm.s32 $0x1BF5;
	[smem:$0x3FBC] =	sst s0  }
0x18: {  	s0 =	sld [smem:$0x3F9F];
	_ =	swait.ge [sflag:s4], $0x0  }
0x19: {  	s7 =	sld [smem:$0x3FA0]  }
0x1a: {  	s8 =	sadd.s32 $0xFFFFE003, lr  }
0x1b: {  	s9 =	sadd.s32 $0xFFFFFEF7, lr;
	s5 =	simm.s32 $0xFFFFFFFF;
	p2 =	slt.u32 s8, $0xFFFFF086  }
0x1c: {  	p1 =	slt.u32 s9, $0xF7A;
	s5 =	simm.s32 @!p2 $0x0  }
0x1d: {  	s5 =	simm.s32 @p1 $0x1;
	p0 =	seq.s32 s7, s2  }
0x1e: {  	s7 =	smul.u32 @!p0 $0xF7A, s2;
	p2 =	seq.s32 @!p0 s5, $0x0  }
0x1f: {  	s9 =	smul.u32 $0xF7A, s1;
	s8 =	simm.s32 @!p0 $0x1BF5;
	p2 =	por !p2, p0  }
0x20: {  	[sflag:s8] =	ssyncset.s32 @!p0 $0xFFFFF086;
	s6 =	sadd.s32 @!p0 s3, s7;
	s7 =	simm.s32 @!p0 $0x108  }
0x21: {  	s3 =	sadd.s32 s3, s9;
	s6 =	sadd.s32 @!p0 $0x88, s6;
	s7 =	simm.s32 @p2 $0x1082  }
0x22: {  	[simem:s7], [sflag:s8] =	dma.local @!p0 [hbm:s6], $0xF7A  }
0x23: {  	s9 =	sor.u32 $0xD0000000, s2;
	s6 =	simm.s32 $0x108;
	_ =	swait.ge @!p0 [sflag:s8], $0x0  }
0x24: {  	s3 =	sadd.s32 $0x88, s3;
	s6 =	simm.s32 @!p1 $0x1082;
	[sflag:s4] =	ssyncset.s32 $0xFFFFF086  }
0x25: {  	[simem:s6], [sflag:s4] =	dma.local [hbm:s3], $0xF7A  }
0x26: {  	[smem:$0x3FA0] =	sst s1;
	(tag) =	ssettag s2;
	_ =	strace s9  }
0x27: {  	s1 =	sld [smem:$0x3FB0]  }
0x28: {  	s2 =	sld [smem:$0x3FB1]  }
0x29: {  	s4 =	sld [smem:$0x3FB3]  }
0x2a: {  	p0 =	seq.s32 s5, $0x0;
	s5 =	sld [smem:$0x3FB4]  }
0x2b: {  	s6 =	sld [smem:$0x3FB5]  }
0x2c: {  	s7 =	sld [smem:$0x3FB6]  }
0x2d: {  	s3 =	simm.s32 $0x108;
	s8 =	sld [smem:$0x3FB7]  }
0x2e: {  	s3 =	simm.s32 @!p0 $0x1082;
	s9 =	sld [smem:$0x3FB8]  }
0x2f: {  	lr =	sadd.s32 s0, s3;
	s0 =	sld [smem:$0x3FAF]  }
0x30: {  	s3 =	sld [smem:$0x3FB2]  }
0x31: {  	[smem:$0x3FBB] =	sst s10  }
0x32: {  	s10 =	sld [smem:$0x3FB9];
	_ =	sdelay $0x3  }
0x33: {  	p0 =	seq.s32 s10, $0x1;
	s10 =	sld [smem:$0x3FBB];
	_ =	sdelay $0x3  }
0x34: {  	[smem:$0x3FBB] =	sst s10  }
0x35: {  	s10 =	sld [smem:$0x3FBA];
	_ =	sdelay $0x3  }
0x36: {  	p1 =	seq.s32 s10, $0x1;
	s10 =	sld [smem:$0x3FBB];
	_ =	sdelay $0x3  }
0x37: {  	[smem:$0x3FBB] =	sst s10  }
0x38: {  	s10 =	sld [smem:$0x3FBC]  }
0x39: {  	_ = 	snop;
	(pc) =	sbr.ind lr, $3  }
0x3a: {  	_ = 	snop  }
0x3b: {  	_ = 	snop  }
0x3c: {  	p2 =	seq.s32 s10, $0x1;
	s10 =	sld [smem:$0x3FBB]  }
0x3d: {  	_ =	shalt  }
0x3e: {  	_ =	shalt  }
0x3f: {  	_ =	shalt  }
0x40: {  	_ =	shalt  }
0x41: {  	_ =	shalt  }
0x42: {  	_ =	shalt  }
0x43: {  	_ =	shalt  }
0x44: {  	_ =	shalt  }
0x45: {  	_ =	shalt  }
0x46: {  	_ =	shalt  }
0x47: {  	_ =	shalt  }
0x48: {  	_ =	shalt  }
0x49: {  	_ =	shalt  }
0x4a: {  	_ =	shalt  }
0x4b: {  	_ =	shalt  }
0x4c: {  	_ =	shalt  }
0x4d: {  	_ =	shalt  }
0x4e: {  	_ =	shalt  }
0x4f: {  	_ =	shalt  }
0x50: {  	_ =	shalt  }
0x51: {  	_ =	shalt  }
0x52: {  	_ =	shalt  }
0x53: {  	_ =	shalt  }
0x54: {  	_ =	shalt  }
0x55: {  	_ =	shalt  }
0x56: {  	_ =	shalt  }
0x57: {  	_ =	shalt  }
0x58: {  	_ =	shalt  }
0x59: {  	_ =	shalt  }
0x5a: {  	_ =	shalt  }
0x5b: {  	_ =	shalt  }
0x5c: {  	_ =	shalt  }
0x5d: {  	_ =	shalt  }
0x5e: {  	_ =	shalt  }
0x5f: {  	_ =	shalt  }
0x60: {  	_ =	shalt  }
0x61: {  	_ =	shalt  }
0x62: {  	_ =	shalt  }
0x63: {  	_ =	shalt  }
0x64: {  	_ =	shalt  }
0x65: {  	_ =	shalt  }
0x66: {  	_ =	shalt  }
0x67: {  	_ =	shalt  }
0x68: {  	_ =	shalt  }
0x69: {  	_ =	shalt  }
0x6a: {  	_ =	shalt  }
0x6b: {  	_ =	shalt  }
0x6c: {  	_ =	shalt  }
0x6d: {  	_ =	shalt  }
0x6e: {  	_ =	shalt  }
0x6f: {  	_ =	shalt  }
0x70: {  	_ =	shalt  }
0x71: {  	_ =	shalt  }
0x72: {  	_ =	shalt  }
0x73: {  	_ =	shalt  }
0x74: {  	_ =	shalt  }
0x75: {  	_ =	shalt  }
0x76: {  	_ =	shalt  }
0x77: {  	_ =	shalt  }
0x78: {  	_ =	shalt  }
0x79: {  	_ =	shalt  }
0x7a: {  	_ =	shalt  }
0x7b: {  	_ =	shalt  }
0x7c: {  	_ =	shalt  }
0x7d: {  	_ =	shalt  }
0x7e: {  	_ =	shalt  }
0x7f: {  	_ =	shalt  }
0x80: {  	_ =	shalt  }
0x81: {  	_ =	shalt  }
0x82: {  	_ =	shalt  }
0x83: {  	_ =	shalt  }
0x84: {  	_ =	shalt  }
0x85: {  	_ =	shalt  }
0x86: {  	_ =	shalt  }
0x87: {  	_ =	shalt  }
.Lfunc_end0:
.L_simem_size_0:
called_computation_lowered:
.L_overlay_start_0:
0x88: {  	s2 =	sld [smem:$0x3FD9]  }
0x89: {  	s3 =	sld [smem:$0x3FFE];
	_ =	sdelay $0x1  }
0x8a: {  	s1 =	srdreg.scid  }
0x8b: {  	s0 =	sand.u32 $0x1, s1  }
0x8c: {  	s18 =	sshll.u32 s0, $0xA;
	s2 =	sadd.s32 s3, s2  }
0x8d: {  	s2 =	sadd.s32 s2, s18  }
0x8e: {  	[smem:$0x3FC7] =	sst s2  }
0x8f: {  	_ = 	snop  }
0x90: {  	s2 =	sld [smem:$0x3FC9]  }
0x91: {  	s19 =	sld [smem:$0x3FD0];
	(tm) =	ssettm $0x1  }
0x92: {  	s4 =	sld [smem:$0x3FFB];
	_ =	sdelay $0x3  }
0x93: {  	_ =	strace s4  }
0x94: {  	s4 =	sld [smem:$0x3FFC];
	_ =	sdelay $0x3  }
0x95: {  	_ =	strace s4  }
0x96: {  	s4 =	sld [smem:$0x3FFD];
	_ =	sdelay $0x3  }
0x97: {  	_ =	strace s4  }
0x98: {  	_ =	strace $0x8FFFFFFF  }
0x99: {  	s20 =	sld [smem:$0x3FDB];
	_ =	sdelay $0x1  }
0x9a: {  	s5 =	simm.s32 $_scs_section_size  }
0x9b: {  	s6 =	simm.s32 $_size__tile_overlayer_lowered;
	s7 =	simm.s32 $_tile_overlayer_lowered  }
0x9c: {  	s23 =	simm.s32 $0x1BFF;
	s22 =	sshll.u32 s7, $0x1;
	s4 =	sadd.s32 s5, s20  }
0x9d: {  	s8 =	simm.s32 $0x0;
	s21 =	sshll.u32 s6, $0x1;
	s6 =	sadd.s32 s22, s4  }
0x9e: {  	[timem:s8], [sflag:s23] =	dma.local [hbm:s6], s21  }
0x9f: {  	_ =	swait.ge [sflag:s23], s21  }
0xa0: {  	s5 =	ssub.s32 $0x0, s21;
	[sflag:s23] =	ssyncset.done $0x0  }
0xa1: {  	[sflag:s23] =	ssyncadd.s32 s5;
	_ =	sdelay $0x1  }
0xa2: {  	s24 =	simm.s32 $0x1B8B  }
0xa3: {  	_ =	swait.ge [sflag:s24], $0x1  }
0xa4: {  	[sflag:s24] =	ssyncset.done $0x0  }
0xa5: {  	s25 =	simm.s32 $0x1B8E;
	[sflag:s24] =	ssyncadd.s32 $0xFFFFFFFF  }
0xa6: {  	s26 =	simm.s32 $execute0_lowered;
	[smem:$0x3FD2] =	sst s25  }
0xa7: {  	s5 =	sshll.u32 s26, $0x1;
	_ =	strace $0x80000046;
	[dreg:$0x1] =	wrdreg $0xFFFFFFFF  }
0xa8: {  	s28 =	simm.s32 $_size_execute0_lowered;
	s4 =	sadd.s32 s4, s5;
	[dreg:$0x0] =	wrdreg $0x0  }
0xa9: {  	s5 =	sshll.u32 s28, $0x1;
	[dreg:$0x2] =	wrdreg s4  }
0xaa: {  	[dreg:$0x3] =	wrdreg s5  }
0xab: {  	[dreg:$0x4] =	wrdreg $0xC0  }
0xac: {  	_ =	task [dreg:s8], $0x5FFFF  }
0xad: {  	[dreg:$0x1] =	wrdreg $0xFFFFFFFF  }
0xae: {  	[dreg:$0x0] =	wrdreg $0x60  }
0xaf: {  	[dreg:$0x2] =	wrdreg s2  }
0xb0: {  	[dreg:$0x3] =	wrdreg s19  }
0xb1: {  	[dreg:$0x4] =	wrdreg $0x9  }
0xb2: {  	_ =	task.clear_ibuf [dreg:s8], $0x5FFFF;
	_ =	strace $0x90000046  }
0xb3: {  	s29 =	simm.s32 $0x9;
	_ =	strace $0x80000048  }
0xb4: {  	_ =	swait.ge [sflag:s29], $0x1  }
0xb5: {  	[sflag:s29] =	ssyncadd.s32 $0xFFFFFFFF  }
0xb6: {  	_ =	strace $0x90000048  }
0xb7: {  	_ =	sfence  }
0xb8: {  	s30 =	sld [smem:$0x0];
	_ =	sdelay $0x2  }
0xb9: {  	s31 =	sshll.u32 s1, $0xD;
	s1 =	sshrl.u32 s1, $0x2  }
0xba: {  	s3 =	sand.u32 $0x4000, s31;
	s1 =	sadd.s32 s1, s30  }
0xbb: {  	s0 =	sor.u32 s3, s0;
	s1 =	sshll.u32 s1, $0x11  }
0xbc: {  	s0 =	sor.u32 s1, s0  }
0xbd: {  	s0 =	sadd.s32 $0x8F2B, s0  }
0xbe: {  	[sflag:s0] =	ssyncadd.remote.s32 $0x1  }
0xbf: {  	_ =	sfence.sel $0xFFFF  }
0xc0: {  	[dreg:$0x0] =	wrdreg $0xFFFFFFFF;
	(pc) =	sbr.abs _section_cstart, $3  }
0xc1: {  	[dreg:$0x1] =	wrdreg $0xFFFFFFFF  }
0xc2: {  	_ =	task.clear_ibuf [dreg:s8], $0x2FFFF;
	_ =	strace $0x9FFFFFFF  }
0xc3: {  	(tm) =	ssettm $0x7FFFFFFF  }
tec
execute0_lowered:
.L_overlay_start_1:
0x0: {  	(tag) =	ssettag $0x1  }
0x1: {  	s0 =	rddreg [dreg:$0x0]  }
0x2: {  	s1 =	rddreg [dreg:$0x1];
	s3 =	srdreg.scid;
	s2 =	simm.s32 $0x0  }
0x3: {  	s4 =	stileid.u32;
	s29 =	simm.s32 $0x4000;
	s30 =	simm.s32 $0x8000  }
0x4: {  	s31 =	simm.s32 $0xC000;
	s3 =	sand.u32 $0x1, s3;
	[smem:$0x7FF] =	sst s2  }
0x5: {  	s4 =	sshll.u32 s4, $0xA;
	s5 =	sshll.u32 s3, $0x9;
	s3 =	ssub.s32 $0x2, s3  }
0x6: {  	_ =	strace $0x80000047;
	s4 =	sor.u32 s5, s4;
	s16 =	sshrl.u32 s3, $0x1  }
0x7: {  	s6 =	sshll.u32 s4, $0x6;
	s7 =	sshrl.u32 s4, $0x3;
	s5 =	ssub.s32 s3, s16  }
0x8: {  	s4 =	sshll.u32 s4, $0x5;
	s3 =	sadd.s32 s0, s6;
	s17 =	sor.u32 $0x8, s7  }
0x9: {  	s9 =	sor.u32 $0x10, s7;
	s21 =	sor.u32 $0x18, s7;
	s4 =	sadd.s32 s1, s4  }
0xa: {  	s26 =	sor.u32 $0x20, s7;
	s13 =	sor.u32 $0x28, s7;
	s14 =	sor.u32 $0x30, s7  }
0xb: {  	s7 =	sor.u32 $0x38, s7;
	s8 =	sadd.s32 $0x800, s3;
	s18 =	sshll.u32 s17, $0x9  }
0xc: {  	s19 =	sadd.s32 $0x1800, s3;
	s20 =	sshll.u32 s9, $0x9;
	[dreg:$0x7] =	wrdreg s4  }
0xd: {  	s23 =	sadd.s32 $0x2800, s3;
	s24 =	sshll.u32 s21, $0x9;
	s25 =	sshll.u32 s17, $0x8  }
0xe: {  	s11 =	sshll.u32 s26, $0x9;
	s9 =	sshll.u32 s9, $0x8;
	s10 =	sadd.s32 $0x3800, s3  }
0xf: {  	s22 =	sshll.u32 s13, $0x9;
	s6 =	sshll.u32 s26, $0x8;
	[dreg:$0x3] =	wrdreg s8  }
0x10: {  	s26 =	sshll.u32 s7, $0x8;
	s28 =	sadd.s32 $0x7800, s3;
	[dreg:$0x5] =	wrdreg s19  }
0x11: {  	s8 =	sadd.s32 s0, s18;
	[dreg:$0x8] =	wrdreg s23;
	s4 =	sadd.s32 s0, s24  }
0x12: {  	[dreg:$0xb] =	wrdreg s10;
	s12 =	sadd.s32 s1, s9;
	s15 =	sadd.s32 s0, s22  }
0x13: {  	s18 =	sadd.s32 $0x4800, s3;
	s23 =	sshll.u32 s21, $0x8;
	[dreg:$0x4] =	wrdreg s8  }
0x14: {  	s24 =	sshll.u32 s13, $0x8;
	s8 =	sadd.s32 s0, s20;
	[dreg:$0x9] =	wrdreg s4  }
0x15: {  	s4 =	sadd.s32 s1, s25;
	[dreg:$0xd] =	wrdreg s12;
	s12 =	sshll.u32 s7, $0x9  }
0x16: {  	s19 =	sadd.s32 s1, s23;
	s20 =	sadd.s32 s1, s6;
	s21 =	sadd.s32 s1, s24  }
0x17: {  	s25 =	sshll.u32 s14, $0x8;
	s23 =	sadd.s32 s1, s26;
	s24 =	sadd.s32 $0x5800, s3  }
0x18: {  	s26 =	sadd.s32 $0x6800, s3;
	s6 =	simm.s32 $0x0;
	[dreg:$0x6] =	wrdreg s8  }
0x19: {  	v0 =	vlaneseq.u32;
	[dreg:$0xa] =	wrdreg s4;
	s4 =	sadd.s32 s0, s11;
	s11 =	sshll.u32 s14, $0x9  }
0x1a: {  	v1 =	vimm.s32 $0x0;
	vm0 =	vcmask $0x300;
	v0 =	vmul.u32 $0x2, v0;
	s17 =	sadd.s32 s0, s12;
	s22 =	sadd.s32 s1, s25;
	s25 =	smax.u32 s5, $0x1  }
0x1b: {  	v1 =	vsel vm0, $0xA, v1;
	s1 =	simm.s32 $0x10000;
	s5 =	simm.s32 $0x2;
	[dreg:$0xc] =	wrdreg s4  }
0x1c: {  	v2 =	vor.u32 $0x20, v0;
	v3 =	vor.u32 $0x40, v0;
	v4 =	vor.u32 $0x60, v0;
	s16 =	sadd.s32 s0, s11;
	s0 =	simm.s32 $0x1;
	s4 =	simm.s32 $0x14000  }
.LBB2_1:
0x1d: {  	[tilespmem:s2], [sflag:$0x1] =	stream.linear.gather [hbm4b:s3+s2], $0x4000, $0x38;
	[tilespmem:$0x1C000] =	vst v63  }
0x1e: {  	s7 =	simm.s32 $0x0  }
0x1f: {  	s7 =	sand.u32 $0x8, s7  }
0x20: {  	s8 =	sshll.u32 s7, $0x5  }
0x21: {  	s11 =	simm.s32 $0x0;
	v5 =	vmov s8;
	s8 =	sor.u32 $0x80, s8  }
0x22: {  	s13 =	simm.s32 $0x8;
	v7 =	vmov s11;
	v6 =	vmov s8  }
0x23: {  	s9 =	rddreg [dreg:$0x3];
	s10 =	sand.u32 $0x8, s13;
	v9 =	vshll.u32 v7, $0x9;
	v6 =	vshrl.u32 v6, $0x7  }
0x24: {  	[tilespmem:s29], [sflag:$0x1] =	stream.linear.gather [hbm4b:s9+s2], $0x4000, $0x38;
	v7 =	vshll.u32 v7, $0x7;
	v5 =	vshrl.u32 v5, $0x7;
	v6 =	vshll.u32 v6, v1;
	[tilespmem:$0x1C000] =	vst v63  }
0x25: {  	v9 =	vand.u32 $0x3000, v9;
	s8 =	sshll.u32 s10, $0x5;
	v5 =	vshll.u32 v5, v1;
	v6 =	vbroadcast v6, $0x0  }
0x26: {  	s12 =	rddreg [dreg:$0x4];
	v7 =	vand.u32 $0x380, v7;
	s14 =	sor.u32 $0x80, s8;
	v11 =	vmov s8;
	v8 =	vbroadcast v5, $0x0  }
0x27: {  	[tilespmem:s30], [sflag:$0x1] =	stream.linear.gather [hbm4b:s12+s2], $0x4000, $0x38;
	v5 =	vor.u32 v9, v5;
	v12 =	vmov s14;
	v6 =	vadd.s32 v9, v6;
	[tilespmem:$0x1C000] =	vst v63  }
0x28: {  	s11 =	rddreg [dreg:$0x5];
	v11 =	vshrl.u32 v11, $0x7;
	v8 =	vor.u32 v9, v8;
	v6 =	vor.u32 v7, v6  }
0x29: {  	[tilespmem:s31], [sflag:$0x1] =	stream.linear.gather [hbm4b:s11+s2], $0x4000, $0x38;
	v5 =	vor.u32 v7, v5;
	v7 =	vor.u32 v7, v8;
	v8 =	vor.u32 v4, v6;
	[tilespmem:$0x1C000] =	vst v63  }
0x2a: {  	s11 =	simm.s32 $0x0;
	v12 =	vshrl.u32 v12, $0x7;
	v5 =	vbroadcast v5, $0x0;
	v9 =	vor.u32 v0, v6  }
0x2b: {  	_ =	swait.ge [sflag:s0], $0x4000;
	v14 =	vmov s11;
	v11 =	vshll.u32 v11, v1;
	v10 =	vor.u32 v2, v6  }
0x2c: {  	[sflag:s0] =	ssyncset.done $0x0;
	v12 =	vshll.u32 v12, v1;
	v16 =	vshll.u32 v14, $0x9;
	v5 =	vor.u32 v0, v5  }
0x2d: {  	v14 =	vshll.u32 v14, $0x7;
	[sflag:s0] =	ssyncadd.s32 $0xFFFFC000;
	v12 =	vbroadcast v12, $0x0;
	v13 =	vor.u32 v2, v7  }
0x2e: {  	v17 =	vbroadcast v11, $0x0;
	v16 =	vand.u32 $0x3000, v16;
	v6 =	vor.u32 v3, v6;
	v8 =	vld.idx.msk [tilespmem:v8+s2+$0x0], $0xffff  }
0x2f: {  	s7 =	sshll.u32 s7, $0x7;
	s12 =	simm.s32 $0x0;
	v14 =	vand.u32 $0x380, v14;
	v15 =	vor.u32 v3, v7;
	v12 =	vadd.s32 v16, v12;
	v9 =	vld.idx.msk [tilespmem:v9+s2+$0x0], $0xffff  }
0x30: {  	s13 =	sand.u32 $0x1800, s12;
	s8 =	simm.s32 $0x10;
	s14 =	simm.s32 $0x0;
	v18 =	vor.u32 v4, v7;
	v7 =	vor.u32 v16, v11;
	v11 =	vor.u32 v14, v12;
	v10 =	vld.idx.msk [tilespmem:v10+s2+$0x0], $0xffff  }
0x31: {  	s9 =	sor.u32 s7, s13;
	s7 =	sand.u32 $0x8, s8;
	s11 =	sand.u32 $0x380, s14;
	v7 =	vor.u32 v14, v7;
	v12 =	vor.u32 v16, v17;
	v16 =	vor.u32 v4, v11;
	v17 =	vld.idx.msk [tilespmem:v5+s2+$0x0], $0xffff  }
0x32: {  	s12 =	sshll.u32 s7, $0x5;
	s9 =	sor.u32 s11, s9;
	v14 =	vor.u32 v14, v12;
	v19 =	vor.u32 v0, v11;
	v20 =	vor.u32 v2, v11;
	v13 =	vld.idx.msk [tilespmem:v13+s2+$0x0], $0xffff  }
0x33: {  	s11 =	sor.u32 $0x80, s12;
	v21 =	vor.u32 v3, v11;
	v11 =	vmov s12;
	v5 =	vbroadcast v7, $0x0;
	v6 =	vld.idx.msk [tilespmem:v6+s2+$0x0], $0xffff;
	[tilespmem:s9+$0x10070] =	vst v8  }
0x34: {  	v12 =	vmov s11;
	v11 =	vshrl.u32 v11, $0x7;
	v7 =	vor.u32 v2, v14;
	v22 =	vld.idx.msk [tilespmem:v15+s2+$0x0], $0xffff;
	[tilespmem:s9+$0x10040] =	vst v9  }
0x35: {  	s13 =	simm.s32 $0x1;
	v8 =	vor.u32 v0, v5;
	v5 =	vor.u32 v3, v14;
	v9 =	vld.idx.msk [tilespmem:v18+s2+$0x0], $0xffff;
	[tilespmem:s9+$0x10050] =	vst v10;
	v10 =	vshrl.u32 v12, $0x7  }
0x36: {  	[tilespmem:s9+$0x10000] =	vst v17;
	v18 =	vshll.u32 v11, v1;
	v11 =	vmov s13;
	v12 =	vld.idx.msk [tilespmem:v16+s2+$0x0], $0xffff;
	v10 =	vshll.u32 v10, v1  }
0x37: {  	s14 =	simm.s32 $0x80;
	[tilespmem:s9+$0x10010] =	vst v13;
	v15 =	vshll.u32 v11, $0x9;
	v13 =	vshll.u32 v11, $0x7;
	v11 =	vld.idx.msk [tilespmem:v20+s2+$0x0], $0xffff;
	v23 =	vbroadcast v10, $0x0  }
0x38: {  	s11 =	sand.u32 $0x1800, s14;
	[tilespmem:s9+$0x10060] =	vst v6;
	v6 =	vor.u32 v4, v14;
	v14 =	vbroadcast v18, $0x0;
	v10 =	vld.idx.msk [tilespmem:v19+s2+$0x0], $0xffff;
	v16 =	vand.u32 $0x3000, v15  }
0x39: {  	s12 =	simm.s32 $0x40;
	s13 =	sshll.u32 s10, $0x7;
	[tilespmem:s9+$0x10020] =	vst v22;
	s10 =	simm.s32 $0x10;
	v15 =	vand.u32 $0x380, v13;
	v13 =	vld.idx.msk [tilespmem:v21+s2+$0x0], $0xffff;
	v17 =	vor.u32 v16, v18;
	v18 =	vadd.s32 v16, v23  }
.LBB2_2:
0x3a: {  	s8 =	sadd.s32 $0x8, s8;
	v17 =	vor.u32 v15, v17;
	v14 =	vor.u32 v16, v14;
	v16 =	vor.u32 v15, v18;
	v18 =	vld.idx.msk [tilespmem:v8+s2+$0x0], $0xffff;
	s12 =	sand.u32 $0x380, s12;
	s11 =	sor.u32 s13, s11  }
0x3b: {  	s13 =	sand.u32 $0x8, s8;
	p0 =	slt.u32 s8, $0x1F8;
	v8 =	vbroadcast v17, $0x0;
	v14 =	vor.u32 v15, v14;
	v15 =	vor.u32 v4, v16;
	v17 =	vld.idx.msk [tilespmem:v7+s2+$0x0], $0xffff;
	[tilespmem:s9+$0x10030] =	vst v9;
	s9 =	sor.u32 s12, s11  }
0x3c: {  	v19 =	vor.u32 v0, v16;
	v20 =	vor.u32 v2, v16;
	v21 =	vor.u32 v3, v16;
	s12 =	smov.u32 s10;
	s10 =	smov.u32 s8;
	s11 =	sshll.u32 s13, $0x5;
	[tilespmem:s9+$0x10070] =	vst v12  }
0x3d: {  	s14 =	smov.u32 s7;
	v7 =	vor.u32 v2, v14;
	s7 =	smov.u32 s13;
	v9 =	vmov s11;
	s11 =	sor.u32 $0x80, s11;
	v8 =	vor.u32 v0, v8;
	v22 =	vld.idx.msk [tilespmem:v5+s2+$0x0], $0xffff;
	[tilespmem:s9+$0x10040] =	vst v10  }
0x3e: {  	v5 =	vor.u32 v3, v14;
	v10 =	vshrl.u32 v9, $0x7;
	v12 =	vmov s11;
	v9 =	vld.idx.msk [tilespmem:v6+s2+$0x0], $0xffff;
	[tilespmem:s9+$0x10050] =	vst v11  }
.Ltmp0:
0x3f: {  	s11 =	sshrl.u32 s10, $0x4;
	v6 =	vor.u32 v4, v14;
	v23 =	vshll.u32 v10, v1;
	v10 =	vshrl.u32 v12, $0x7;
	[tilespmem:s9+$0x10060] =	vst v13;
	(pc) =	sbr.rel @p0 .LBB2_2-.Ltmp0, $4  }
0x40: {  	v11 =	vmov s11;
	v14 =	vbroadcast v23, $0x0;
	v10 =	vshll.u32 v10, v1;
	v12 =	vld.idx.msk [tilespmem:v15+s2+$0x0], $0xffff;
	[tilespmem:s9+$0x10000] =	vst v18  }
0x41: {  	v13 =	vshll.u32 v11, $0x9;
	v18 =	vbroadcast v10, $0x0;
	v10 =	vld.idx.msk [tilespmem:v19+s2+$0x0], $0xffff;
	[tilespmem:s9+$0x10010] =	vst v17  }
0x42: {  	s11 =	sshll.u32 s12, $0x4;
	v16 =	vand.u32 $0x3000, v13;
	v13 =	vshll.u32 v11, $0x7;
	v11 =	vld.idx.msk [tilespmem:v20+s2+$0x0], $0xffff  }
0x43: {  	s13 =	sshll.u32 s14, $0x7;
	s12 =	sshll.u32 s12, $0x3;
	s11 =	sand.u32 $0x1800, s11;
	v15 =	vand.u32 $0x380, v13;
	v17 =	vor.u32 v16, v23;
	v18 =	vadd.s32 v16, v18;
	v13 =	vld.idx.msk [tilespmem:v21+s2+$0x0], $0xffff;
	[tilespmem:s9+$0x10020] =	vst v22  }
0x44: {  	_ =	sdelay $0x1  }
0x45: {  	v18 =	vor.u32 v15, v18  }
0x46: {  	s8 =	sand.u32 $0x380, s12;
	s11 =	sor.u32 s13, s11;
	v19 =	vor.u32 v4, v18  }
0x47: {  	v17 =	vor.u32 v15, v17;
	v8 =	vld.idx.msk [tilespmem:v8+s2+$0x0], $0xffff;
	[tilespmem:s9+$0x10030] =	vst v9;
	s8 =	sor.u32 s8, s11;
	v9 =	vor.u32 v0, v18  }
0x48: {  	v7 =	vld.idx.msk [tilespmem:v7+s2+$0x0], $0xffff;
	v17 =	vbroadcast v17, $0x0;
	v20 =	vor.u32 v2, v18;
	[tilespmem:s8+$0x10070] =	vst v12  }
0x49: {  	v5 =	vld.idx.msk [tilespmem:v5+s2+$0x0], $0xffff;
	v12 =	vor.u32 v16, v14;
	v14 =	vor.u32 v3, v18;
	[tilespmem:s8+$0x10040] =	vst v10  }
0x4a: {  	v6 =	vld.idx.msk [tilespmem:v6+s2+$0x0], $0xffff;
	v10 =	vor.u32 v15, v12;
	v12 =	vor.u32 v0, v17;
	[tilespmem:s8+$0x10050] =	vst v11  }
0x4b: {  	v11 =	vor.u32 v2, v10;
	[tilespmem:s8+$0x10060] =	vst v13;
	v13 =	vld.idx.msk [tilespmem:v19+s2+$0x0], $0xffff  }
0x4c: {  	s12 =	simm.s32 $0x0;
	s11 =	sshll.u32 s10, $0x4;
	v15 =	vor.u32 v3, v10;
	[tilespmem:s8+$0x10000] =	vst v8;
	v8 =	vld.idx.msk [tilespmem:v9+s2+$0x0], $0xffff  }
0x4d: {  	s13 =	sshll.u32 s10, $0x3;
	s14 =	sshll.u32 s7, $0x7;
	s9 =	sand.u32 $0x1800, s11;
	[tilespmem:s8+$0x10010] =	vst v7;
	v9 =	vor.u32 v4, v10;
	v7 =	vld.idx.msk [tilespmem:v20+s2+$0x0], $0xffff  }
0x4e: {  	s7 =	sand.u32 $0x8, s12;
	s10 =	sand.u32 $0x380, s13;
	s9 =	sor.u32 s14, s9;
	[tilespmem:s8+$0x10020] =	vst v5;
	v10 =	vld.idx.msk [tilespmem:v14+s2+$0x0], $0xffff  }
0x4f: {  	s11 =	sshll.u32 s7, $0x5;
	s9 =	sor.u32 s10, s9;
	[tilespmem:s8+$0x10030] =	vst v6;
	v5 =	vld.idx.msk [tilespmem:v12+s2+$0x0], $0xffff  }
0x50: {  	s10 =	sor.u32 $0x80, s11;
	v11 =	vld.idx.msk [tilespmem:v11+s2+$0x0], $0xffff;
	[tilespmem:s9+$0x10070] =	vst v13  }
0x51: {  	v12 =	vmov s10;
	v13 =	vld.idx.msk [tilespmem:v15+s2+$0x0], $0xffff;
	[tilespmem:s9+$0x10040] =	vst v8  }
0x52: {  	v6 =	vmov s11;
	s11 =	simm.s32 $0x0;
	v8 =	vshrl.u32 v12, $0x7;
	v9 =	vld.idx.msk [tilespmem:v9+s2+$0x0], $0xffff;
	[tilespmem:s9+$0x10050] =	vst v7  }
0x53: {  	v6 =	vshrl.u32 v6, $0x7;
	v12 =	vmov s11;
	v8 =	vshll.u32 v8, v1;
	[tilespmem:s9+$0x10060] =	vst v10  }
0x54: {  	v6 =	vshll.u32 v6, v1;
	v14 =	vshll.u32 v12, $0x9;
	v8 =	vbroadcast v8, $0x0;
	[tilespmem:s9+$0x10000] =	vst v5  }
0x55: {  	s12 =	simm.s32 $0x8;
	v7 =	vbroadcast v6, $0x0;
	v12 =	vshll.u32 v12, $0x7;
	v10 =	vand.u32 $0x3000, v14;
	[tilespmem:s9+$0x10010] =	vst v11  }
0x56: {  	s10 =	sand.u32 $0x8, s12;
	v5 =	vand.u32 $0x380, v12;
	v8 =	vadd.s32 v10, v8;
	[tilespmem:s9+$0x10020] =	vst v13  }
0x57: {  	s8 =	sshll.u32 s10, $0x5;
	v6 =	vor.u32 v10, v6;
	v7 =	vor.u32 v10, v7;
	v8 =	vor.u32 v5, v8;
	[tilespmem:s9+$0x10030] =	vst v9  }
0x58: {  	s13 =	sor.u32 $0x80, s8;
	s11 =	simm.s32 $0x0;
	v6 =	vor.u32 v5, v6;
	v5 =	vor.u32 v5, v7;
	v7 =	vor.u32 v4, v8;
	s14 =	rddreg [dreg:$0x6]  }
0x59: {  	v12 =	vmov s13;
	v14 =	vmov s11;
	v9 =	vor.u32 v0, v8;
	[tilespmem:s2], [sflag:$0x1] =	stream.linear.gather [hbm4b:s14+s2], $0x4000, $0x38;
	[tilespmem:$0x1C000] =	vst v63  }
0x5a: {  	v11 =	vmov s8;
	v12 =	vshrl.u32 v12, $0x7;
	v10 =	vor.u32 v2, v8;
	_ =	swait.ge [sflag:s0], $0x4000  }
0x5b: {  	v16 =	vshll.u32 v14, $0x9;
	v14 =	vshll.u32 v14, $0x7;
	v8 =	vor.u32 v3, v8;
	[sflag:s0] =	ssyncset.done $0x0  }
0x5c: {  	v12 =	vshll.u32 v12, v1;
	v6 =	vbroadcast v6, $0x0;
	v13 =	vor.u32 v2, v5;
	[sflag:s0] =	ssyncadd.s32 $0xFFFFC000  }
0x5d: {  	v11 =	vshrl.u32 v11, $0x7;
	v12 =	vbroadcast v12, $0x0;
	v15 =	vor.u32 v3, v5;
	v7 =	vld.idx.msk [tilespmem:v7+s29+$0x0], $0xffff  }
0x5e: {  	v16 =	vand.u32 $0x3000, v16;
	v11 =	vshll.u32 v11, v1;
	v6 =	vor.u32 v0, v6;
	v9 =	vld.idx.msk [tilespmem:v9+s29+$0x0], $0xffff  }
0x5f: {  	s7 =	sshll.u32 s7, $0x7;
	s12 =	simm.s32 $0x0;
	v14 =	vand.u32 $0x380, v14;
	v17 =	vbroadcast v11, $0x0;
	v12 =	vadd.s32 v16, v12;
	v10 =	vld.idx.msk [tilespmem:v10+s29+$0x0], $0xffff  }
0x60: {  	s13 =	sand.u32 $0x1800, s12;
	s8 =	simm.s32 $0x10;
	v18 =	vor.u32 v4, v5;
	v5 =	vor.u32 v16, v11;
	s14 =	simm.s32 $0x0;
	v11 =	vor.u32 v14, v12;
	v12 =	vld.idx.msk [tilespmem:v8+s29+$0x0], $0xffff  }
0x61: {  	s9 =	sor.u32 s7, s13;
	s7 =	sand.u32 $0x8, s8;
	v5 =	vor.u32 v14, v5;
	s11 =	sand.u32 $0x380, s14;
	v8 =	vor.u32 v16, v17;
	v16 =	vor.u32 v4, v11;
	v13 =	vld.idx.msk [tilespmem:v13+s29+$0x0], $0xffff  }
0x62: {  	s12 =	sshll.u32 s7, $0x5;
	v5 =	vbroadcast v5, $0x0;
	s9 =	sor.u32 s11, s9;
	v19 =	vor.u32 v2, v11;
	v20 =	vor.u32 v3, v11;
	v21 =	vld.idx.msk [tilespmem:v15+s29+$0x0], $0xffff  }
0x63: {  	s11 =	sor.u32 $0x80, s12;
	v17 =	vld.idx.msk [tilespmem:v6+s29+$0x0], $0xffff;
	v6 =	vor.u32 v14, v8;
	v14 =	vor.u32 v0, v11;
	v11 =	vmov s12;
	[tilespmem:s9+$0x12070] =	vst v7  }
0x64: {  	v15 =	vmov s11;
	v8 =	vor.u32 v0, v5;
	v11 =	vshrl.u32 v11, $0x7;
	[tilespmem:s9+$0x12040] =	vst v9  }
0x65: {  	s13 =	simm.s32 $0x1;
	v5 =	vor.u32 v3, v6;
	v7 =	vor.u32 v2, v6;
	v9 =	vld.idx.msk [tilespmem:v18+s29+$0x0], $0xffff;
	[tilespmem:s9+$0x12050] =	vst v10;
	v10 =	vshrl.u32 v15, $0x7  }
0x66: {  	v18 =	vshll.u32 v11, v1;
	[tilespmem:s9+$0x12060] =	vst v12;
	v11 =	vmov s13;
	v12 =	vld.idx.msk [tilespmem:v16+s29+$0x0], $0xffff;
	v10 =	vshll.u32 v10, v1  }
0x67: {  	s14 =	simm.s32 $0x80;
	[tilespmem:s9+$0x12010] =	vst v13;
	v15 =	vshll.u32 v11, $0x9;
	v13 =	vshll.u32 v11, $0x7;
	v11 =	vld.idx.msk [tilespmem:v19+s29+$0x0], $0xffff;
	v22 =	vbroadcast v10, $0x0  }
0x68: {  	s11 =	sand.u32 $0x1800, s14;
	v6 =	vor.u32 v4, v6;
	[tilespmem:s9+$0x12020] =	vst v21;
	v10 =	vld.idx.msk [tilespmem:v14+s29+$0x0], $0xffff;
	v14 =	vbroadcast v18, $0x0;
	v16 =	vand.u32 $0x3000, v15  }
0x69: {  	s12 =	simm.s32 $0x40;
	s13 =	sshll.u32 s10, $0x7;
	s10 =	simm.s32 $0x10;
	[tilespmem:s9+$0x12000] =	vst v17;
	v15 =	vand.u32 $0x380, v13;
	v13 =	vld.idx.msk [tilespmem:v20+s29+$0x0], $0xffff;
	v17 =	vor.u32 v16, v18;
	v18 =	vadd.s32 v16, v22  }
.LBB2_4:
0x6a: {  	s8 =	sadd.s32 $0x8, s8;
	v17 =	vor.u32 v15, v17;
	v14 =	vor.u32 v16, v14;
	v16 =	vor.u32 v15, v18;
	v18 =	vld.idx.msk [tilespmem:v8+s29+$0x0], $0xffff;
	s12 =	sand.u32 $0x380, s12;
	s11 =	sor.u32 s13, s11  }
0x6b: {  	s13 =	sand.u32 $0x8, s8;
	p0 =	slt.u32 s8, $0x1F8;
	v8 =	vbroadcast v17, $0x0;
	v14 =	vor.u32 v15, v14;
	v15 =	vor.u32 v4, v16;
	v17 =	vld.idx.msk [tilespmem:v7+s29+$0x0], $0xffff;
	[tilespmem:s9+$0x12030] =	vst v9;
	s9 =	sor.u32 s12, s11  }
0x6c: {  	v19 =	vor.u32 v0, v16;
	v20 =	vor.u32 v2, v16;
	v21 =	vor.u32 v3, v16;
	s12 =	smov.u32 s10;
	s10 =	smov.u32 s8;
	s11 =	sshll.u32 s13, $0x5;
	[tilespmem:s9+$0x12070] =	vst v12  }
0x6d: {  	s14 =	smov.u32 s7;
	v7 =	vor.u32 v2, v14;
	s7 =	smov.u32 s13;
	v9 =	vmov s11;
	s11 =	sor.u32 $0x80, s11;
	v8 =	vor.u32 v0, v8;
	v22 =	vld.idx.msk [tilespmem:v5+s29+$0x0], $0xffff;
	[tilespmem:s9+$0x12040] =	vst v10  }
0x6e: {  	v5 =	vor.u32 v3, v14;
	v10 =	vshrl.u32 v9, $0x7;
	v12 =	vmov s11;
	v9 =	vld.idx.msk [tilespmem:v6+s29+$0x0], $0xffff;
	[tilespmem:s9+$0x12050] =	vst v11  }
.Ltmp1:
0x6f: {  	s11 =	sshrl.u32 s10, $0x4;
	v6 =	vor.u32 v4, v14;
	v23 =	vshll.u32 v10, v1;
	v10 =	vshrl.u32 v12, $0x7;
	[tilespmem:s9+$0x12060] =	vst v13;
	(pc) =	sbr.rel @p0 .LBB2_4-.Ltmp1, $4  }
0x70: {  	v11 =	vmov s11;
	v14 =	vbroadcast v23, $0x0;
	v10 =	vshll.u32 v10, v1;
	v12 =	vld.idx.msk [tilespmem:v15+s29+$0x0], $0xffff;
	[tilespmem:s9+$0x12000] =	vst v18  }
0x71: {  	v13 =	vshll.u32 v11, $0x9;
	v18 =	vbroadcast v10, $0x0;
	v10 =	vld.idx.msk [tilespmem:v19+s29+$0x0], $0xffff;
	[tilespmem:s9+$0x12010] =	vst v17  }
0x72: {  	s11 =	sshll.u32 s12, $0x4;
	v16 =	vand.u32 $0x3000, v13;
	v13 =	vshll.u32 v11, $0x7;
	v11 =	vld.idx.msk [tilespmem:v20+s29+$0x0], $0xffff  }
0x73: {  	s13 =	sshll.u32 s14, $0x7;
	s12 =	sshll.u32 s12, $0x3;
	s11 =	sand.u32 $0x1800, s11;
	v15 =	vand.u32 $0x380, v13;
	v17 =	vor.u32 v16, v23;
	v18 =	vadd.s32 v16, v18;
	v13 =	vld.idx.msk [tilespmem:v21+s29+$0x0], $0xffff;
	[tilespmem:s9+$0x12020] =	vst v22  }
0x74: {  	_ =	sdelay $0x1  }
0x75: {  	v18 =	vor.u32 v15, v18;
	s8 =	sand.u32 $0x380, s12;
	s11 =	sor.u32 s13, s11  }
0x76: {  	v17 =	vor.u32 v15, v17;
	[tilespmem:s9+$0x12030] =	vst v9;
	v19 =	vor.u32 v4, v18;
	s8 =	sor.u32 s8, s11  }
0x77: {  	v8 =	vld.idx.msk [tilespmem:v8+s29+$0x0], $0xffff;
	v9 =	vor.u32 v0, v18;
	[tilespmem:s8+$0x12070] =	vst v12;
	v12 =	vor.u32 v16, v14  }
0x78: {  	v7 =	vld.idx.msk [tilespmem:v7+s29+$0x0], $0xffff;
	v17 =	vbroadcast v17, $0x0;
	v20 =	vor.u32 v2, v18;
	[tilespmem:s8+$0x12040] =	vst v10;
	v10 =	vor.u32 v15, v12  }
0x79: {  	v6 =	vld.idx.msk [tilespmem:v6+s29+$0x0], $0xffff;
	[tilespmem:s8+$0x12050] =	vst v11;
	v11 =	vor.u32 v2, v10  }
0x7a: {  	v5 =	vld.idx.msk [tilespmem:v5+s29+$0x0], $0xffff;
	v12 =	vor.u32 v0, v17  }
0x7b: {  	v14 =	vor.u32 v3, v18;
	[tilespmem:s8+$0x12060] =	vst v13;
	v13 =	vld.idx.msk [tilespmem:v19+s29+$0x0], $0xffff  }
0x7c: {  	s11 =	sshll.u32 s10, $0x4;
	v15 =	vor.u32 v3, v10;
	[tilespmem:s8+$0x12000] =	vst v8;
	v8 =	vld.idx.msk [tilespmem:v9+s29+$0x0], $0xffff  }
0x7d: {  	s12 =	sshll.u32 s10, $0x3;
	s7 =	sshll.u32 s7, $0x7;
	s9 =	sand.u32 $0x1800, s11;
	[tilespmem:s8+$0x12010] =	vst v7;
	v9 =	vor.u32 v4, v10;
	v7 =	vld.idx.msk [tilespmem:v20+s29+$0x0], $0xffff  }
0x7e: {  	s10 =	sand.u32 $0x380, s12;
	s7 =	sor.u32 s7, s9;
	[tilespmem:s8+$0x12030] =	vst v6;
	v6 =	vld.idx.msk [tilespmem:v11+s29+$0x0], $0xffff  }
0x7f: {  	s13 =	simm.s32 $0x0;
	s9 =	sor.u32 s10, s7;
	[tilespmem:s8+$0x12020] =	vst v5;
	v5 =	vld.idx.msk [tilespmem:v12+s29+$0x0], $0xffff  }
0x80: {  	s7 =	sand.u32 $0x8, s13;
	v10 =	vld.idx.msk [tilespmem:v14+s29+$0x0], $0xffff;
	[tilespmem:s9+$0x12070] =	vst v13  }
0x81: {  	s14 =	sshll.u32 s7, $0x5;
	v11 =	vld.idx.msk [tilespmem:v15+s29+$0x0], $0xffff;
	[tilespmem:s9+$0x12040] =	vst v8  }
0x82: {  	s10 =	simm.s32 $0x0;
	s8 =	sor.u32 $0x80, s14;
	v8 =	vld.idx.msk [tilespmem:v9+s29+$0x0], $0xffff;
	[tilespmem:s9+$0x12050] =	vst v7  }
0x83: {  	v7 =	vmov s10;
	[tilespmem:s9+$0x12010] =	vst v6;
	v6 =	vmov s8  }
0x84: {  	s12 =	simm.s32 $0x8;
	v9 =	vshll.u32 v7, $0x9;
	[tilespmem:s9+$0x12000] =	vst v5;
	v5 =	vmov s14;
	v6 =	vshrl.u32 v6, $0x7  }
0x85: {  	s10 =	sand.u32 $0x8, s12;
	[tilespmem:s9+$0x12060] =	vst v10;
	v7 =	vshll.u32 v7, $0x7;
	v5 =	vshrl.u32 v5, $0x7;
	v6 =	vshll.u32 v6, v1  }
0x86: {  	v9 =	vand.u32 $0x3000, v9;
	[tilespmem:s9+$0x12020] =	vst v11;
	s8 =	sshll.u32 s10, $0x5;
	v5 =	vshll.u32 v5, v1;
	v6 =	vbroadcast v6, $0x0  }
0x87: {  	v7 =	vand.u32 $0x380, v7;
	s13 =	sor.u32 $0x80, s8;
	v11 =	vmov s8;
	[tilespmem:s9+$0x12030] =	vst v8;
	v8 =	vbroadcast v5, $0x0  }
0x88: {  	v5 =	vor.u32 v9, v5;
	v12 =	vmov s13;
	s11 =	rddreg [dreg:$0x7];
	v6 =	vadd.s32 v9, v6  }
0x89: {  	v11 =	vshrl.u32 v11, $0x7;
	[hbm4b:s11+s2] =	stream.linear.scatter [tilespmem:s1], [sflag:$0x2], $0x4000, $0x38;
	v8 =	vor.u32 v9, v8;
	v6 =	vor.u32 v7, v6;
	[tilespmem:$0x1C000] =	vst v63  }
0x8a: {  	v5 =	vor.u32 v7, v5;
	s14 =	rddreg [dreg:$0x8];
	v7 =	vor.u32 v7, v8;
	v8 =	vor.u32 v4, v6  }
0x8b: {  	v12 =	vshrl.u32 v12, $0x7;
	v5 =	vbroadcast v5, $0x0;
	[tilespmem:s29], [sflag:$0x1] =	stream.linear.gather [hbm4b:s14+s2], $0x4000, $0x38;
	v9 =	vor.u32 v0, v6;
	[tilespmem:$0x1C000] =	vst v63  }
0x8c: {  	v11 =	vshll.u32 v11, v1;
	s11 =	simm.s32 $0x0;
	v12 =	vshll.u32 v12, v1;
	v10 =	vor.u32 v2, v6;
	_ =	swait.ge [sflag:s0], $0x4000  }
0x8d: {  	v17 =	vbroadcast v11, $0x0;
	v14 =	vmov s11;
	v5 =	vor.u32 v0, v5;
	[sflag:s0] =	ssyncset.done $0x0  }
0x8e: {  	v12 =	vbroadcast v12, $0x0;
	v16 =	vshll.u32 v14, $0x9;
	v13 =	vor.u32 v2, v7;
	[sflag:s0] =	ssyncadd.s32 $0xFFFFC000  }
0x8f: {  	v14 =	vshll.u32 v14, $0x7;
	v6 =	vor.u32 v3, v6;
	v16 =	vand.u32 $0x3000, v16;
	v8 =	vld.idx.msk [tilespmem:v8+s30+$0x0], $0xffff  }
0x90: {  	s7 =	sshll.u32 s7, $0x7;
	s12 =	simm.s32 $0x0;
	v15 =	vor.u32 v3, v7;
	v14 =	vand.u32 $0x380, v14;
	v12 =	vadd.s32 v16, v12;
	v9 =	vld.idx.msk [tilespmem:v9+s30+$0x0], $0xffff  }
0x91: {  	s8 =	simm.s32 $0x10;
	s13 =	sand.u32 $0x1800, s12;
	s14 =	simm.s32 $0x0;
	v18 =	vor.u32 v4, v7;
	v7 =	vor.u32 v16, v11;
	v11 =	vor.u32 v14, v12;
	v10 =	vld.idx.msk [tilespmem:v10+s30+$0x0], $0xffff  }
0x92: {  	s9 =	sor.u32 s7, s13;
	s7 =	sand.u32 $0x8, s8;
	s11 =	sand.u32 $0x380, s14;
	v7 =	vor.u32 v14, v7;
	v12 =	vor.u32 v16, v17;
	v16 =	vor.u32 v4, v11;
	v17 =	vld.idx.msk [tilespmem:v5+s30+$0x0], $0xffff  }
0x93: {  	s12 =	sshll.u32 s7, $0x5;
	s9 =	sor.u32 s11, s9;
	v14 =	vor.u32 v14, v12;
	v19 =	vor.u32 v0, v11;
	v20 =	vor.u32 v2, v11;
	v13 =	vld.idx.msk [tilespmem:v13+s30+$0x0], $0xffff  }
0x94: {  	s11 =	sor.u32 $0x80, s12;
	v21 =	vor.u32 v3, v11;
	v11 =	vmov s12;
	v5 =	vbroadcast v7, $0x0;
	v6 =	vld.idx.msk [tilespmem:v6+s30+$0x0], $0xffff;
	[tilespmem:s9+$0x14070] =	vst v8  }
0x95: {  	v12 =	vmov s11;
	v7 =	vor.u32 v2, v14;
	v11 =	vshrl.u32 v11, $0x7;
	v22 =	vld.idx.msk [tilespmem:v15+s30+$0x0], $0xffff;
	[tilespmem:s9+$0x14040] =	vst v9  }
0x96: {  	s13 =	simm.s32 $0x1;
	v8 =	vor.u32 v0, v5;
	v5 =	vor.u32 v3, v14;
	v9 =	vld.idx.msk [tilespmem:v18+s30+$0x0], $0xffff;
	[tilespmem:s9+$0x14050] =	vst v10;
	v10 =	vshrl.u32 v12, $0x7  }
0x97: {  	[tilespmem:s9+$0x14000] =	vst v17;
	v18 =	vshll.u32 v11, v1;
	v11 =	vmov s13;
	v12 =	vld.idx.msk [tilespmem:v16+s30+$0x0], $0xffff;
	v10 =	vshll.u32 v10, v1  }
0x98: {  	s14 =	simm.s32 $0x80;
	[tilespmem:s9+$0x14010] =	vst v13;
	v15 =	vshll.u32 v11, $0x9;
	v13 =	vshll.u32 v11, $0x7;
	v11 =	vld.idx.msk [tilespmem:v20+s30+$0x0], $0xffff;
	v23 =	vbroadcast v10, $0x0  }
0x99: {  	s11 =	sand.u32 $0x1800, s14;
	[tilespmem:s9+$0x14060] =	vst v6;
	v6 =	vor.u32 v4, v14;
	v14 =	vbroadcast v18, $0x0;
	v10 =	vld.idx.msk [tilespmem:v19+s30+$0x0], $0xffff;
	v16 =	vand.u32 $0x3000, v15  }
0x9a: {  	s12 =	simm.s32 $0x40;
	s13 =	sshll.u32 s10, $0x7;
	[tilespmem:s9+$0x14020] =	vst v22;
	s10 =	simm.s32 $0x10;
	v15 =	vand.u32 $0x380, v13;
	v13 =	vld.idx.msk [tilespmem:v21+s30+$0x0], $0xffff;
	v17 =	vor.u32 v16, v18;
	v18 =	vadd.s32 v16, v23  }
.LBB2_6:
0x9b: {  	s8 =	sadd.s32 $0x8, s8;
	v17 =	vor.u32 v15, v17;
	v14 =	vor.u32 v16, v14;
	v16 =	vor.u32 v15, v18;
	v18 =	vld.idx.msk [tilespmem:v8+s30+$0x0], $0xffff;
	s12 =	sand.u32 $0x380, s12;
	s11 =	sor.u32 s13, s11  }
0x9c: {  	s13 =	sand.u32 $0x8, s8;
	p0 =	slt.u32 s8, $0x1F8;
	v8 =	vbroadcast v17, $0x0;
	v14 =	vor.u32 v15, v14;
	v15 =	vor.u32 v4, v16;
	v17 =	vld.idx.msk [tilespmem:v7+s30+$0x0], $0xffff;
	[tilespmem:s9+$0x14030] =	vst v9;
	s9 =	sor.u32 s12, s11  }
0x9d: {  	v19 =	vor.u32 v0, v16;
	v20 =	vor.u32 v2, v16;
	v21 =	vor.u32 v3, v16;
	s12 =	smov.u32 s10;
	s10 =	smov.u32 s8;
	s11 =	sshll.u32 s13, $0x5;
	[tilespmem:s9+$0x14070] =	vst v12  }
0x9e: {  	s14 =	smov.u32 s7;
	v7 =	vor.u32 v2, v14;
	s7 =	smov.u32 s13;
	v9 =	vmov s11;
	s11 =	sor.u32 $0x80, s11;
	v8 =	vor.u32 v0, v8;
	v22 =	vld.idx.msk [tilespmem:v5+s30+$0x0], $0xffff;
	[tilespmem:s9+$0x14040] =	vst v10  }
0x9f: {  	v5 =	vor.u32 v3, v14;
	v10 =	vshrl.u32 v9, $0x7;
	v12 =	vmov s11;
	v9 =	vld.idx.msk [tilespmem:v6+s30+$0x0], $0xffff;
	[tilespmem:s9+$0x14050] =	vst v11  }
.Ltmp2:
0xa0: {  	s11 =	sshrl.u32 s10, $0x4;
	v6 =	vor.u32 v4, v14;
	v23 =	vshll.u32 v10, v1;
	v10 =	vshrl.u32 v12, $0x7;
	[tilespmem:s9+$0x14060] =	vst v13;
	(pc) =	sbr.rel @p0 .LBB2_6-.Ltmp2, $4  }
0xa1: {  	v11 =	vmov s11;
	v14 =	vbroadcast v23, $0x0;
	v10 =	vshll.u32 v10, v1;
	v12 =	vld.idx.msk [tilespmem:v15+s30+$0x0], $0xffff;
	[tilespmem:s9+$0x14000] =	vst v18  }
0xa2: {  	v13 =	vshll.u32 v11, $0x9;
	v18 =	vbroadcast v10, $0x0;
	v10 =	vld.idx.msk [tilespmem:v19+s30+$0x0], $0xffff;
	[tilespmem:s9+$0x14010] =	vst v17  }
0xa3: {  	s11 =	sshll.u32 s12, $0x4;
	v16 =	vand.u32 $0x3000, v13;
	v13 =	vshll.u32 v11, $0x7;
	v11 =	vld.idx.msk [tilespmem:v20+s30+$0x0], $0xffff  }
0xa4: {  	s13 =	sshll.u32 s14, $0x7;
	s12 =	sshll.u32 s12, $0x3;
	s11 =	sand.u32 $0x1800, s11;
	v15 =	vand.u32 $0x380, v13;
	v17 =	vor.u32 v16, v23;
	v18 =	vadd.s32 v16, v18;
	v13 =	vld.idx.msk [tilespmem:v21+s30+$0x0], $0xffff;
	[tilespmem:s9+$0x14020] =	vst v22  }
0xa5: {  	_ =	sdelay $0x1  }
0xa6: {  	v18 =	vor.u32 v15, v18  }
0xa7: {  	s8 =	sand.u32 $0x380, s12;
	s11 =	sor.u32 s13, s11;
	v19 =	vor.u32 v4, v18  }
0xa8: {  	v17 =	vor.u32 v15, v17;
	v8 =	vld.idx.msk [tilespmem:v8+s30+$0x0], $0xffff;
	[tilespmem:s9+$0x14030] =	vst v9;
	s8 =	sor.u32 s8, s11;
	v9 =	vor.u32 v0, v18  }
0xa9: {  	v7 =	vld.idx.msk [tilespmem:v7+s30+$0x0], $0xffff;
	v17 =	vbroadcast v17, $0x0;
	v20 =	vor.u32 v2, v18;
	[tilespmem:s8+$0x14070] =	vst v12  }
0xaa: {  	v5 =	vld.idx.msk [tilespmem:v5+s30+$0x0], $0xffff;
	v12 =	vor.u32 v16, v14;
	v14 =	vor.u32 v3, v18;
	[tilespmem:s8+$0x14040] =	vst v10  }
0xab: {  	v6 =	vld.idx.msk [tilespmem:v6+s30+$0x0], $0xffff;
	v10 =	vor.u32 v15, v12;
	v12 =	vor.u32 v0, v17;
	[tilespmem:s8+$0x14050] =	vst v11  }
0xac: {  	v11 =	vor.u32 v2, v10;
	[tilespmem:s8+$0x14060] =	vst v13;
	v13 =	vld.idx.msk [tilespmem:v19+s30+$0x0], $0xffff  }
0xad: {  	s12 =	simm.s32 $0x0;
	s11 =	sshll.u32 s10, $0x4;
	v15 =	vor.u32 v3, v10;
	[tilespmem:s8+$0x14000] =	vst v8;
	v8 =	vld.idx.msk [tilespmem:v9+s30+$0x0], $0xffff  }
0xae: {  	s13 =	sshll.u32 s10, $0x3;
	s14 =	sshll.u32 s7, $0x7;
	s9 =	sand.u32 $0x1800, s11;
	[tilespmem:s8+$0x14010] =	vst v7;
	v9 =	vor.u32 v4, v10;
	v7 =	vld.idx.msk [tilespmem:v20+s30+$0x0], $0xffff  }
0xaf: {  	s7 =	sand.u32 $0x8, s12;
	s10 =	sand.u32 $0x380, s13;
	s9 =	sor.u32 s14, s9;
	[tilespmem:s8+$0x14020] =	vst v5;
	v10 =	vld.idx.msk [tilespmem:v14+s30+$0x0], $0xffff  }
0xb0: {  	s11 =	sshll.u32 s7, $0x5;
	s9 =	sor.u32 s10, s9;
	[tilespmem:s8+$0x14030] =	vst v6;
	v5 =	vld.idx.msk [tilespmem:v12+s30+$0x0], $0xffff  }
0xb1: {  	s10 =	sor.u32 $0x80, s11;
	v11 =	vld.idx.msk [tilespmem:v11+s30+$0x0], $0xffff;
	[tilespmem:s9+$0x14070] =	vst v13  }
0xb2: {  	v12 =	vmov s10;
	v13 =	vld.idx.msk [tilespmem:v15+s30+$0x0], $0xffff;
	[tilespmem:s9+$0x14040] =	vst v8  }
0xb3: {  	v6 =	vmov s11;
	s11 =	simm.s32 $0x0;
	v8 =	vshrl.u32 v12, $0x7;
	v9 =	vld.idx.msk [tilespmem:v9+s30+$0x0], $0xffff;
	[tilespmem:s9+$0x14050] =	vst v7  }
0xb4: {  	v6 =	vshrl.u32 v6, $0x7;
	v12 =	vmov s11;
	v8 =	vshll.u32 v8, v1;
	[tilespmem:s9+$0x14060] =	vst v10  }
0xb5: {  	v6 =	vshll.u32 v6, v1;
	v14 =	vshll.u32 v12, $0x9;
	v8 =	vbroadcast v8, $0x0;
	[tilespmem:s9+$0x14000] =	vst v5  }
0xb6: {  	s12 =	simm.s32 $0x8;
	v7 =	vbroadcast v6, $0x0;
	v12 =	vshll.u32 v12, $0x7;
	v10 =	vand.u32 $0x3000, v14;
	[tilespmem:s9+$0x14010] =	vst v11  }
0xb7: {  	s10 =	sand.u32 $0x8, s12;
	v5 =	vand.u32 $0x380, v12;
	v8 =	vadd.s32 v10, v8;
	[tilespmem:s9+$0x14020] =	vst v13  }
0xb8: {  	s8 =	sshll.u32 s10, $0x5;
	v6 =	vor.u32 v10, v6;
	v7 =	vor.u32 v10, v7;
	v8 =	vor.u32 v5, v8;
	[tilespmem:s9+$0x14030] =	vst v9  }
0xb9: {  	s13 =	sor.u32 $0x80, s8;
	s11 =	simm.s32 $0x0;
	v6 =	vor.u32 v5, v6;
	v5 =	vor.u32 v5, v7;
	v7 =	vor.u32 v4, v8;
	s14 =	rddreg [dreg:$0x9]  }
0xba: {  	v12 =	vmov s13;
	v14 =	vmov s11;
	v9 =	vor.u32 v0, v8;
	[tilespmem:s30], [sflag:$0x1] =	stream.linear.gather [hbm4b:s14+s2], $0x4000, $0x38;
	[tilespmem:$0x1C000] =	vst v63  }
0xbb: {  	v11 =	vmov s8;
	v12 =	vshrl.u32 v12, $0x7;
	v10 =	vor.u32 v2, v8;
	_ =	swait.ge [sflag:s0], $0x4000  }
0xbc: {  	v16 =	vshll.u32 v14, $0x9;
	v14 =	vshll.u32 v14, $0x7;
	v8 =	vor.u32 v3, v8;
	[sflag:s0] =	ssyncset.done $0x0  }
0xbd: {  	v12 =	vshll.u32 v12, v1;
	v6 =	vbroadcast v6, $0x0;
	v13 =	vor.u32 v2, v5;
	[sflag:s0] =	ssyncadd.s32 $0xFFFFC000  }
0xbe: {  	v11 =	vshrl.u32 v11, $0x7;
	v12 =	vbroadcast v12, $0x0;
	v15 =	vor.u32 v3, v5;
	v7 =	vld.idx.msk [tilespmem:v7+s31+$0x0], $0xffff  }
0xbf: {  	v16 =	vand.u32 $0x3000, v16;
	v11 =	vshll.u32 v11, v1;
	v6 =	vor.u32 v0, v6;
	v9 =	vld.idx.msk [tilespmem:v9+s31+$0x0], $0xffff  }
0xc0: {  	s7 =	sshll.u32 s7, $0x7;
	s12 =	simm.s32 $0x0;
	v14 =	vand.u32 $0x380, v14;
	v17 =	vbroadcast v11, $0x0;
	v12 =	vadd.s32 v16, v12;
	v10 =	vld.idx.msk [tilespmem:v10+s31+$0x0], $0xffff  }
0xc1: {  	s13 =	sand.u32 $0x1800, s12;
	s8 =	simm.s32 $0x10;
	v18 =	vor.u32 v4, v5;
	v5 =	vor.u32 v16, v11;
	s14 =	simm.s32 $0x0;
	v11 =	vor.u32 v14, v12;
	v12 =	vld.idx.msk [tilespmem:v8+s31+$0x0], $0xffff  }
0xc2: {  	s9 =	sor.u32 s7, s13;
	s7 =	sand.u32 $0x8, s8;
	v5 =	vor.u32 v14, v5;
	s11 =	sand.u32 $0x380, s14;
	v8 =	vor.u32 v16, v17;
	v16 =	vor.u32 v4, v11;
	v13 =	vld.idx.msk [tilespmem:v13+s31+$0x0], $0xffff  }
0xc3: {  	s12 =	sshll.u32 s7, $0x5;
	v5 =	vbroadcast v5, $0x0;
	s9 =	sor.u32 s11, s9;
	v19 =	vor.u32 v2, v11;
	v20 =	vor.u32 v3, v11;
	v21 =	vld.idx.msk [tilespmem:v15+s31+$0x0], $0xffff  }
0xc4: {  	s11 =	sor.u32 $0x80, s12;
	v17 =	vld.idx.msk [tilespmem:v6+s31+$0x0], $0xffff;
	v6 =	vor.u32 v14, v8;
	v14 =	vor.u32 v0, v11;
	v11 =	vmov s12;
	[tilespmem:s9+$0x16070] =	vst v7  }
0xc5: {  	v15 =	vmov s11;
	v8 =	vor.u32 v0, v5;
	v11 =	vshrl.u32 v11, $0x7;
	[tilespmem:s9+$0x16040] =	vst v9  }
0xc6: {  	s13 =	simm.s32 $0x1;
	v5 =	vor.u32 v3, v6;
	v7 =	vor.u32 v2, v6;
	v9 =	vld.idx.msk [tilespmem:v18+s31+$0x0], $0xffff;
	[tilespmem:s9+$0x16050] =	vst v10;
	v10 =	vshrl.u32 v15, $0x7  }
0xc7: {  	v18 =	vshll.u32 v11, v1;
	[tilespmem:s9+$0x16060] =	vst v12;
	v11 =	vmov s13;
	v12 =	vld.idx.msk [tilespmem:v16+s31+$0x0], $0xffff;
	v10 =	vshll.u32 v10, v1  }
0xc8: {  	s14 =	simm.s32 $0x80;
	[tilespmem:s9+$0x16010] =	vst v13;
	v15 =	vshll.u32 v11, $0x9;
	v13 =	vshll.u32 v11, $0x7;
	v11 =	vld.idx.msk [tilespmem:v19+s31+$0x0], $0xffff;
	v22 =	vbroadcast v10, $0x0  }
0xc9: {  	s11 =	sand.u32 $0x1800, s14;
	v6 =	vor.u32 v4, v6;
	[tilespmem:s9+$0x16020] =	vst v21;
	v10 =	vld.idx.msk [tilespmem:v14+s31+$0x0], $0xffff;
	v14 =	vbroadcast v18, $0x0;
	v16 =	vand.u32 $0x3000, v15  }
0xca: {  	s12 =	simm.s32 $0x40;
	s13 =	sshll.u32 s10, $0x7;
	s10 =	simm.s32 $0x10;
	[tilespmem:s9+$0x16000] =	vst v17;
	v15 =	vand.u32 $0x380, v13;
	v13 =	vld.idx.msk [tilespmem:v20+s31+$0x0], $0xffff;
	v17 =	vor.u32 v16, v18;
	v18 =	vadd.s32 v16, v22  }
.LBB2_8:
0xcb: {  	s8 =	sadd.s32 $0x8, s8;
	v17 =	vor.u32 v15, v17;
	v14 =	vor.u32 v16, v14;
	v16 =	vor.u32 v15, v18;
	v18 =	vld.idx.msk [tilespmem:v8+s31+$0x0], $0xffff;
	s12 =	sand.u32 $0x380, s12;
	s11 =	sor.u32 s13, s11  }
0xcc: {  	s13 =	sand.u32 $0x8, s8;
	p0 =	slt.u32 s8, $0x1F8;
	v8 =	vbroadcast v17, $0x0;
	v14 =	vor.u32 v15, v14;
	v15 =	vor.u32 v4, v16;
	v17 =	vld.idx.msk [tilespmem:v7+s31+$0x0], $0xffff;
	[tilespmem:s9+$0x16030] =	vst v9;
	s9 =	sor.u32 s12, s11  }
0xcd: {  	v19 =	vor.u32 v0, v16;
	v20 =	vor.u32 v2, v16;
	v21 =	vor.u32 v3, v16;
	s12 =	smov.u32 s10;
	s10 =	smov.u32 s8;
	s11 =	sshll.u32 s13, $0x5;
	[tilespmem:s9+$0x16070] =	vst v12  }
0xce: {  	s14 =	smov.u32 s7;
	v7 =	vor.u32 v2, v14;
	s7 =	smov.u32 s13;
	v9 =	vmov s11;
	s11 =	sor.u32 $0x80, s11;
	v8 =	vor.u32 v0, v8;
	v22 =	vld.idx.msk [tilespmem:v5+s31+$0x0], $0xffff;
	[tilespmem:s9+$0x16040] =	vst v10  }
0xcf: {  	v5 =	vor.u32 v3, v14;
	v10 =	vshrl.u32 v9, $0x7;
	v12 =	vmov s11;
	v9 =	vld.idx.msk [tilespmem:v6+s31+$0x0], $0xffff;
	[tilespmem:s9+$0x16050] =	vst v11  }
.Ltmp3:
0xd0: {  	s11 =	sshrl.u32 s10, $0x4;
	v6 =	vor.u32 v4, v14;
	v23 =	vshll.u32 v10, v1;
	v10 =	vshrl.u32 v12, $0x7;
	[tilespmem:s9+$0x16060] =	vst v13;
	(pc) =	sbr.rel @p0 .LBB2_8-.Ltmp3, $4  }
0xd1: {  	v11 =	vmov s11;
	v14 =	vbroadcast v23, $0x0;
	v10 =	vshll.u32 v10, v1;
	v12 =	vld.idx.msk [tilespmem:v15+s31+$0x0], $0xffff;
	[tilespmem:s9+$0x16000] =	vst v18  }
0xd2: {  	v13 =	vshll.u32 v11, $0x9;
	v18 =	vbroadcast v10, $0x0;
	v10 =	vld.idx.msk [tilespmem:v19+s31+$0x0], $0xffff;
	[tilespmem:s9+$0x16010] =	vst v17  }
0xd3: {  	s11 =	sshll.u32 s12, $0x4;
	v16 =	vand.u32 $0x3000, v13;
	v13 =	vshll.u32 v11, $0x7;
	v11 =	vld.idx.msk [tilespmem:v20+s31+$0x0], $0xffff  }
0xd4: {  	s13 =	sshll.u32 s14, $0x7;
	s12 =	sshll.u32 s12, $0x3;
	s11 =	sand.u32 $0x1800, s11;
	v15 =	vand.u32 $0x380, v13;
	v17 =	vor.u32 v16, v23;
	v18 =	vadd.s32 v16, v18;
	v13 =	vld.idx.msk [tilespmem:v21+s31+$0x0], $0xffff;
	[tilespmem:s9+$0x16020] =	vst v22  }
0xd5: {  	_ =	sdelay $0x1  }
0xd6: {  	v18 =	vor.u32 v15, v18;
	s8 =	sand.u32 $0x380, s12;
	s11 =	sor.u32 s13, s11  }
0xd7: {  	v17 =	vor.u32 v15, v17;
	[tilespmem:s9+$0x16030] =	vst v9;
	v19 =	vor.u32 v4, v18;
	s8 =	sor.u32 s8, s11  }
0xd8: {  	v8 =	vld.idx.msk [tilespmem:v8+s31+$0x0], $0xffff;
	v9 =	vor.u32 v0, v18;
	[tilespmem:s8+$0x16070] =	vst v12;
	v12 =	vor.u32 v16, v14  }
0xd9: {  	v7 =	vld.idx.msk [tilespmem:v7+s31+$0x0], $0xffff;
	v17 =	vbroadcast v17, $0x0;
	v20 =	vor.u32 v2, v18;
	[tilespmem:s8+$0x16040] =	vst v10;
	v10 =	vor.u32 v15, v12  }
0xda: {  	v6 =	vld.idx.msk [tilespmem:v6+s31+$0x0], $0xffff;
	[tilespmem:s8+$0x16050] =	vst v11;
	v11 =	vor.u32 v2, v10  }
0xdb: {  	v5 =	vld.idx.msk [tilespmem:v5+s31+$0x0], $0xffff;
	v12 =	vor.u32 v0, v17  }
0xdc: {  	v14 =	vor.u32 v3, v18;
	[tilespmem:s8+$0x16060] =	vst v13;
	v13 =	vld.idx.msk [tilespmem:v19+s31+$0x0], $0xffff  }
0xdd: {  	s11 =	sshll.u32 s10, $0x4;
	v15 =	vor.u32 v3, v10;
	[tilespmem:s8+$0x16000] =	vst v8;
	v8 =	vld.idx.msk [tilespmem:v9+s31+$0x0], $0xffff  }
0xde: {  	s12 =	sshll.u32 s10, $0x3;
	s7 =	sshll.u32 s7, $0x7;
	s9 =	sand.u32 $0x1800, s11;
	[tilespmem:s8+$0x16010] =	vst v7;
	v9 =	vor.u32 v4, v10;
	v7 =	vld.idx.msk [tilespmem:v20+s31+$0x0], $0xffff  }
0xdf: {  	s10 =	sand.u32 $0x380, s12;
	s7 =	sor.u32 s7, s9;
	[tilespmem:s8+$0x16030] =	vst v6;
	v6 =	vld.idx.msk [tilespmem:v11+s31+$0x0], $0xffff  }
0xe0: {  	s13 =	simm.s32 $0x0;
	s9 =	sor.u32 s10, s7;
	[tilespmem:s8+$0x16020] =	vst v5;
	v5 =	vld.idx.msk [tilespmem:v12+s31+$0x0], $0xffff  }
0xe1: {  	s7 =	sand.u32 $0x8, s13;
	v10 =	vld.idx.msk [tilespmem:v14+s31+$0x0], $0xffff;
	[tilespmem:s9+$0x16070] =	vst v13  }
0xe2: {  	s14 =	sshll.u32 s7, $0x5;
	v11 =	vld.idx.msk [tilespmem:v15+s31+$0x0], $0xffff;
	[tilespmem:s9+$0x16040] =	vst v8  }
0xe3: {  	s10 =	simm.s32 $0x0;
	s8 =	sor.u32 $0x80, s14;
	v8 =	vld.idx.msk [tilespmem:v9+s31+$0x0], $0xffff;
	[tilespmem:s9+$0x16050] =	vst v7  }
0xe4: {  	v7 =	vmov s10;
	[tilespmem:s9+$0x16010] =	vst v6;
	v6 =	vmov s8  }
0xe5: {  	s12 =	simm.s32 $0x8;
	v9 =	vshll.u32 v7, $0x9;
	[tilespmem:s9+$0x16000] =	vst v5;
	v5 =	vmov s14;
	v6 =	vshrl.u32 v6, $0x7  }
0xe6: {  	s10 =	sand.u32 $0x8, s12;
	[tilespmem:s9+$0x16060] =	vst v10;
	v7 =	vshll.u32 v7, $0x7;
	v5 =	vshrl.u32 v5, $0x7;
	v6 =	vshll.u32 v6, v1  }
0xe7: {  	v9 =	vand.u32 $0x3000, v9;
	[tilespmem:s9+$0x16020] =	vst v11;
	s8 =	sshll.u32 s10, $0x5;
	v5 =	vshll.u32 v5, v1;
	v6 =	vbroadcast v6, $0x0  }
0xe8: {  	v7 =	vand.u32 $0x380, v7;
	s13 =	sor.u32 $0x80, s8;
	v11 =	vmov s8;
	[tilespmem:s9+$0x16030] =	vst v8;
	v8 =	vbroadcast v5, $0x0  }
0xe9: {  	v5 =	vor.u32 v9, v5;
	v12 =	vmov s13;
	s11 =	rddreg [dreg:$0xa];
	v6 =	vadd.s32 v9, v6  }
0xea: {  	v11 =	vshrl.u32 v11, $0x7;
	[hbm4b:s11+s2] =	stream.linear.scatter [tilespmem:s4], [sflag:$0x2], $0x4000, $0x38;
	v8 =	vor.u32 v9, v8;
	v6 =	vor.u32 v7, v6;
	[tilespmem:$0x1C000] =	vst v63  }
0xeb: {  	v5 =	vor.u32 v7, v5;
	s14 =	rddreg [dreg:$0xb];
	v7 =	vor.u32 v7, v8;
	v8 =	vor.u32 v4, v6  }
0xec: {  	v12 =	vshrl.u32 v12, $0x7;
	v5 =	vbroadcast v5, $0x0;
	[tilespmem:s31], [sflag:$0x1] =	stream.linear.gather [hbm4b:s14+s2], $0x4000, $0x38;
	v9 =	vor.u32 v0, v6;
	[tilespmem:$0x1C000] =	vst v63  }
0xed: {  	v11 =	vshll.u32 v11, v1;
	s11 =	simm.s32 $0x0;
	v12 =	vshll.u32 v12, v1;
	v10 =	vor.u32 v2, v6;
	_ =	swait.ge [sflag:s0], $0x4000  }
0xee: {  	v17 =	vbroadcast v11, $0x0;
	v14 =	vmov s11;
	v5 =	vor.u32 v0, v5;
	[sflag:s0] =	ssyncset.done $0x0  }
0xef: {  	v12 =	vbroadcast v12, $0x0;
	v16 =	vshll.u32 v14, $0x9;
	v13 =	vor.u32 v2, v7;
	[sflag:s0] =	ssyncadd.s32 $0xFFFFC000  }
0xf0: {  	v14 =	vshll.u32 v14, $0x7;
	v6 =	vor.u32 v3, v6;
	v16 =	vand.u32 $0x3000, v16;
	v8 =	vld.idx.msk [tilespmem:v8+s2+$0x0], $0xffff  }
0xf1: {  	s7 =	sshll.u32 s7, $0x7;
	s12 =	simm.s32 $0x0;
	v15 =	vor.u32 v3, v7;
	v14 =	vand.u32 $0x380, v14;
	v12 =	vadd.s32 v16, v12;
	v9 =	vld.idx.msk [tilespmem:v9+s2+$0x0], $0xffff  }
0xf2: {  	s8 =	simm.s32 $0x10;
	s13 =	sand.u32 $0x1800, s12;
	s14 =	simm.s32 $0x0;
	v18 =	vor.u32 v4, v7;
	v7 =	vor.u32 v16, v11;
	v11 =	vor.u32 v14, v12;
	v10 =	vld.idx.msk [tilespmem:v10+s2+$0x0], $0xffff  }
0xf3: {  	s9 =	sor.u32 s7, s13;
	s7 =	sand.u32 $0x8, s8;
	s11 =	sand.u32 $0x380, s14;
	v7 =	vor.u32 v14, v7;
	v12 =	vor.u32 v16, v17;
	v16 =	vor.u32 v4, v11;
	v17 =	vld.idx.msk [tilespmem:v5+s2+$0x0], $0xffff  }
0xf4: {  	s12 =	sshll.u32 s7, $0x5;
	s9 =	sor.u32 s11, s9;
	v14 =	vor.u32 v14, v12;
	v19 =	vor.u32 v0, v11;
	v20 =	vor.u32 v2, v11;
	v13 =	vld.idx.msk [tilespmem:v13+s2+$0x0], $0xffff  }
0xf5: {  	s11 =	sor.u32 $0x80, s12;
	v21 =	vor.u32 v3, v11;
	v11 =	vmov s12;
	v5 =	vbroadcast v7, $0x0;
	v6 =	vld.idx.msk [tilespmem:v6+s2+$0x0], $0xffff;
	[tilespmem:s9+$0x18070] =	vst v8  }
0xf6: {  	v12 =	vmov s11;
	v7 =	vor.u32 v2, v14;
	v11 =	vshrl.u32 v11, $0x7;
	v22 =	vld.idx.msk [tilespmem:v15+s2+$0x0], $0xffff;
	[tilespmem:s9+$0x18040] =	vst v9  }
0xf7: {  	s13 =	simm.s32 $0x1;
	v8 =	vor.u32 v0, v5;
	v5 =	vor.u32 v3, v14;
	v9 =	vld.idx.msk [tilespmem:v18+s2+$0x0], $0xffff;
	[tilespmem:s9+$0x18050] =	vst v10;
	v10 =	vshrl.u32 v12, $0x7  }
0xf8: {  	[tilespmem:s9+$0x18000] =	vst v17;
	v18 =	vshll.u32 v11, v1;
	v11 =	vmov s13;
	v12 =	vld.idx.msk [tilespmem:v16+s2+$0x0], $0xffff;
	v10 =	vshll.u32 v10, v1  }
0xf9: {  	s14 =	simm.s32 $0x80;
	[tilespmem:s9+$0x18010] =	vst v13;
	v15 =	vshll.u32 v11, $0x9;
	v13 =	vshll.u32 v11, $0x7;
	v11 =	vld.idx.msk [tilespmem:v20+s2+$0x0], $0xffff;
	v23 =	vbroadcast v10, $0x0  }
0xfa: {  	s11 =	sand.u32 $0x1800, s14;
	[tilespmem:s9+$0x18060] =	vst v6;
	v6 =	vor.u32 v4, v14;
	v14 =	vbroadcast v18, $0x0;
	v10 =	vld.idx.msk [tilespmem:v19+s2+$0x0], $0xffff;
	v16 =	vand.u32 $0x3000, v15  }
0xfb: {  	s12 =	simm.s32 $0x40;
	s13 =	sshll.u32 s10, $0x7;
	[tilespmem:s9+$0x18020] =	vst v22;
	s10 =	simm.s32 $0x10;
	v15 =	vand.u32 $0x380, v13;
	v13 =	vld.idx.msk [tilespmem:v21+s2+$0x0], $0xffff;
	v17 =	vor.u32 v16, v18;
	v18 =	vadd.s32 v16, v23  }
.LBB2_10:
0xfc: {  	s8 =	sadd.s32 $0x8, s8;
	v17 =	vor.u32 v15, v17;
	v14 =	vor.u32 v16, v14;
	v16 =	vor.u32 v15, v18;
	v18 =	vld.idx.msk [tilespmem:v8+s2+$0x0], $0xffff;
	s12 =	sand.u32 $0x380, s12;
	s11 =	sor.u32 s13, s11  }
0xfd: {  	s13 =	sand.u32 $0x8, s8;
	p0 =	slt.u32 s8, $0x1F8;
	v8 =	vbroadcast v17, $0x0;
	v14 =	vor.u32 v15, v14;
	v15 =	vor.u32 v4, v16;
	v17 =	vld.idx.msk [tilespmem:v7+s2+$0x0], $0xffff;
	[tilespmem:s9+$0x18030] =	vst v9;
	s9 =	sor.u32 s12, s11  }
0xfe: {  	v19 =	vor.u32 v0, v16;
	v20 =	vor.u32 v2, v16;
	v21 =	vor.u32 v3, v16;
	s12 =	smov.u32 s10;
	s10 =	smov.u32 s8;
	s11 =	sshll.u32 s13, $0x5;
	[tilespmem:s9+$0x18070] =	vst v12  }
0xff: {  	s14 =	smov.u32 s7;
	v7 =	vor.u32 v2, v14;
	s7 =	smov.u32 s13;
	v9 =	vmov s11;
	s11 =	sor.u32 $0x80, s11;
	v8 =	vor.u32 v0, v8;
	v22 =	vld.idx.msk [tilespmem:v5+s2+$0x0], $0xffff;
	[tilespmem:s9+$0x18040] =	vst v10  }
0x100: {  	v5 =	vor.u32 v3, v14;
	v10 =	vshrl.u32 v9, $0x7;
	v12 =	vmov s11;
	v9 =	vld.idx.msk [tilespmem:v6+s2+$0x0], $0xffff;
	[tilespmem:s9+$0x18050] =	vst v11  }
.Ltmp4:
0x101: {  	s11 =	sshrl.u32 s10, $0x4;
	v6 =	vor.u32 v4, v14;
	v23 =	vshll.u32 v10, v1;
	v10 =	vshrl.u32 v12, $0x7;
	[tilespmem:s9+$0x18060] =	vst v13;
	(pc) =	sbr.rel @p0 .LBB2_10-.Ltmp4, $4  }
0x102: {  	v11 =	vmov s11;
	v14 =	vbroadcast v23, $0x0;
	v10 =	vshll.u32 v10, v1;
	v12 =	vld.idx.msk [tilespmem:v15+s2+$0x0], $0xffff;
	[tilespmem:s9+$0x18000] =	vst v18  }
0x103: {  	v13 =	vshll.u32 v11, $0x9;
	v18 =	vbroadcast v10, $0x0;
	v10 =	vld.idx.msk [tilespmem:v19+s2+$0x0], $0xffff;
	[tilespmem:s9+$0x18010] =	vst v17  }
0x104: {  	s11 =	sshll.u32 s12, $0x4;
	v16 =	vand.u32 $0x3000, v13;
	v13 =	vshll.u32 v11, $0x7;
	v11 =	vld.idx.msk [tilespmem:v20+s2+$0x0], $0xffff  }
0x105: {  	s13 =	sshll.u32 s14, $0x7;
	s12 =	sshll.u32 s12, $0x3;
	s11 =	sand.u32 $0x1800, s11;
	v15 =	vand.u32 $0x380, v13;
	v17 =	vor.u32 v16, v23;
	v18 =	vadd.s32 v16, v18;
	v13 =	vld.idx.msk [tilespmem:v21+s2+$0x0], $0xffff;
	[tilespmem:s9+$0x18020] =	vst v22  }
0x106: {  	_ =	sdelay $0x1  }
0x107: {  	v18 =	vor.u32 v15, v18  }
0x108: {  	s8 =	sand.u32 $0x380, s12;
	s11 =	sor.u32 s13, s11;
	v19 =	vor.u32 v4, v18  }
0x109: {  	v17 =	vor.u32 v15, v17;
	v8 =	vld.idx.msk [tilespmem:v8+s2+$0x0], $0xffff;
	[tilespmem:s9+$0x18030] =	vst v9;
	s8 =	sor.u32 s8, s11;
	v9 =	vor.u32 v0, v18  }
0x10a: {  	v7 =	vld.idx.msk [tilespmem:v7+s2+$0x0], $0xffff;
	v17 =	vbroadcast v17, $0x0;
	v20 =	vor.u32 v2, v18;
	[tilespmem:s8+$0x18070] =	vst v12  }
0x10b: {  	v5 =	vld.idx.msk [tilespmem:v5+s2+$0x0], $0xffff;
	v12 =	vor.u32 v16, v14;
	v14 =	vor.u32 v3, v18;
	[tilespmem:s8+$0x18040] =	vst v10  }
0x10c: {  	v6 =	vld.idx.msk [tilespmem:v6+s2+$0x0], $0xffff;
	v10 =	vor.u32 v15, v12;
	v12 =	vor.u32 v0, v17;
	[tilespmem:s8+$0x18050] =	vst v11  }
0x10d: {  	v11 =	vor.u32 v2, v10;
	[tilespmem:s8+$0x18060] =	vst v13;
	v13 =	vld.idx.msk [tilespmem:v19+s2+$0x0], $0xffff  }
0x10e: {  	s12 =	simm.s32 $0x0;
	s11 =	sshll.u32 s10, $0x4;
	v15 =	vor.u32 v3, v10;
	[tilespmem:s8+$0x18000] =	vst v8;
	v8 =	vld.idx.msk [tilespmem:v9+s2+$0x0], $0xffff  }
0x10f: {  	s13 =	sshll.u32 s10, $0x3;
	s14 =	sshll.u32 s7, $0x7;
	s9 =	sand.u32 $0x1800, s11;
	[tilespmem:s8+$0x18010] =	vst v7;
	v9 =	vor.u32 v4, v10;
	v7 =	vld.idx.msk [tilespmem:v20+s2+$0x0], $0xffff  }
0x110: {  	s7 =	sand.u32 $0x8, s12;
	s10 =	sand.u32 $0x380, s13;
	s9 =	sor.u32 s14, s9;
	[tilespmem:s8+$0x18020] =	vst v5;
	v10 =	vld.idx.msk [tilespmem:v14+s2+$0x0], $0xffff  }
0x111: {  	s11 =	sshll.u32 s7, $0x5;
	s9 =	sor.u32 s10, s9;
	[tilespmem:s8+$0x18030] =	vst v6;
	v5 =	vld.idx.msk [tilespmem:v12+s2+$0x0], $0xffff  }
0x112: {  	s10 =	sor.u32 $0x80, s11;
	v11 =	vld.idx.msk [tilespmem:v11+s2+$0x0], $0xffff;
	[tilespmem:s9+$0x18070] =	vst v13  }
0x113: {  	v12 =	vmov s10;
	v13 =	vld.idx.msk [tilespmem:v15+s2+$0x0], $0xffff;
	[tilespmem:s9+$0x18040] =	vst v8  }
0x114: {  	v6 =	vmov s11;
	s11 =	simm.s32 $0x0;
	v8 =	vshrl.u32 v12, $0x7;
	v9 =	vld.idx.msk [tilespmem:v9+s2+$0x0], $0xffff;
	[tilespmem:s9+$0x18050] =	vst v7  }
0x115: {  	v6 =	vshrl.u32 v6, $0x7;
	v12 =	vmov s11;
	v8 =	vshll.u32 v8, v1;
	[tilespmem:s9+$0x18060] =	vst v10  }
0x116: {  	v6 =	vshll.u32 v6, v1;
	v14 =	vshll.u32 v12, $0x9;
	v8 =	vbroadcast v8, $0x0;
	[tilespmem:s9+$0x18000] =	vst v5  }
0x117: {  	s12 =	simm.s32 $0x8;
	v7 =	vbroadcast v6, $0x0;
	v12 =	vshll.u32 v12, $0x7;
	v10 =	vand.u32 $0x3000, v14;
	[tilespmem:s9+$0x18010] =	vst v11  }
0x118: {  	s10 =	sand.u32 $0x8, s12;
	v5 =	vand.u32 $0x380, v12;
	v8 =	vadd.s32 v10, v8;
	[tilespmem:s9+$0x18020] =	vst v13  }
0x119: {  	s8 =	sshll.u32 s10, $0x5;
	v6 =	vor.u32 v10, v6;
	v7 =	vor.u32 v10, v7;
	v8 =	vor.u32 v5, v8;
	[tilespmem:s9+$0x18030] =	vst v9  }
0x11a: {  	s13 =	sor.u32 $0x80, s8;
	s11 =	simm.s32 $0x0;
	v6 =	vor.u32 v5, v6;
	v5 =	vor.u32 v5, v7;
	v7 =	vor.u32 v4, v8;
	s14 =	rddreg [dreg:$0xc]  }
0x11b: {  	v12 =	vmov s13;
	v14 =	vmov s11;
	v9 =	vor.u32 v0, v8;
	[tilespmem:s2], [sflag:$0x1] =	stream.linear.gather [hbm4b:s14+s2], $0x4000, $0x38;
	[tilespmem:$0x1C000] =	vst v63  }
0x11c: {  	v11 =	vmov s8;
	v12 =	vshrl.u32 v12, $0x7;
	v10 =	vor.u32 v2, v8;
	_ =	swait.ge [sflag:s0], $0x4000  }
0x11d: {  	v16 =	vshll.u32 v14, $0x9;
	v14 =	vshll.u32 v14, $0x7;
	v8 =	vor.u32 v3, v8;
	[sflag:s0] =	ssyncset.done $0x0  }
0x11e: {  	v12 =	vshll.u32 v12, v1;
	v6 =	vbroadcast v6, $0x0;
	v13 =	vor.u32 v2, v5;
	[sflag:s0] =	ssyncadd.s32 $0xFFFFC000  }
0x11f: {  	v11 =	vshrl.u32 v11, $0x7;
	v12 =	vbroadcast v12, $0x0;
	v15 =	vor.u32 v3, v5;
	v7 =	vld.idx.msk [tilespmem:v7+s29+$0x0], $0xffff  }
0x120: {  	v16 =	vand.u32 $0x3000, v16;
	v11 =	vshll.u32 v11, v1;
	v6 =	vor.u32 v0, v6;
	v9 =	vld.idx.msk [tilespmem:v9+s29+$0x0], $0xffff  }
0x121: {  	s7 =	sshll.u32 s7, $0x7;
	s12 =	simm.s32 $0x0;
	v14 =	vand.u32 $0x380, v14;
	v17 =	vbroadcast v11, $0x0;
	v12 =	vadd.s32 v16, v12;
	v10 =	vld.idx.msk [tilespmem:v10+s29+$0x0], $0xffff  }
0x122: {  	s13 =	sand.u32 $0x1800, s12;
	s8 =	simm.s32 $0x10;
	v18 =	vor.u32 v4, v5;
	v5 =	vor.u32 v16, v11;
	s14 =	simm.s32 $0x0;
	v11 =	vor.u32 v14, v12;
	v12 =	vld.idx.msk [tilespmem:v8+s29+$0x0], $0xffff  }
0x123: {  	s9 =	sor.u32 s7, s13;
	s7 =	sand.u32 $0x8, s8;
	v5 =	vor.u32 v14, v5;
	s11 =	sand.u32 $0x380, s14;
	v8 =	vor.u32 v16, v17;
	v16 =	vor.u32 v4, v11;
	v13 =	vld.idx.msk [tilespmem:v13+s29+$0x0], $0xffff  }
0x124: {  	s12 =	sshll.u32 s7, $0x5;
	v5 =	vbroadcast v5, $0x0;
	s9 =	sor.u32 s11, s9;
	v19 =	vor.u32 v2, v11;
	v20 =	vor.u32 v3, v11;
	v21 =	vld.idx.msk [tilespmem:v15+s29+$0x0], $0xffff  }
0x125: {  	s11 =	sor.u32 $0x80, s12;
	v17 =	vld.idx.msk [tilespmem:v6+s29+$0x0], $0xffff;
	v6 =	vor.u32 v14, v8;
	v14 =	vor.u32 v0, v11;
	v11 =	vmov s12;
	[tilespmem:s9+$0x1A070] =	vst v7  }
0x126: {  	v15 =	vmov s11;
	v8 =	vor.u32 v0, v5;
	v11 =	vshrl.u32 v11, $0x7;
	[tilespmem:s9+$0x1A040] =	vst v9  }
0x127: {  	s13 =	simm.s32 $0x1;
	v5 =	vor.u32 v3, v6;
	v7 =	vor.u32 v2, v6;
	v9 =	vld.idx.msk [tilespmem:v18+s29+$0x0], $0xffff;
	[tilespmem:s9+$0x1A050] =	vst v10;
	v10 =	vshrl.u32 v15, $0x7  }
0x128: {  	v18 =	vshll.u32 v11, v1;
	[tilespmem:s9+$0x1A060] =	vst v12;
	v11 =	vmov s13;
	v12 =	vld.idx.msk [tilespmem:v16+s29+$0x0], $0xffff;
	v10 =	vshll.u32 v10, v1  }
0x129: {  	s14 =	simm.s32 $0x80;
	[tilespmem:s9+$0x1A010] =	vst v13;
	v15 =	vshll.u32 v11, $0x9;
	v13 =	vshll.u32 v11, $0x7;
	v11 =	vld.idx.msk [tilespmem:v19+s29+$0x0], $0xffff;
	v22 =	vbroadcast v10, $0x0  }
0x12a: {  	s11 =	sand.u32 $0x1800, s14;
	v6 =	vor.u32 v4, v6;
	[tilespmem:s9+$0x1A020] =	vst v21;
	v10 =	vld.idx.msk [tilespmem:v14+s29+$0x0], $0xffff;
	v14 =	vbroadcast v18, $0x0;
	v16 =	vand.u32 $0x3000, v15  }
0x12b: {  	s12 =	simm.s32 $0x40;
	s13 =	sshll.u32 s10, $0x7;
	s10 =	simm.s32 $0x10;
	[tilespmem:s9+$0x1A000] =	vst v17;
	v15 =	vand.u32 $0x380, v13;
	v13 =	vld.idx.msk [tilespmem:v20+s29+$0x0], $0xffff;
	v17 =	vor.u32 v16, v18;
	v18 =	vadd.s32 v16, v22  }
.LBB2_12:
0x12c: {  	s8 =	sadd.s32 $0x8, s8;
	v17 =	vor.u32 v15, v17;
	v14 =	vor.u32 v16, v14;
	v16 =	vor.u32 v15, v18;
	v18 =	vld.idx.msk [tilespmem:v8+s29+$0x0], $0xffff;
	s12 =	sand.u32 $0x380, s12;
	s11 =	sor.u32 s13, s11  }
0x12d: {  	s13 =	sand.u32 $0x8, s8;
	p0 =	slt.u32 s8, $0x1F8;
	v8 =	vbroadcast v17, $0x0;
	v14 =	vor.u32 v15, v14;
	v15 =	vor.u32 v4, v16;
	v17 =	vld.idx.msk [tilespmem:v7+s29+$0x0], $0xffff;
	[tilespmem:s9+$0x1A030] =	vst v9;
	s9 =	sor.u32 s12, s11  }
0x12e: {  	v19 =	vor.u32 v0, v16;
	v20 =	vor.u32 v2, v16;
	v21 =	vor.u32 v3, v16;
	s12 =	smov.u32 s10;
	s10 =	smov.u32 s8;
	s11 =	sshll.u32 s13, $0x5;
	[tilespmem:s9+$0x1A070] =	vst v12  }
0x12f: {  	s14 =	smov.u32 s7;
	v7 =	vor.u32 v2, v14;
	s7 =	smov.u32 s13;
	v9 =	vmov s11;
	s11 =	sor.u32 $0x80, s11;
	v8 =	vor.u32 v0, v8;
	v22 =	vld.idx.msk [tilespmem:v5+s29+$0x0], $0xffff;
	[tilespmem:s9+$0x1A040] =	vst v10  }
0x130: {  	v5 =	vor.u32 v3, v14;
	v10 =	vshrl.u32 v9, $0x7;
	v12 =	vmov s11;
	v9 =	vld.idx.msk [tilespmem:v6+s29+$0x0], $0xffff;
	[tilespmem:s9+$0x1A050] =	vst v11  }
.Ltmp5:
0x131: {  	s11 =	sshrl.u32 s10, $0x4;
	v6 =	vor.u32 v4, v14;
	v23 =	vshll.u32 v10, v1;
	v10 =	vshrl.u32 v12, $0x7;
	[tilespmem:s9+$0x1A060] =	vst v13;
	(pc) =	sbr.rel @p0 .LBB2_12-.Ltmp5, $4  }
0x132: {  	v11 =	vmov s11;
	v14 =	vbroadcast v23, $0x0;
	v10 =	vshll.u32 v10, v1;
	v12 =	vld.idx.msk [tilespmem:v15+s29+$0x0], $0xffff;
	[tilespmem:s9+$0x1A000] =	vst v18  }
0x133: {  	v13 =	vshll.u32 v11, $0x9;
	v18 =	vbroadcast v10, $0x0;
	v10 =	vld.idx.msk [tilespmem:v19+s29+$0x0], $0xffff;
	[tilespmem:s9+$0x1A010] =	vst v17  }
0x134: {  	s11 =	sshll.u32 s12, $0x4;
	v16 =	vand.u32 $0x3000, v13;
	v13 =	vshll.u32 v11, $0x7;
	v11 =	vld.idx.msk [tilespmem:v20+s29+$0x0], $0xffff  }
0x135: {  	s13 =	sshll.u32 s14, $0x7;
	s12 =	sshll.u32 s12, $0x3;
	s11 =	sand.u32 $0x1800, s11;
	v15 =	vand.u32 $0x380, v13;
	v17 =	vor.u32 v16, v23;
	v18 =	vadd.s32 v16, v18;
	v13 =	vld.idx.msk [tilespmem:v21+s29+$0x0], $0xffff;
	[tilespmem:s9+$0x1A020] =	vst v22  }
0x136: {  	_ =	sdelay $0x1  }
0x137: {  	v18 =	vor.u32 v15, v18  }
0x138: {  	s8 =	sand.u32 $0x380, s12;
	s11 =	sor.u32 s13, s11;
	v19 =	vor.u32 v4, v18  }
0x139: {  	v17 =	vor.u32 v15, v17;
	v8 =	vld.idx.msk [tilespmem:v8+s29+$0x0], $0xffff;
	[tilespmem:s9+$0x1A030] =	vst v9;
	s8 =	sor.u32 s8, s11;
	v9 =	vor.u32 v0, v18  }
0x13a: {  	v7 =	vld.idx.msk [tilespmem:v7+s29+$0x0], $0xffff;
	v17 =	vbroadcast v17, $0x0;
	v20 =	vor.u32 v2, v18;
	[tilespmem:s8+$0x1A070] =	vst v12  }
0x13b: {  	v5 =	vld.idx.msk [tilespmem:v5+s29+$0x0], $0xffff;
	v12 =	vor.u32 v16, v14;
	v14 =	vor.u32 v3, v18;
	[tilespmem:s8+$0x1A040] =	vst v10  }
0x13c: {  	v6 =	vld.idx.msk [tilespmem:v6+s29+$0x0], $0xffff;
	v10 =	vor.u32 v15, v12;
	v12 =	vor.u32 v0, v17;
	[tilespmem:s8+$0x1A050] =	vst v11  }
0x13d: {  	v11 =	vor.u32 v2, v10;
	[tilespmem:s8+$0x1A060] =	vst v13;
	v13 =	vld.idx.msk [tilespmem:v19+s29+$0x0], $0xffff  }
0x13e: {  	s13 =	sshll.u32 s10, $0x4;
	v15 =	vor.u32 v3, v10;
	[tilespmem:s8+$0x1A000] =	vst v8;
	v8 =	vld.idx.msk [tilespmem:v9+s29+$0x0], $0xffff  }
0x13f: {  	s14 =	sshll.u32 s10, $0x3;
	s7 =	sshll.u32 s7, $0x7;
	s9 =	sand.u32 $0x1800, s13;
	[tilespmem:s8+$0x1A010] =	vst v7;
	v9 =	vor.u32 v4, v10;
	v7 =	vld.idx.msk [tilespmem:v20+s29+$0x0], $0xffff  }
0x140: {  	s10 =	sand.u32 $0x380, s14;
	s7 =	sor.u32 s7, s9;
	[tilespmem:s8+$0x1A020] =	vst v5;
	v10 =	vld.idx.msk [tilespmem:v14+s29+$0x0], $0xffff  }
0x141: {  	s9 =	sor.u32 s10, s7;
	[tilespmem:s8+$0x1A030] =	vst v6;
	v5 =	vld.idx.msk [tilespmem:v12+s29+$0x0], $0xffff  }
0x142: {  	v6 =	vld.idx.msk [tilespmem:v11+s29+$0x0], $0xffff;
	[tilespmem:s9+$0x1A070] =	vst v13  }
0x143: {  	v11 =	vld.idx.msk [tilespmem:v15+s29+$0x0], $0xffff;
	[tilespmem:s9+$0x1A040] =	vst v8  }
0x144: {  	s8 =	simm.s32 $0x0;
	v8 =	vld.idx.msk [tilespmem:v9+s29+$0x0], $0xffff;
	[tilespmem:s9+$0x1A050] =	vst v7  }
0x145: {  	s7 =	sand.u32 $0x8, s8;
	[tilespmem:s9+$0x1A060] =	vst v10  }
0x146: {  	s10 =	sshll.u32 s7, $0x5;
	[tilespmem:s9+$0x1A000] =	vst v5  }
0x147: {  	s11 =	simm.s32 $0x0;
	s8 =	sor.u32 $0x80, s10;
	[tilespmem:s9+$0x1A010] =	vst v6  }
0x148: {  	v7 =	vmov s11;
	[tilespmem:s9+$0x1A020] =	vst v11;
	v6 =	vmov s8  }
0x149: {  	s12 =	simm.s32 $0x18000;
	v9 =	vshll.u32 v7, $0x9;
	v5 =	vmov s10;
	v6 =	vshrl.u32 v6, $0x7;
	[tilespmem:s9+$0x1A030] =	vst v8  }
0x14a: {  	s13 =	simm.s32 $0x8;
	s11 =	simm.s32 $0x0;
	v7 =	vshll.u32 v7, $0x7;
	v5 =	vshrl.u32 v5, $0x7;
	v6 =	vshll.u32 v6, v1;
	s9 =	rddreg [dreg:$0xd]  }
0x14b: {  	v14 =	vmov s11;
	v5 =	vshll.u32 v5, v1;
	v6 =	vbroadcast v6, $0x0;
	[hbm4b:s9+s2] =	stream.linear.scatter [tilespmem:s12], [sflag:$0x2], $0x4000, $0x38;
	[tilespmem:$0x1C000] =	vst v63  }
0x14c: {  	v9 =	vand.u32 $0x3000, v9;
	v7 =	vand.u32 $0x380, v7;
	s10 =	sand.u32 $0x8, s13;
	v8 =	vbroadcast v5, $0x0  }
0x14d: {  	v16 =	vshll.u32 v14, $0x9;
	v14 =	vshll.u32 v14, $0x7;
	v6 =	vadd.s32 v9, v6;
	[tilespmem:s29], [sflag:$0x1] =	stream.linear.gather [hbm4b:s18+s2], $0x4000, $0x38;
	[tilespmem:$0x1C000] =	vst v63  }
0x14e: {  	s8 =	sshll.u32 s10, $0x5;
	v5 =	vor.u32 v9, v5;
	v8 =	vor.u32 v9, v8;
	v6 =	vor.u32 v7, v6;
	_ =	swait.ge [sflag:s0], $0x4000  }
0x14f: {  	s14 =	sor.u32 $0x80, s8;
	v5 =	vor.u32 v7, v5;
	v7 =	vor.u32 v7, v8;
	v8 =	vor.u32 v4, v6;
	[sflag:s0] =	ssyncset.done $0x0  }
0x150: {  	v16 =	vand.u32 $0x3000, v16;
	v12 =	vmov s14;
	v9 =	vor.u32 v0, v6;
	[sflag:s0] =	ssyncadd.s32 $0xFFFFC000  }
0x151: {  	v11 =	vmov s8;
	v12 =	vshrl.u32 v12, $0x7;
	v10 =	vor.u32 v2, v6;
	_ =	swait.ge [sflag:s5], $0x4000  }
0x152: {  	v5 =	vbroadcast v5, $0x0;
	v12 =	vshll.u32 v12, v1;
	v6 =	vor.u32 v3, v6;
	[sflag:s5] =	ssyncset.done $0x0  }
0x153: {  	v11 =	vshrl.u32 v11, $0x7;
	v12 =	vbroadcast v12, $0x0;
	v13 =	vor.u32 v2, v7;
	[sflag:s5] =	ssyncadd.s32 $0xFFFFC000  }
0x154: {  	v14 =	vand.u32 $0x380, v14;
	v11 =	vshll.u32 v11, v1;
	v5 =	vor.u32 v0, v5;
	v8 =	vld.idx.msk [tilespmem:v8+s30+$0x0], $0xffff  }
0x155: {  	s7 =	sshll.u32 s7, $0x7;
	s12 =	simm.s32 $0x0;
	v17 =	vbroadcast v11, $0x0;
	v15 =	vor.u32 v3, v7;
	v12 =	vadd.s32 v16, v12;
	v9 =	vld.idx.msk [tilespmem:v9+s30+$0x0], $0xffff  }
0x156: {  	s8 =	simm.s32 $0x10;
	s14 =	simm.s32 $0x0;
	s13 =	sand.u32 $0x1800, s12;
	v18 =	vor.u32 v4, v7;
	v7 =	vor.u32 v16, v11;
	v11 =	vor.u32 v14, v12;
	v10 =	vld.idx.msk [tilespmem:v10+s30+$0x0], $0xffff  }
0x157: {  	s11 =	sand.u32 $0x380, s14;
	s9 =	sor.u32 s7, s13;
	s7 =	sand.u32 $0x8, s8;
	v7 =	vor.u32 v14, v7;
	v12 =	vor.u32 v16, v17;
	v16 =	vor.u32 v4, v11;
	v6 =	vld.idx.msk [tilespmem:v6+s30+$0x0], $0xffff  }
0x158: {  	s9 =	sor.u32 s11, s9;
	s12 =	sshll.u32 s7, $0x5;
	v14 =	vor.u32 v14, v12;
	v19 =	vor.u32 v0, v11;
	v20 =	vor.u32 v2, v11;
	v13 =	vld.idx.msk [tilespmem:v13+s30+$0x0], $0xffff  }
0x159: {  	s11 =	sor.u32 $0x80, s12;
	v21 =	vor.u32 v3, v11;
	v11 =	vmov s12;
	v17 =	vld.idx.msk [tilespmem:v5+s30+$0x0], $0xffff;
	v5 =	vbroadcast v7, $0x0;
	[tilespmem:s9+$0x10070] =	vst v8  }
0x15a: {  	v12 =	vmov s11;
	v11 =	vshrl.u32 v11, $0x7;
	v7 =	vor.u32 v2, v14;
	v22 =	vld.idx.msk [tilespmem:v15+s30+$0x0], $0xffff;
	[tilespmem:s9+$0x10040] =	vst v9  }
0x15b: {  	s13 =	simm.s32 $0x1;
	v8 =	vor.u32 v0, v5;
	v5 =	vor.u32 v3, v14;
	v9 =	vld.idx.msk [tilespmem:v18+s30+$0x0], $0xffff;
	[tilespmem:s9+$0x10050] =	vst v10;
	v10 =	vshrl.u32 v12, $0x7  }
0x15c: {  	v18 =	vshll.u32 v11, v1;
	[tilespmem:s9+$0x10060] =	vst v6;
	v11 =	vmov s13;
	v12 =	vld.idx.msk [tilespmem:v16+s30+$0x0], $0xffff;
	v10 =	vshll.u32 v10, v1  }
0x15d: {  	s14 =	simm.s32 $0x80;
	[tilespmem:s9+$0x10010] =	vst v13;
	v15 =	vshll.u32 v11, $0x9;
	v13 =	vshll.u32 v11, $0x7;
	v11 =	vld.idx.msk [tilespmem:v20+s30+$0x0], $0xffff;
	v23 =	vbroadcast v10, $0x0  }
0x15e: {  	s11 =	sand.u32 $0x1800, s14;
	v6 =	vor.u32 v4, v14;
	[tilespmem:s9+$0x10000] =	vst v17;
	v14 =	vbroadcast v18, $0x0;
	v10 =	vld.idx.msk [tilespmem:v19+s30+$0x0], $0xffff;
	v16 =	vand.u32 $0x3000, v15  }
0x15f: {  	s12 =	simm.s32 $0x40;
	s13 =	sshll.u32 s10, $0x7;
	[tilespmem:s9+$0x10020] =	vst v22;
	s10 =	simm.s32 $0x10;
	v15 =	vand.u32 $0x380, v13;
	v13 =	vld.idx.msk [tilespmem:v21+s30+$0x0], $0xffff;
	v17 =	vor.u32 v16, v18;
	v18 =	vadd.s32 v16, v23  }
.LBB2_14:
0x160: {  	s8 =	sadd.s32 $0x8, s8;
	v17 =	vor.u32 v15, v17;
	v14 =	vor.u32 v16, v14;
	v16 =	vor.u32 v15, v18;
	v18 =	vld.idx.msk [tilespmem:v8+s30+$0x0], $0xffff;
	s12 =	sand.u32 $0x380, s12;
	s11 =	sor.u32 s13, s11  }
0x161: {  	s13 =	sand.u32 $0x8, s8;
	p0 =	slt.u32 s8, $0x1F8;
	v8 =	vbroadcast v17, $0x0;
	v14 =	vor.u32 v15, v14;
	v15 =	vor.u32 v4, v16;
	v17 =	vld.idx.msk [tilespmem:v7+s30+$0x0], $0xffff;
	[tilespmem:s9+$0x10030] =	vst v9;
	s9 =	sor.u32 s12, s11  }
0x162: {  	v19 =	vor.u32 v0, v16;
	v20 =	vor.u32 v2, v16;
	v21 =	vor.u32 v3, v16;
	s12 =	smov.u32 s10;
	s10 =	smov.u32 s8;
	s11 =	sshll.u32 s13, $0x5;
	[tilespmem:s9+$0x10070] =	vst v12  }
0x163: {  	s14 =	smov.u32 s7;
	v7 =	vor.u32 v2, v14;
	s7 =	smov.u32 s13;
	v9 =	vmov s11;
	s11 =	sor.u32 $0x80, s11;
	v8 =	vor.u32 v0, v8;
	v22 =	vld.idx.msk [tilespmem:v5+s30+$0x0], $0xffff;
	[tilespmem:s9+$0x10040] =	vst v10  }
0x164: {  	v5 =	vor.u32 v3, v14;
	v10 =	vshrl.u32 v9, $0x7;
	v12 =	vmov s11;
	v9 =	vld.idx.msk [tilespmem:v6+s30+$0x0], $0xffff;
	[tilespmem:s9+$0x10050] =	vst v11  }
.Ltmp6:
0x165: {  	s11 =	sshrl.u32 s10, $0x4;
	v6 =	vor.u32 v4, v14;
	v23 =	vshll.u32 v10, v1;
	v10 =	vshrl.u32 v12, $0x7;
	[tilespmem:s9+$0x10060] =	vst v13;
	(pc) =	sbr.rel @p0 .LBB2_14-.Ltmp6, $4  }
0x166: {  	v11 =	vmov s11;
	v14 =	vbroadcast v23, $0x0;
	v10 =	vshll.u32 v10, v1;
	v12 =	vld.idx.msk [tilespmem:v15+s30+$0x0], $0xffff;
	[tilespmem:s9+$0x10000] =	vst v18  }
0x167: {  	v13 =	vshll.u32 v11, $0x9;
	v18 =	vbroadcast v10, $0x0;
	v10 =	vld.idx.msk [tilespmem:v19+s30+$0x0], $0xffff;
	[tilespmem:s9+$0x10010] =	vst v17  }
0x168: {  	s11 =	sshll.u32 s12, $0x4;
	v16 =	vand.u32 $0x3000, v13;
	v13 =	vshll.u32 v11, $0x7;
	v11 =	vld.idx.msk [tilespmem:v20+s30+$0x0], $0xffff  }
0x169: {  	s13 =	sshll.u32 s14, $0x7;
	s12 =	sshll.u32 s12, $0x3;
	s11 =	sand.u32 $0x1800, s11;
	v15 =	vand.u32 $0x380, v13;
	v17 =	vor.u32 v16, v23;
	v18 =	vadd.s32 v16, v18;
	v13 =	vld.idx.msk [tilespmem:v21+s30+$0x0], $0xffff;
	[tilespmem:s9+$0x10020] =	vst v22  }
0x16a: {  	_ =	sdelay $0x1  }
0x16b: {  	v18 =	vor.u32 v15, v18  }
0x16c: {  	s8 =	sand.u32 $0x380, s12;
	s11 =	sor.u32 s13, s11;
	v19 =	vor.u32 v4, v18  }
0x16d: {  	v17 =	vor.u32 v15, v17;
	v8 =	vld.idx.msk [tilespmem:v8+s30+$0x0], $0xffff;
	[tilespmem:s9+$0x10030] =	vst v9;
	s8 =	sor.u32 s8, s11;
	v9 =	vor.u32 v0, v18  }
0x16e: {  	v7 =	vld.idx.msk [tilespmem:v7+s30+$0x0], $0xffff;
	v17 =	vbroadcast v17, $0x0;
	v20 =	vor.u32 v2, v18;
	[tilespmem:s8+$0x10070] =	vst v12  }
0x16f: {  	v5 =	vld.idx.msk [tilespmem:v5+s30+$0x0], $0xffff;
	v12 =	vor.u32 v16, v14;
	v14 =	vor.u32 v3, v18;
	[tilespmem:s8+$0x10040] =	vst v10  }
0x170: {  	v6 =	vld.idx.msk [tilespmem:v6+s30+$0x0], $0xffff;
	v10 =	vor.u32 v15, v12;
	v12 =	vor.u32 v0, v17;
	[tilespmem:s8+$0x10050] =	vst v11  }
0x171: {  	v11 =	vor.u32 v2, v10;
	[tilespmem:s8+$0x10060] =	vst v13;
	v13 =	vld.idx.msk [tilespmem:v19+s30+$0x0], $0xffff  }
0x172: {  	s12 =	simm.s32 $0x0;
	s13 =	sshll.u32 s10, $0x3;
	s11 =	sshll.u32 s10, $0x4;
	v15 =	vor.u32 v3, v10;
	[tilespmem:s8+$0x10000] =	vst v8;
	v8 =	vld.idx.msk [tilespmem:v9+s30+$0x0], $0xffff  }
0x173: {  	s14 =	sshll.u32 s7, $0x7;
	s7 =	sand.u32 $0x8, s12;
	s9 =	sand.u32 $0x1800, s11;
	[tilespmem:s8+$0x10010] =	vst v7;
	v9 =	vor.u32 v4, v10;
	v7 =	vld.idx.msk [tilespmem:v20+s30+$0x0], $0xffff  }
0x174: {  	s10 =	sand.u32 $0x380, s13;
	s11 =	sshll.u32 s7, $0x5;
	s9 =	sor.u32 s14, s9;
	[tilespmem:s8+$0x10020] =	vst v5;
	v10 =	vld.idx.msk [tilespmem:v14+s30+$0x0], $0xffff  }
0x175: {  	s9 =	sor.u32 s10, s9;
	[tilespmem:s8+$0x10030] =	vst v6;
	v6 =	vmov s11;
	s11 =	sor.u32 $0x80, s11;
	v5 =	vld.idx.msk [tilespmem:v12+s30+$0x0], $0xffff  }
0x176: {  	v12 =	vmov s11;
	v11 =	vld.idx.msk [tilespmem:v11+s30+$0x0], $0xffff;
	[tilespmem:s9+$0x10070] =	vst v13  }
0x177: {  	s12 =	simm.s32 $0x0;
	v13 =	vld.idx.msk [tilespmem:v15+s30+$0x0], $0xffff;
	[tilespmem:s9+$0x10040] =	vst v8;
	v8 =	vshrl.u32 v12, $0x7  }
0x178: {  	v6 =	vshrl.u32 v6, $0x7;
	v12 =	vmov s12;
	v9 =	vld.idx.msk [tilespmem:v9+s30+$0x0], $0xffff;
	[tilespmem:s9+$0x10050] =	vst v7;
	v8 =	vshll.u32 v8, v1  }
0x179: {  	v6 =	vshll.u32 v6, v1;
	v14 =	vshll.u32 v12, $0x9;
	[tilespmem:s9+$0x10060] =	vst v10;
	v8 =	vbroadcast v8, $0x0  }
0x17a: {  	s13 =	simm.s32 $0x8;
	v7 =	vbroadcast v6, $0x0;
	v12 =	vshll.u32 v12, $0x7;
	v10 =	vand.u32 $0x3000, v14;
	[tilespmem:s9+$0x10000] =	vst v5  }
0x17b: {  	s10 =	sand.u32 $0x8, s13;
	v5 =	vand.u32 $0x380, v12;
	[tilespmem:s9+$0x10010] =	vst v11;
	v8 =	vadd.s32 v10, v8  }
0x17c: {  	s8 =	sshll.u32 s10, $0x5;
	v6 =	vor.u32 v10, v6;
	v7 =	vor.u32 v10, v7;
	[tilespmem:s9+$0x10020] =	vst v13;
	v8 =	vor.u32 v5, v8  }
0x17d: {  	s14 =	sor.u32 $0x80, s8;
	s11 =	simm.s32 $0x0;
	v6 =	vor.u32 v5, v6;
	v5 =	vor.u32 v5, v7;
	[tilespmem:s9+$0x10030] =	vst v9;
	v7 =	vor.u32 v4, v8  }
0x17e: {  	v12 =	vmov s14;
	v14 =	vmov s11;
	v9 =	vor.u32 v0, v8;
	[tilespmem:s30], [sflag:$0x1] =	stream.linear.gather [hbm4b:s15+s2], $0x4000, $0x38;
	[tilespmem:$0x1C000] =	vst v63  }
0x17f: {  	v11 =	vmov s8;
	v12 =	vshrl.u32 v12, $0x7;
	v10 =	vor.u32 v2, v8;
	_ =	swait.ge [sflag:s0], $0x4000  }
0x180: {  	v16 =	vshll.u32 v14, $0x9;
	v14 =	vshll.u32 v14, $0x7;
	v8 =	vor.u32 v3, v8;
	[sflag:s0] =	ssyncset.done $0x0  }
0x181: {  	v12 =	vshll.u32 v12, v1;
	v6 =	vbroadcast v6, $0x0;
	v13 =	vor.u32 v2, v5;
	[sflag:s0] =	ssyncadd.s32 $0xFFFFC000  }
0x182: {  	v11 =	vshrl.u32 v11, $0x7;
	v12 =	vbroadcast v12, $0x0;
	v15 =	vor.u32 v3, v5;
	v7 =	vld.idx.msk [tilespmem:v7+s31+$0x0], $0xffff  }
0x183: {  	v16 =	vand.u32 $0x3000, v16;
	v11 =	vshll.u32 v11, v1;
	v6 =	vor.u32 v0, v6;
	v9 =	vld.idx.msk [tilespmem:v9+s31+$0x0], $0xffff  }
0x184: {  	s7 =	sshll.u32 s7, $0x7;
	s12 =	simm.s32 $0x0;
	v14 =	vand.u32 $0x380, v14;
	v17 =	vbroadcast v11, $0x0;
	v12 =	vadd.s32 v16, v12;
	v10 =	vld.idx.msk [tilespmem:v10+s31+$0x0], $0xffff  }
0x185: {  	s13 =	sand.u32 $0x1800, s12;
	s14 =	simm.s32 $0x0;
	s8 =	simm.s32 $0x10;
	v18 =	vor.u32 v4, v5;
	v5 =	vor.u32 v16, v11;
	v11 =	vor.u32 v14, v12;
	v12 =	vld.idx.msk [tilespmem:v8+s31+$0x0], $0xffff  }
0x186: {  	s11 =	sand.u32 $0x380, s14;
	s9 =	sor.u32 s7, s13;
	s7 =	sand.u32 $0x8, s8;
	v5 =	vor.u32 v14, v5;
	v8 =	vor.u32 v16, v17;
	v16 =	vor.u32 v4, v11;
	v13 =	vld.idx.msk [tilespmem:v13+s31+$0x0], $0xffff  }
0x187: {  	s9 =	sor.u32 s11, s9;
	s12 =	sshll.u32 s7, $0x5;
	v5 =	vbroadcast v5, $0x0;
	v19 =	vor.u32 v2, v11;
	v20 =	vor.u32 v3, v11;
	v21 =	vld.idx.msk [tilespmem:v15+s31+$0x0], $0xffff  }
0x188: {  	s11 =	sor.u32 $0x80, s12;
	v17 =	vld.idx.msk [tilespmem:v6+s31+$0x0], $0xffff;
	v6 =	vor.u32 v14, v8;
	v14 =	vor.u32 v0, v11;
	v11 =	vmov s12;
	[tilespmem:s9+$0x12070] =	vst v7  }
0x189: {  	v15 =	vmov s11;
	v8 =	vor.u32 v0, v5;
	v11 =	vshrl.u32 v11, $0x7;
	[tilespmem:s9+$0x12040] =	vst v9  }
0x18a: {  	s13 =	simm.s32 $0x1;
	v5 =	vor.u32 v3, v6;
	v7 =	vor.u32 v2, v6;
	v9 =	vld.idx.msk [tilespmem:v18+s31+$0x0], $0xffff;
	[tilespmem:s9+$0x12050] =	vst v10;
	v10 =	vshrl.u32 v15, $0x7  }
0x18b: {  	v18 =	vshll.u32 v11, v1;
	[tilespmem:s9+$0x12060] =	vst v12;
	v11 =	vmov s13;
	v12 =	vld.idx.msk [tilespmem:v16+s31+$0x0], $0xffff;
	v10 =	vshll.u32 v10, v1  }
0x18c: {  	s14 =	simm.s32 $0x80;
	[tilespmem:s9+$0x12010] =	vst v13;
	v15 =	vshll.u32 v11, $0x9;
	v13 =	vshll.u32 v11, $0x7;
	v11 =	vld.idx.msk [tilespmem:v19+s31+$0x0], $0xffff;
	v22 =	vbroadcast v10, $0x0  }
0x18d: {  	s11 =	sand.u32 $0x1800, s14;
	v6 =	vor.u32 v4, v6;
	[tilespmem:s9+$0x12020] =	vst v21;
	v10 =	vld.idx.msk [tilespmem:v14+s31+$0x0], $0xffff;
	v14 =	vbroadcast v18, $0x0;
	v16 =	vand.u32 $0x3000, v15  }
0x18e: {  	s12 =	simm.s32 $0x40;
	s13 =	sshll.u32 s10, $0x7;
	s10 =	simm.s32 $0x10;
	[tilespmem:s9+$0x12000] =	vst v17;
	v15 =	vand.u32 $0x380, v13;
	v13 =	vld.idx.msk [tilespmem:v20+s31+$0x0], $0xffff;
	v17 =	vor.u32 v16, v18;
	v18 =	vadd.s32 v16, v22  }
.LBB2_16:
0x18f: {  	s8 =	sadd.s32 $0x8, s8;
	v17 =	vor.u32 v15, v17;
	v14 =	vor.u32 v16, v14;
	v16 =	vor.u32 v15, v18;
	v18 =	vld.idx.msk [tilespmem:v8+s31+$0x0], $0xffff;
	s12 =	sand.u32 $0x380, s12;
	s11 =	sor.u32 s13, s11  }
0x190: {  	s13 =	sand.u32 $0x8, s8;
	p0 =	slt.u32 s8, $0x1F8;
	v8 =	vbroadcast v17, $0x0;
	v14 =	vor.u32 v15, v14;
	v15 =	vor.u32 v4, v16;
	v17 =	vld.idx.msk [tilespmem:v7+s31+$0x0], $0xffff;
	[tilespmem:s9+$0x12030] =	vst v9;
	s9 =	sor.u32 s12, s11  }
0x191: {  	v19 =	vor.u32 v0, v16;
	v20 =	vor.u32 v2, v16;
	v21 =	vor.u32 v3, v16;
	s12 =	smov.u32 s10;
	s10 =	smov.u32 s8;
	s11 =	sshll.u32 s13, $0x5;
	[tilespmem:s9+$0x12070] =	vst v12  }
0x192: {  	s14 =	smov.u32 s7;
	v7 =	vor.u32 v2, v14;
	s7 =	smov.u32 s13;
	v9 =	vmov s11;
	s11 =	sor.u32 $0x80, s11;
	v8 =	vor.u32 v0, v8;
	v22 =	vld.idx.msk [tilespmem:v5+s31+$0x0], $0xffff;
	[tilespmem:s9+$0x12040] =	vst v10  }
0x193: {  	v5 =	vor.u32 v3, v14;
	v10 =	vshrl.u32 v9, $0x7;
	v12 =	vmov s11;
	v9 =	vld.idx.msk [tilespmem:v6+s31+$0x0], $0xffff;
	[tilespmem:s9+$0x12050] =	vst v11  }
.Ltmp7:
0x194: {  	s11 =	sshrl.u32 s10, $0x4;
	v6 =	vor.u32 v4, v14;
	v23 =	vshll.u32 v10, v1;
	v10 =	vshrl.u32 v12, $0x7;
	[tilespmem:s9+$0x12060] =	vst v13;
	(pc) =	sbr.rel @p0 .LBB2_16-.Ltmp7, $4  }
0x195: {  	v11 =	vmov s11;
	v14 =	vbroadcast v23, $0x0;
	v10 =	vshll.u32 v10, v1;
	v12 =	vld.idx.msk [tilespmem:v15+s31+$0x0], $0xffff;
	[tilespmem:s9+$0x12000] =	vst v18  }
0x196: {  	v13 =	vshll.u32 v11, $0x9;
	v18 =	vbroadcast v10, $0x0;
	v10 =	vld.idx.msk [tilespmem:v19+s31+$0x0], $0xffff;
	[tilespmem:s9+$0x12010] =	vst v17  }
0x197: {  	s11 =	sshll.u32 s12, $0x4;
	v16 =	vand.u32 $0x3000, v13;
	v13 =	vshll.u32 v11, $0x7;
	v11 =	vld.idx.msk [tilespmem:v20+s31+$0x0], $0xffff  }
0x198: {  	s13 =	sshll.u32 s14, $0x7;
	s12 =	sshll.u32 s12, $0x3;
	s11 =	sand.u32 $0x1800, s11;
	v15 =	vand.u32 $0x380, v13;
	v17 =	vor.u32 v16, v23;
	v18 =	vadd.s32 v16, v18;
	v13 =	vld.idx.msk [tilespmem:v21+s31+$0x0], $0xffff;
	[tilespmem:s9+$0x12020] =	vst v22  }
0x199: {  	_ =	sdelay $0x1  }
0x19a: {  	v18 =	vor.u32 v15, v18  }
0x19b: {  	s8 =	sand.u32 $0x380, s12;
	s11 =	sor.u32 s13, s11;
	v19 =	vor.u32 v4, v18  }
0x19c: {  	v17 =	vor.u32 v15, v17;
	v8 =	vld.idx.msk [tilespmem:v8+s31+$0x0], $0xffff;
	[tilespmem:s9+$0x12030] =	vst v9;
	s8 =	sor.u32 s8, s11;
	v9 =	vor.u32 v0, v18  }
0x19d: {  	v7 =	vld.idx.msk [tilespmem:v7+s31+$0x0], $0xffff;
	v17 =	vbroadcast v17, $0x0;
	v20 =	vor.u32 v2, v18;
	[tilespmem:s8+$0x12070] =	vst v12  }
0x19e: {  	v5 =	vld.idx.msk [tilespmem:v5+s31+$0x0], $0xffff;
	v12 =	vor.u32 v16, v14;
	v14 =	vor.u32 v3, v18;
	[tilespmem:s8+$0x12040] =	vst v10  }
0x19f: {  	v6 =	vld.idx.msk [tilespmem:v6+s31+$0x0], $0xffff;
	v10 =	vor.u32 v15, v12;
	v12 =	vor.u32 v0, v17;
	[tilespmem:s8+$0x12050] =	vst v11  }
0x1a0: {  	v11 =	vor.u32 v2, v10;
	[tilespmem:s8+$0x12060] =	vst v13;
	v13 =	vld.idx.msk [tilespmem:v19+s31+$0x0], $0xffff  }
0x1a1: {  	s13 =	sshll.u32 s10, $0x4;
	v15 =	vor.u32 v3, v10;
	[tilespmem:s8+$0x12000] =	vst v8;
	v8 =	vld.idx.msk [tilespmem:v9+s31+$0x0], $0xffff  }
0x1a2: {  	s14 =	sshll.u32 s10, $0x3;
	s7 =	sshll.u32 s7, $0x7;
	s9 =	sand.u32 $0x1800, s13;
	[tilespmem:s8+$0x12010] =	vst v7;
	v9 =	vor.u32 v4, v10;
	v7 =	vld.idx.msk [tilespmem:v20+s31+$0x0], $0xffff  }
0x1a3: {  	s10 =	sand.u32 $0x380, s14;
	s7 =	sor.u32 s7, s9;
	[tilespmem:s8+$0x12020] =	vst v5;
	v10 =	vld.idx.msk [tilespmem:v14+s31+$0x0], $0xffff  }
0x1a4: {  	s9 =	sor.u32 s10, s7;
	[tilespmem:s8+$0x12030] =	vst v6;
	v5 =	vld.idx.msk [tilespmem:v12+s31+$0x0], $0xffff  }
0x1a5: {  	v6 =	vld.idx.msk [tilespmem:v11+s31+$0x0], $0xffff;
	[tilespmem:s9+$0x12070] =	vst v13  }
0x1a6: {  	s10 =	simm.s32 $0x0;
	v11 =	vld.idx.msk [tilespmem:v15+s31+$0x0], $0xffff;
	[tilespmem:s9+$0x12040] =	vst v8  }
0x1a7: {  	s7 =	sand.u32 $0x8, s10;
	v8 =	vld.idx.msk [tilespmem:v9+s31+$0x0], $0xffff;
	[tilespmem:s9+$0x12050] =	vst v7  }
0x1a8: {  	s11 =	sshll.u32 s7, $0x5;
	[tilespmem:s9+$0x12060] =	vst v10  }
0x1a9: {  	s12 =	simm.s32 $0x0;
	s8 =	sor.u32 $0x80, s11;
	[tilespmem:s9+$0x12000] =	vst v5  }
0x1aa: {  	v7 =	vmov s12;
	[tilespmem:s9+$0x12010] =	vst v6;
	v6 =	vmov s8  }
0x1ab: {  	s13 =	simm.s32 $0x8;
	v9 =	vshll.u32 v7, $0x9;
	v5 =	vmov s11;
	[tilespmem:s9+$0x12020] =	vst v11;
	v6 =	vshrl.u32 v6, $0x7  }
0x1ac: {  	s10 =	sand.u32 $0x8, s13;
	v7 =	vshll.u32 v7, $0x7;
	s11 =	simm.s32 $0x0;
	v5 =	vshrl.u32 v5, $0x7;
	[tilespmem:s9+$0x12030] =	vst v8;
	v6 =	vshll.u32 v6, v1  }
0x1ad: {  	v9 =	vand.u32 $0x3000, v9;
	v5 =	vshll.u32 v5, v1;
	[hbm4b:s19+s2] =	stream.linear.scatter [tilespmem:s1], [sflag:$0x2], $0x4000, $0x38;
	v6 =	vbroadcast v6, $0x0;
	[tilespmem:$0x1C000] =	vst v63  }
0x1ae: {  	v7 =	vand.u32 $0x380, v7;
	s8 =	sshll.u32 s10, $0x5;
	v14 =	vmov s11;
	v8 =	vbroadcast v5, $0x0  }
0x1af: {  	v11 =	vmov s8;
	v16 =	vshll.u32 v14, $0x9;
	[tilespmem:s31], [sflag:$0x1] =	stream.linear.gather [hbm4b:s24+s2], $0x4000, $0x38;
	v6 =	vadd.s32 v9, v6;
	[tilespmem:$0x1C000] =	vst v63  }
0x1b0: {  	v5 =	vor.u32 v9, v5;
	v8 =	vor.u32 v9, v8;
	_ =	swait.ge [sflag:s0], $0x4000;
	v6 =	vor.u32 v7, v6  }
0x1b1: {  	s14 =	sor.u32 $0x80, s8;
	v5 =	vor.u32 v7, v5;
	v7 =	vor.u32 v7, v8;
	[sflag:s0] =	ssyncset.done $0x0;
	v8 =	vor.u32 v4, v6  }
0x1b2: {  	v14 =	vshll.u32 v14, $0x7;
	v12 =	vmov s14;
	v9 =	vor.u32 v0, v6;
	[sflag:s0] =	ssyncadd.s32 $0xFFFFC000  }
0x1b3: {  	v11 =	vshrl.u32 v11, $0x7;
	v12 =	vshrl.u32 v12, $0x7;
	v10 =	vor.u32 v2, v6;
	_ =	swait.ge [sflag:s5], $0x4000  }
0x1b4: {  	v5 =	vbroadcast v5, $0x0;
	v12 =	vshll.u32 v12, v1;
	v6 =	vor.u32 v3, v6;
	[sflag:s5] =	ssyncset.done $0x0  }
0x1b5: {  	v16 =	vand.u32 $0x3000, v16;
	v12 =	vbroadcast v12, $0x0;
	v13 =	vor.u32 v2, v7;
	[sflag:s5] =	ssyncadd.s32 $0xFFFFC000  }
0x1b6: {  	v14 =	vand.u32 $0x380, v14;
	v11 =	vshll.u32 v11, v1;
	v5 =	vor.u32 v0, v5;
	v8 =	vld.idx.msk [tilespmem:v8+s2+$0x0], $0xffff  }
0x1b7: {  	s7 =	sshll.u32 s7, $0x7;
	s12 =	simm.s32 $0x0;
	v17 =	vbroadcast v11, $0x0;
	v15 =	vor.u32 v3, v7;
	v12 =	vadd.s32 v16, v12;
	v9 =	vld.idx.msk [tilespmem:v9+s2+$0x0], $0xffff  }
0x1b8: {  	s13 =	sand.u32 $0x1800, s12;
	s8 =	simm.s32 $0x10;
	s14 =	simm.s32 $0x0;
	v18 =	vor.u32 v4, v7;
	v7 =	vor.u32 v16, v11;
	v11 =	vor.u32 v14, v12;
	v10 =	vld.idx.msk [tilespmem:v10+s2+$0x0], $0xffff  }
0x1b9: {  	s9 =	sor.u32 s7, s13;
	s7 =	sand.u32 $0x8, s8;
	s11 =	sand.u32 $0x380, s14;
	v7 =	vor.u32 v14, v7;
	v12 =	vor.u32 v16, v17;
	v16 =	vor.u32 v4, v11;
	v6 =	vld.idx.msk [tilespmem:v6+s2+$0x0], $0xffff  }
0x1ba: {  	s12 =	sshll.u32 s7, $0x5;
	s9 =	sor.u32 s11, s9;
	v14 =	vor.u32 v14, v12;
	v19 =	vor.u32 v0, v11;
	v20 =	vor.u32 v2, v11;
	v13 =	vld.idx.msk [tilespmem:v13+s2+$0x0], $0xffff  }
0x1bb: {  	s11 =	sor.u32 $0x80, s12;
	v21 =	vor.u32 v3, v11;
	v11 =	vmov s12;
	v17 =	vld.idx.msk [tilespmem:v5+s2+$0x0], $0xffff;
	v5 =	vbroadcast v7, $0x0;
	[tilespmem:s9+$0x14070] =	vst v8  }
0x1bc: {  	v12 =	vmov s11;
	v11 =	vshrl.u32 v11, $0x7;
	v7 =	vor.u32 v2, v14;
	v22 =	vld.idx.msk [tilespmem:v15+s2+$0x0], $0xffff;
	[tilespmem:s9+$0x14040] =	vst v9  }
0x1bd: {  	s13 =	simm.s32 $0x1;
	v8 =	vor.u32 v0, v5;
	v5 =	vor.u32 v3, v14;
	v9 =	vld.idx.msk [tilespmem:v18+s2+$0x0], $0xffff;
	[tilespmem:s9+$0x14050] =	vst v10;
	v10 =	vshrl.u32 v12, $0x7  }
0x1be: {  	v18 =	vshll.u32 v11, v1;
	[tilespmem:s9+$0x14060] =	vst v6;
	v11 =	vmov s13;
	v12 =	vld.idx.msk [tilespmem:v16+s2+$0x0], $0xffff;
	v10 =	vshll.u32 v10, v1  }
0x1bf: {  	s14 =	simm.s32 $0x80;
	[tilespmem:s9+$0x14010] =	vst v13;
	v15 =	vshll.u32 v11, $0x9;
	v13 =	vshll.u32 v11, $0x7;
	v11 =	vld.idx.msk [tilespmem:v20+s2+$0x0], $0xffff;
	v23 =	vbroadcast v10, $0x0  }
0x1c0: {  	s11 =	sand.u32 $0x1800, s14;
	v6 =	vor.u32 v4, v14;
	[tilespmem:s9+$0x14000] =	vst v17;
	v14 =	vbroadcast v18, $0x0;
	v10 =	vld.idx.msk [tilespmem:v19+s2+$0x0], $0xffff;
	v16 =	vand.u32 $0x3000, v15  }
0x1c1: {  	s12 =	simm.s32 $0x40;
	s13 =	sshll.u32 s10, $0x7;
	[tilespmem:s9+$0x14020] =	vst v22;
	s10 =	simm.s32 $0x10;
	v15 =	vand.u32 $0x380, v13;
	v13 =	vld.idx.msk [tilespmem:v21+s2+$0x0], $0xffff;
	v17 =	vor.u32 v16, v18;
	v18 =	vadd.s32 v16, v23  }
.LBB2_18:
0x1c2: {  	s8 =	sadd.s32 $0x8, s8;
	v17 =	vor.u32 v15, v17;
	v14 =	vor.u32 v16, v14;
	v16 =	vor.u32 v15, v18;
	v18 =	vld.idx.msk [tilespmem:v8+s2+$0x0], $0xffff;
	s12 =	sand.u32 $0x380, s12;
	s11 =	sor.u32 s13, s11  }
0x1c3: {  	s13 =	sand.u32 $0x8, s8;
	p0 =	slt.u32 s8, $0x1F8;
	v8 =	vbroadcast v17, $0x0;
	v14 =	vor.u32 v15, v14;
	v15 =	vor.u32 v4, v16;
	v17 =	vld.idx.msk [tilespmem:v7+s2+$0x0], $0xffff;
	[tilespmem:s9+$0x14030] =	vst v9;
	s9 =	sor.u32 s12, s11  }
0x1c4: {  	v19 =	vor.u32 v0, v16;
	v20 =	vor.u32 v2, v16;
	v21 =	vor.u32 v3, v16;
	s12 =	smov.u32 s10;
	s10 =	smov.u32 s8;
	s11 =	sshll.u32 s13, $0x5;
	[tilespmem:s9+$0x14070] =	vst v12  }
0x1c5: {  	s14 =	smov.u32 s7;
	v7 =	vor.u32 v2, v14;
	s7 =	smov.u32 s13;
	v9 =	vmov s11;
	s11 =	sor.u32 $0x80, s11;
	v8 =	vor.u32 v0, v8;
	v22 =	vld.idx.msk [tilespmem:v5+s2+$0x0], $0xffff;
	[tilespmem:s9+$0x14040] =	vst v10  }
0x1c6: {  	v5 =	vor.u32 v3, v14;
	v10 =	vshrl.u32 v9, $0x7;
	v12 =	vmov s11;
	v9 =	vld.idx.msk [tilespmem:v6+s2+$0x0], $0xffff;
	[tilespmem:s9+$0x14050] =	vst v11  }
.Ltmp8:
0x1c7: {  	s11 =	sshrl.u32 s10, $0x4;
	v6 =	vor.u32 v4, v14;
	v23 =	vshll.u32 v10, v1;
	v10 =	vshrl.u32 v12, $0x7;
	[tilespmem:s9+$0x14060] =	vst v13;
	(pc) =	sbr.rel @p0 .LBB2_18-.Ltmp8, $4  }
0x1c8: {  	v11 =	vmov s11;
	v14 =	vbroadcast v23, $0x0;
	v10 =	vshll.u32 v10, v1;
	v12 =	vld.idx.msk [tilespmem:v15+s2+$0x0], $0xffff;
	[tilespmem:s9+$0x14000] =	vst v18  }
0x1c9: {  	v13 =	vshll.u32 v11, $0x9;
	v18 =	vbroadcast v10, $0x0;
	v10 =	vld.idx.msk [tilespmem:v19+s2+$0x0], $0xffff;
	[tilespmem:s9+$0x14010] =	vst v17  }
0x1ca: {  	s11 =	sshll.u32 s12, $0x4;
	v16 =	vand.u32 $0x3000, v13;
	v13 =	vshll.u32 v11, $0x7;
	v11 =	vld.idx.msk [tilespmem:v20+s2+$0x0], $0xffff  }
0x1cb: {  	s13 =	sshll.u32 s14, $0x7;
	s12 =	sshll.u32 s12, $0x3;
	s11 =	sand.u32 $0x1800, s11;
	v15 =	vand.u32 $0x380, v13;
	v17 =	vor.u32 v16, v23;
	v18 =	vadd.s32 v16, v18;
	v13 =	vld.idx.msk [tilespmem:v21+s2+$0x0], $0xffff;
	[tilespmem:s9+$0x14020] =	vst v22  }
0x1cc: {  	_ =	sdelay $0x1  }
0x1cd: {  	v18 =	vor.u32 v15, v18  }
0x1ce: {  	s8 =	sand.u32 $0x380, s12;
	s11 =	sor.u32 s13, s11;
	v19 =	vor.u32 v4, v18  }
0x1cf: {  	v17 =	vor.u32 v15, v17;
	v8 =	vld.idx.msk [tilespmem:v8+s2+$0x0], $0xffff;
	[tilespmem:s9+$0x14030] =	vst v9;
	s8 =	sor.u32 s8, s11;
	v9 =	vor.u32 v0, v18  }
0x1d0: {  	v7 =	vld.idx.msk [tilespmem:v7+s2+$0x0], $0xffff;
	v17 =	vbroadcast v17, $0x0;
	v20 =	vor.u32 v2, v18;
	[tilespmem:s8+$0x14070] =	vst v12  }
0x1d1: {  	v5 =	vld.idx.msk [tilespmem:v5+s2+$0x0], $0xffff;
	v12 =	vor.u32 v16, v14;
	v14 =	vor.u32 v3, v18;
	[tilespmem:s8+$0x14040] =	vst v10  }
0x1d2: {  	v6 =	vld.idx.msk [tilespmem:v6+s2+$0x0], $0xffff;
	v10 =	vor.u32 v15, v12;
	v12 =	vor.u32 v0, v17;
	[tilespmem:s8+$0x14050] =	vst v11  }
0x1d3: {  	v11 =	vor.u32 v2, v10;
	[tilespmem:s8+$0x14060] =	vst v13;
	v13 =	vld.idx.msk [tilespmem:v19+s2+$0x0], $0xffff  }
0x1d4: {  	s12 =	simm.s32 $0x0;
	s13 =	sshll.u32 s10, $0x3;
	s11 =	sshll.u32 s10, $0x4;
	v15 =	vor.u32 v3, v10;
	[tilespmem:s8+$0x14000] =	vst v8;
	v8 =	vld.idx.msk [tilespmem:v9+s2+$0x0], $0xffff  }
0x1d5: {  	s14 =	sshll.u32 s7, $0x7;
	s7 =	sand.u32 $0x8, s12;
	s9 =	sand.u32 $0x1800, s11;
	[tilespmem:s8+$0x14010] =	vst v7;
	v9 =	vor.u32 v4, v10;
	v7 =	vld.idx.msk [tilespmem:v20+s2+$0x0], $0xffff  }
0x1d6: {  	s10 =	sand.u32 $0x380, s13;
	s11 =	sshll.u32 s7, $0x5;
	s9 =	sor.u32 s14, s9;
	[tilespmem:s8+$0x14020] =	vst v5;
	v10 =	vld.idx.msk [tilespmem:v14+s2+$0x0], $0xffff  }
0x1d7: {  	s9 =	sor.u32 s10, s9;
	[tilespmem:s8+$0x14030] =	vst v6;
	v6 =	vmov s11;
	s11 =	sor.u32 $0x80, s11;
	v5 =	vld.idx.msk [tilespmem:v12+s2+$0x0], $0xffff  }
0x1d8: {  	v12 =	vmov s11;
	v11 =	vld.idx.msk [tilespmem:v11+s2+$0x0], $0xffff;
	[tilespmem:s9+$0x14070] =	vst v13  }
0x1d9: {  	s12 =	simm.s32 $0x0;
	v13 =	vld.idx.msk [tilespmem:v15+s2+$0x0], $0xffff;
	[tilespmem:s9+$0x14040] =	vst v8;
	v8 =	vshrl.u32 v12, $0x7  }
0x1da: {  	v6 =	vshrl.u32 v6, $0x7;
	v12 =	vmov s12;
	v9 =	vld.idx.msk [tilespmem:v9+s2+$0x0], $0xffff;
	[tilespmem:s9+$0x14050] =	vst v7;
	v8 =	vshll.u32 v8, v1  }
0x1db: {  	v6 =	vshll.u32 v6, v1;
	v14 =	vshll.u32 v12, $0x9;
	[tilespmem:s9+$0x14060] =	vst v10;
	v8 =	vbroadcast v8, $0x0  }
0x1dc: {  	s13 =	simm.s32 $0x8;
	v7 =	vbroadcast v6, $0x0;
	v12 =	vshll.u32 v12, $0x7;
	v10 =	vand.u32 $0x3000, v14;
	[tilespmem:s9+$0x14000] =	vst v5  }
0x1dd: {  	s10 =	sand.u32 $0x8, s13;
	v5 =	vand.u32 $0x380, v12;
	[tilespmem:s9+$0x14010] =	vst v11;
	v8 =	vadd.s32 v10, v8  }
0x1de: {  	s8 =	sshll.u32 s10, $0x5;
	v6 =	vor.u32 v10, v6;
	v7 =	vor.u32 v10, v7;
	[tilespmem:s9+$0x14020] =	vst v13;
	v8 =	vor.u32 v5, v8  }
0x1df: {  	s14 =	sor.u32 $0x80, s8;
	s11 =	simm.s32 $0x0;
	v6 =	vor.u32 v5, v6;
	v5 =	vor.u32 v5, v7;
	[tilespmem:s9+$0x14030] =	vst v9;
	v7 =	vor.u32 v4, v8  }
0x1e0: {  	v12 =	vmov s14;
	v14 =	vmov s11;
	v9 =	vor.u32 v0, v8;
	[tilespmem:s2], [sflag:$0x1] =	stream.linear.gather [hbm4b:s16+s2], $0x4000, $0x38;
	[tilespmem:$0x1C000] =	vst v63  }
0x1e1: {  	v11 =	vmov s8;
	v12 =	vshrl.u32 v12, $0x7;
	v10 =	vor.u32 v2, v8;
	_ =	swait.ge [sflag:s0], $0x4000  }
0x1e2: {  	v16 =	vshll.u32 v14, $0x9;
	v14 =	vshll.u32 v14, $0x7;
	v8 =	vor.u32 v3, v8;
	[sflag:s0] =	ssyncset.done $0x0  }
0x1e3: {  	v12 =	vshll.u32 v12, v1;
	v6 =	vbroadcast v6, $0x0;
	v13 =	vor.u32 v2, v5;
	[sflag:s0] =	ssyncadd.s32 $0xFFFFC000  }
0x1e4: {  	v11 =	vshrl.u32 v11, $0x7;
	v12 =	vbroadcast v12, $0x0;
	v15 =	vor.u32 v3, v5;
	v7 =	vld.idx.msk [tilespmem:v7+s29+$0x0], $0xffff  }
0x1e5: {  	v16 =	vand.u32 $0x3000, v16;
	v11 =	vshll.u32 v11, v1;
	v6 =	vor.u32 v0, v6;
	v9 =	vld.idx.msk [tilespmem:v9+s29+$0x0], $0xffff  }
0x1e6: {  	s7 =	sshll.u32 s7, $0x7;
	s12 =	simm.s32 $0x0;
	v14 =	vand.u32 $0x380, v14;
	v17 =	vbroadcast v11, $0x0;
	v12 =	vadd.s32 v16, v12;
	v10 =	vld.idx.msk [tilespmem:v10+s29+$0x0], $0xffff  }
0x1e7: {  	s13 =	sand.u32 $0x1800, s12;
	s14 =	simm.s32 $0x0;
	s8 =	simm.s32 $0x10;
	v18 =	vor.u32 v4, v5;
	v5 =	vor.u32 v16, v11;
	v11 =	vor.u32 v14, v12;
	v12 =	vld.idx.msk [tilespmem:v8+s29+$0x0], $0xffff  }
0x1e8: {  	s11 =	sand.u32 $0x380, s14;
	s9 =	sor.u32 s7, s13;
	s7 =	sand.u32 $0x8, s8;
	v5 =	vor.u32 v14, v5;
	v8 =	vor.u32 v16, v17;
	v16 =	vor.u32 v4, v11;
	v13 =	vld.idx.msk [tilespmem:v13+s29+$0x0], $0xffff  }
0x1e9: {  	s9 =	sor.u32 s11, s9;
	s12 =	sshll.u32 s7, $0x5;
	v5 =	vbroadcast v5, $0x0;
	v19 =	vor.u32 v2, v11;
	v20 =	vor.u32 v3, v11;
	v21 =	vld.idx.msk [tilespmem:v15+s29+$0x0], $0xffff  }
0x1ea: {  	s11 =	sor.u32 $0x80, s12;
	v17 =	vld.idx.msk [tilespmem:v6+s29+$0x0], $0xffff;
	v6 =	vor.u32 v14, v8;
	v14 =	vor.u32 v0, v11;
	v11 =	vmov s12;
	[tilespmem:s9+$0x16070] =	vst v7  }
0x1eb: {  	v15 =	vmov s11;
	v8 =	vor.u32 v0, v5;
	v11 =	vshrl.u32 v11, $0x7;
	[tilespmem:s9+$0x16040] =	vst v9  }
0x1ec: {  	s13 =	simm.s32 $0x1;
	v5 =	vor.u32 v3, v6;
	v7 =	vor.u32 v2, v6;
	v9 =	vld.idx.msk [tilespmem:v18+s29+$0x0], $0xffff;
	[tilespmem:s9+$0x16050] =	vst v10;
	v10 =	vshrl.u32 v15, $0x7  }
0x1ed: {  	v18 =	vshll.u32 v11, v1;
	[tilespmem:s9+$0x16060] =	vst v12;
	v11 =	vmov s13;
	v12 =	vld.idx.msk [tilespmem:v16+s29+$0x0], $0xffff;
	v10 =	vshll.u32 v10, v1  }
0x1ee: {  	s14 =	simm.s32 $0x80;
	[tilespmem:s9+$0x16010] =	vst v13;
	v15 =	vshll.u32 v11, $0x9;
	v13 =	vshll.u32 v11, $0x7;
	v11 =	vld.idx.msk [tilespmem:v19+s29+$0x0], $0xffff;
	v22 =	vbroadcast v10, $0x0  }
0x1ef: {  	s11 =	sand.u32 $0x1800, s14;
	v6 =	vor.u32 v4, v6;
	[tilespmem:s9+$0x16020] =	vst v21;
	v10 =	vld.idx.msk [tilespmem:v14+s29+$0x0], $0xffff;
	v14 =	vbroadcast v18, $0x0;
	v16 =	vand.u32 $0x3000, v15  }
0x1f0: {  	s12 =	simm.s32 $0x40;
	s13 =	sshll.u32 s10, $0x7;
	s10 =	simm.s32 $0x10;
	[tilespmem:s9+$0x16000] =	vst v17;
	v15 =	vand.u32 $0x380, v13;
	v13 =	vld.idx.msk [tilespmem:v20+s29+$0x0], $0xffff;
	v17 =	vor.u32 v16, v18;
	v18 =	vadd.s32 v16, v22  }
.LBB2_20:
0x1f1: {  	s8 =	sadd.s32 $0x8, s8;
	v17 =	vor.u32 v15, v17;
	v14 =	vor.u32 v16, v14;
	v16 =	vor.u32 v15, v18;
	v18 =	vld.idx.msk [tilespmem:v8+s29+$0x0], $0xffff;
	s12 =	sand.u32 $0x380, s12;
	s11 =	sor.u32 s13, s11  }
0x1f2: {  	s13 =	sand.u32 $0x8, s8;
	p0 =	slt.u32 s8, $0x1F8;
	v8 =	vbroadcast v17, $0x0;
	v14 =	vor.u32 v15, v14;
	v15 =	vor.u32 v4, v16;
	v17 =	vld.idx.msk [tilespmem:v7+s29+$0x0], $0xffff;
	[tilespmem:s9+$0x16030] =	vst v9;
	s9 =	sor.u32 s12, s11  }
0x1f3: {  	v19 =	vor.u32 v0, v16;
	v20 =	vor.u32 v2, v16;
	v21 =	vor.u32 v3, v16;
	s12 =	smov.u32 s10;
	s10 =	smov.u32 s8;
	s11 =	sshll.u32 s13, $0x5;
	[tilespmem:s9+$0x16070] =	vst v12  }
0x1f4: {  	s14 =	smov.u32 s7;
	v7 =	vor.u32 v2, v14;
	s7 =	smov.u32 s13;
	v9 =	vmov s11;
	s11 =	sor.u32 $0x80, s11;
	v8 =	vor.u32 v0, v8;
	v22 =	vld.idx.msk [tilespmem:v5+s29+$0x0], $0xffff;
	[tilespmem:s9+$0x16040] =	vst v10  }
0x1f5: {  	v5 =	vor.u32 v3, v14;
	v10 =	vshrl.u32 v9, $0x7;
	v12 =	vmov s11;
	v9 =	vld.idx.msk [tilespmem:v6+s29+$0x0], $0xffff;
	[tilespmem:s9+$0x16050] =	vst v11  }
.Ltmp9:
0x1f6: {  	s11 =	sshrl.u32 s10, $0x4;
	v6 =	vor.u32 v4, v14;
	v23 =	vshll.u32 v10, v1;
	v10 =	vshrl.u32 v12, $0x7;
	[tilespmem:s9+$0x16060] =	vst v13;
	(pc) =	sbr.rel @p0 .LBB2_20-.Ltmp9, $4  }
0x1f7: {  	v11 =	vmov s11;
	v14 =	vbroadcast v23, $0x0;
	v10 =	vshll.u32 v10, v1;
	v12 =	vld.idx.msk [tilespmem:v15+s29+$0x0], $0xffff;
	[tilespmem:s9+$0x16000] =	vst v18  }
0x1f8: {  	v13 =	vshll.u32 v11, $0x9;
	v18 =	vbroadcast v10, $0x0;
	v10 =	vld.idx.msk [tilespmem:v19+s29+$0x0], $0xffff;
	[tilespmem:s9+$0x16010] =	vst v17  }
0x1f9: {  	s11 =	sshll.u32 s12, $0x4;
	v16 =	vand.u32 $0x3000, v13;
	v13 =	vshll.u32 v11, $0x7;
	v11 =	vld.idx.msk [tilespmem:v20+s29+$0x0], $0xffff  }
0x1fa: {  	s13 =	sshll.u32 s14, $0x7;
	s12 =	sshll.u32 s12, $0x3;
	s11 =	sand.u32 $0x1800, s11;
	v15 =	vand.u32 $0x380, v13;
	v17 =	vor.u32 v16, v23;
	v18 =	vadd.s32 v16, v18;
	v13 =	vld.idx.msk [tilespmem:v21+s29+$0x0], $0xffff;
	[tilespmem:s9+$0x16020] =	vst v22  }
0x1fb: {  	_ =	sdelay $0x1  }
0x1fc: {  	v18 =	vor.u32 v15, v18  }
0x1fd: {  	s8 =	sand.u32 $0x380, s12;
	s11 =	sor.u32 s13, s11;
	v19 =	vor.u32 v4, v18  }
0x1fe: {  	v17 =	vor.u32 v15, v17;
	v8 =	vld.idx.msk [tilespmem:v8+s29+$0x0], $0xffff;
	[tilespmem:s9+$0x16030] =	vst v9;
	s8 =	sor.u32 s8, s11;
	v9 =	vor.u32 v0, v18  }
0x1ff: {  	v7 =	vld.idx.msk [tilespmem:v7+s29+$0x0], $0xffff;
	v17 =	vbroadcast v17, $0x0;
	v20 =	vor.u32 v2, v18;
	[tilespmem:s8+$0x16070] =	vst v12  }
0x200: {  	v5 =	vld.idx.msk [tilespmem:v5+s29+$0x0], $0xffff;
	v12 =	vor.u32 v16, v14;
	v14 =	vor.u32 v3, v18;
	[tilespmem:s8+$0x16040] =	vst v10  }
0x201: {  	v6 =	vld.idx.msk [tilespmem:v6+s29+$0x0], $0xffff;
	v10 =	vor.u32 v15, v12;
	v12 =	vor.u32 v0, v17;
	[tilespmem:s8+$0x16050] =	vst v11  }
0x202: {  	v11 =	vor.u32 v2, v10;
	[tilespmem:s8+$0x16060] =	vst v13;
	v13 =	vld.idx.msk [tilespmem:v19+s29+$0x0], $0xffff  }
0x203: {  	s13 =	sshll.u32 s10, $0x4;
	v15 =	vor.u32 v3, v10;
	[tilespmem:s8+$0x16000] =	vst v8;
	v8 =	vld.idx.msk [tilespmem:v9+s29+$0x0], $0xffff  }
0x204: {  	s14 =	sshll.u32 s10, $0x3;
	s7 =	sshll.u32 s7, $0x7;
	s9 =	sand.u32 $0x1800, s13;
	[tilespmem:s8+$0x16010] =	vst v7;
	v9 =	vor.u32 v4, v10;
	v7 =	vld.idx.msk [tilespmem:v20+s29+$0x0], $0xffff  }
0x205: {  	s10 =	sand.u32 $0x380, s14;
	s7 =	sor.u32 s7, s9;
	[tilespmem:s8+$0x16020] =	vst v5;
	v10 =	vld.idx.msk [tilespmem:v14+s29+$0x0], $0xffff  }
0x206: {  	s9 =	sor.u32 s10, s7;
	[tilespmem:s8+$0x16030] =	vst v6;
	v5 =	vld.idx.msk [tilespmem:v12+s29+$0x0], $0xffff  }
0x207: {  	v6 =	vld.idx.msk [tilespmem:v11+s29+$0x0], $0xffff;
	[tilespmem:s9+$0x16070] =	vst v13  }
0x208: {  	s10 =	simm.s32 $0x0;
	v11 =	vld.idx.msk [tilespmem:v15+s29+$0x0], $0xffff;
	[tilespmem:s9+$0x16040] =	vst v8  }
0x209: {  	s7 =	sand.u32 $0x8, s10;
	v8 =	vld.idx.msk [tilespmem:v9+s29+$0x0], $0xffff;
	[tilespmem:s9+$0x16050] =	vst v7  }
0x20a: {  	s11 =	sshll.u32 s7, $0x5;
	[tilespmem:s9+$0x16060] =	vst v10  }
0x20b: {  	s12 =	simm.s32 $0x0;
	s8 =	sor.u32 $0x80, s11;
	[tilespmem:s9+$0x16000] =	vst v5  }
0x20c: {  	v7 =	vmov s12;
	[tilespmem:s9+$0x16010] =	vst v6;
	v6 =	vmov s8  }
0x20d: {  	s13 =	simm.s32 $0x8;
	v9 =	vshll.u32 v7, $0x9;
	v5 =	vmov s11;
	[tilespmem:s9+$0x16020] =	vst v11;
	v6 =	vshrl.u32 v6, $0x7  }
0x20e: {  	s10 =	sand.u32 $0x8, s13;
	v7 =	vshll.u32 v7, $0x7;
	s11 =	simm.s32 $0x0;
	v5 =	vshrl.u32 v5, $0x7;
	[tilespmem:s9+$0x16030] =	vst v8;
	v6 =	vshll.u32 v6, v1  }
0x20f: {  	v9 =	vand.u32 $0x3000, v9;
	v5 =	vshll.u32 v5, v1;
	[hbm4b:s20+s2] =	stream.linear.scatter [tilespmem:s4], [sflag:$0x2], $0x4000, $0x38;
	v6 =	vbroadcast v6, $0x0;
	[tilespmem:$0x1C000] =	vst v63  }
0x210: {  	v7 =	vand.u32 $0x380, v7;
	s8 =	sshll.u32 s10, $0x5;
	v14 =	vmov s11;
	v8 =	vbroadcast v5, $0x0  }
0x211: {  	v11 =	vmov s8;
	v16 =	vshll.u32 v14, $0x9;
	[tilespmem:s29], [sflag:$0x1] =	stream.linear.gather [hbm4b:s26+s2], $0x4000, $0x38;
	v6 =	vadd.s32 v9, v6;
	[tilespmem:$0x1C000] =	vst v63  }
0x212: {  	v5 =	vor.u32 v9, v5;
	v8 =	vor.u32 v9, v8;
	_ =	swait.ge [sflag:s0], $0x4000;
	v6 =	vor.u32 v7, v6  }
0x213: {  	s14 =	sor.u32 $0x80, s8;
	v5 =	vor.u32 v7, v5;
	v7 =	vor.u32 v7, v8;
	[sflag:s0] =	ssyncset.done $0x0;
	v8 =	vor.u32 v4, v6  }
0x214: {  	v14 =	vshll.u32 v14, $0x7;
	v12 =	vmov s14;
	v9 =	vor.u32 v0, v6;
	[sflag:s0] =	ssyncadd.s32 $0xFFFFC000  }
0x215: {  	v11 =	vshrl.u32 v11, $0x7;
	v12 =	vshrl.u32 v12, $0x7;
	v10 =	vor.u32 v2, v6;
	_ =	swait.ge [sflag:s5], $0x4000  }
0x216: {  	v5 =	vbroadcast v5, $0x0;
	v12 =	vshll.u32 v12, v1;
	v6 =	vor.u32 v3, v6;
	[sflag:s5] =	ssyncset.done $0x0  }
0x217: {  	v16 =	vand.u32 $0x3000, v16;
	v12 =	vbroadcast v12, $0x0;
	v13 =	vor.u32 v2, v7;
	[sflag:s5] =	ssyncadd.s32 $0xFFFFC000  }
0x218: {  	v14 =	vand.u32 $0x380, v14;
	v11 =	vshll.u32 v11, v1;
	v5 =	vor.u32 v0, v5;
	v8 =	vld.idx.msk [tilespmem:v8+s30+$0x0], $0xffff  }
0x219: {  	s7 =	sshll.u32 s7, $0x7;
	s12 =	simm.s32 $0x0;
	v17 =	vbroadcast v11, $0x0;
	v15 =	vor.u32 v3, v7;
	v12 =	vadd.s32 v16, v12;
	v9 =	vld.idx.msk [tilespmem:v9+s30+$0x0], $0xffff  }
0x21a: {  	s13 =	sand.u32 $0x1800, s12;
	s8 =	simm.s32 $0x10;
	s14 =	simm.s32 $0x0;
	v18 =	vor.u32 v4, v7;
	v7 =	vor.u32 v16, v11;
	v11 =	vor.u32 v14, v12;
	v10 =	vld.idx.msk [tilespmem:v10+s30+$0x0], $0xffff  }
0x21b: {  	s9 =	sor.u32 s7, s13;
	s7 =	sand.u32 $0x8, s8;
	s11 =	sand.u32 $0x380, s14;
	v7 =	vor.u32 v14, v7;
	v12 =	vor.u32 v16, v17;
	v16 =	vor.u32 v4, v11;
	v6 =	vld.idx.msk [tilespmem:v6+s30+$0x0], $0xffff  }
0x21c: {  	s12 =	sshll.u32 s7, $0x5;
	s9 =	sor.u32 s11, s9;
	v14 =	vor.u32 v14, v12;
	v19 =	vor.u32 v0, v11;
	v20 =	vor.u32 v2, v11;
	v13 =	vld.idx.msk [tilespmem:v13+s30+$0x0], $0xffff  }
0x21d: {  	s11 =	sor.u32 $0x80, s12;
	v21 =	vor.u32 v3, v11;
	v11 =	vmov s12;
	v17 =	vld.idx.msk [tilespmem:v5+s30+$0x0], $0xffff;
	v5 =	vbroadcast v7, $0x0;
	[tilespmem:s9+$0x18070] =	vst v8  }
0x21e: {  	v12 =	vmov s11;
	v11 =	vshrl.u32 v11, $0x7;
	v7 =	vor.u32 v2, v14;
	v22 =	vld.idx.msk [tilespmem:v15+s30+$0x0], $0xffff;
	[tilespmem:s9+$0x18040] =	vst v9  }
0x21f: {  	s13 =	simm.s32 $0x1;
	v8 =	vor.u32 v0, v5;
	v5 =	vor.u32 v3, v14;
	v9 =	vld.idx.msk [tilespmem:v18+s30+$0x0], $0xffff;
	[tilespmem:s9+$0x18050] =	vst v10;
	v10 =	vshrl.u32 v12, $0x7  }
0x220: {  	v18 =	vshll.u32 v11, v1;
	[tilespmem:s9+$0x18060] =	vst v6;
	v11 =	vmov s13;
	v12 =	vld.idx.msk [tilespmem:v16+s30+$0x0], $0xffff;
	v10 =	vshll.u32 v10, v1  }
0x221: {  	s14 =	simm.s32 $0x80;
	[tilespmem:s9+$0x18010] =	vst v13;
	v15 =	vshll.u32 v11, $0x9;
	v13 =	vshll.u32 v11, $0x7;
	v11 =	vld.idx.msk [tilespmem:v20+s30+$0x0], $0xffff;
	v23 =	vbroadcast v10, $0x0  }
0x222: {  	s11 =	sand.u32 $0x1800, s14;
	v6 =	vor.u32 v4, v14;
	[tilespmem:s9+$0x18000] =	vst v17;
	v14 =	vbroadcast v18, $0x0;
	v10 =	vld.idx.msk [tilespmem:v19+s30+$0x0], $0xffff;
	v16 =	vand.u32 $0x3000, v15  }
0x223: {  	s12 =	simm.s32 $0x40;
	s13 =	sshll.u32 s10, $0x7;
	[tilespmem:s9+$0x18020] =	vst v22;
	s10 =	simm.s32 $0x10;
	v15 =	vand.u32 $0x380, v13;
	v13 =	vld.idx.msk [tilespmem:v21+s30+$0x0], $0xffff;
	v17 =	vor.u32 v16, v18;
	v18 =	vadd.s32 v16, v23  }
.LBB2_22:
0x224: {  	s8 =	sadd.s32 $0x8, s8;
	v17 =	vor.u32 v15, v17;
	v14 =	vor.u32 v16, v14;
	v16 =	vor.u32 v15, v18;
	v18 =	vld.idx.msk [tilespmem:v8+s30+$0x0], $0xffff;
	s12 =	sand.u32 $0x380, s12;
	s11 =	sor.u32 s13, s11  }
0x225: {  	s13 =	sand.u32 $0x8, s8;
	p0 =	slt.u32 s8, $0x1F8;
	v8 =	vbroadcast v17, $0x0;
	v14 =	vor.u32 v15, v14;
	v15 =	vor.u32 v4, v16;
	v17 =	vld.idx.msk [tilespmem:v7+s30+$0x0], $0xffff;
	[tilespmem:s9+$0x18030] =	vst v9;
	s9 =	sor.u32 s12, s11  }
0x226: {  	v19 =	vor.u32 v0, v16;
	v20 =	vor.u32 v2, v16;
	v21 =	vor.u32 v3, v16;
	s12 =	smov.u32 s10;
	s10 =	smov.u32 s8;
	s11 =	sshll.u32 s13, $0x5;
	[tilespmem:s9+$0x18070] =	vst v12  }
0x227: {  	s14 =	smov.u32 s7;
	v7 =	vor.u32 v2, v14;
	s7 =	smov.u32 s13;
	v9 =	vmov s11;
	s11 =	sor.u32 $0x80, s11;
	v8 =	vor.u32 v0, v8;
	v22 =	vld.idx.msk [tilespmem:v5+s30+$0x0], $0xffff;
	[tilespmem:s9+$0x18040] =	vst v10  }
0x228: {  	v5 =	vor.u32 v3, v14;
	v10 =	vshrl.u32 v9, $0x7;
	v12 =	vmov s11;
	v9 =	vld.idx.msk [tilespmem:v6+s30+$0x0], $0xffff;
	[tilespmem:s9+$0x18050] =	vst v11  }
.Ltmp10:
0x229: {  	s11 =	sshrl.u32 s10, $0x4;
	v6 =	vor.u32 v4, v14;
	v23 =	vshll.u32 v10, v1;
	v10 =	vshrl.u32 v12, $0x7;
	[tilespmem:s9+$0x18060] =	vst v13;
	(pc) =	sbr.rel @p0 .LBB2_22-.Ltmp10, $4  }
0x22a: {  	v11 =	vmov s11;
	v14 =	vbroadcast v23, $0x0;
	v10 =	vshll.u32 v10, v1;
	v12 =	vld.idx.msk [tilespmem:v15+s30+$0x0], $0xffff;
	[tilespmem:s9+$0x18000] =	vst v18  }
0x22b: {  	v13 =	vshll.u32 v11, $0x9;
	v18 =	vbroadcast v10, $0x0;
	v10 =	vld.idx.msk [tilespmem:v19+s30+$0x0], $0xffff;
	[tilespmem:s9+$0x18010] =	vst v17  }
0x22c: {  	s11 =	sshll.u32 s12, $0x4;
	v16 =	vand.u32 $0x3000, v13;
	v13 =	vshll.u32 v11, $0x7;
	v11 =	vld.idx.msk [tilespmem:v20+s30+$0x0], $0xffff  }
0x22d: {  	s13 =	sshll.u32 s14, $0x7;
	s12 =	sshll.u32 s12, $0x3;
	s11 =	sand.u32 $0x1800, s11;
	v15 =	vand.u32 $0x380, v13;
	v17 =	vor.u32 v16, v23;
	v18 =	vadd.s32 v16, v18;
	v13 =	vld.idx.msk [tilespmem:v21+s30+$0x0], $0xffff;
	[tilespmem:s9+$0x18020] =	vst v22  }
0x22e: {  	_ =	sdelay $0x1  }
0x22f: {  	v18 =	vor.u32 v15, v18  }
0x230: {  	s8 =	sand.u32 $0x380, s12;
	s11 =	sor.u32 s13, s11;
	v19 =	vor.u32 v4, v18  }
0x231: {  	v17 =	vor.u32 v15, v17;
	v8 =	vld.idx.msk [tilespmem:v8+s30+$0x0], $0xffff;
	[tilespmem:s9+$0x18030] =	vst v9;
	s8 =	sor.u32 s8, s11;
	v9 =	vor.u32 v0, v18  }
0x232: {  	v7 =	vld.idx.msk [tilespmem:v7+s30+$0x0], $0xffff;
	v17 =	vbroadcast v17, $0x0;
	v20 =	vor.u32 v2, v18;
	[tilespmem:s8+$0x18070] =	vst v12  }
0x233: {  	v5 =	vld.idx.msk [tilespmem:v5+s30+$0x0], $0xffff;
	v12 =	vor.u32 v16, v14;
	v14 =	vor.u32 v3, v18;
	[tilespmem:s8+$0x18040] =	vst v10  }
0x234: {  	v6 =	vld.idx.msk [tilespmem:v6+s30+$0x0], $0xffff;
	v10 =	vor.u32 v15, v12;
	v12 =	vor.u32 v0, v17;
	[tilespmem:s8+$0x18050] =	vst v11  }
0x235: {  	v11 =	vor.u32 v2, v10;
	[tilespmem:s8+$0x18060] =	vst v13;
	v13 =	vld.idx.msk [tilespmem:v19+s30+$0x0], $0xffff  }
0x236: {  	s12 =	simm.s32 $0x0;
	s13 =	sshll.u32 s10, $0x3;
	s11 =	sshll.u32 s10, $0x4;
	v15 =	vor.u32 v3, v10;
	[tilespmem:s8+$0x18000] =	vst v8;
	v8 =	vld.idx.msk [tilespmem:v9+s30+$0x0], $0xffff  }
0x237: {  	s14 =	sshll.u32 s7, $0x7;
	s7 =	sand.u32 $0x8, s12;
	s9 =	sand.u32 $0x1800, s11;
	[tilespmem:s8+$0x18010] =	vst v7;
	v9 =	vor.u32 v4, v10;
	v7 =	vld.idx.msk [tilespmem:v20+s30+$0x0], $0xffff  }
0x238: {  	s10 =	sand.u32 $0x380, s13;
	s11 =	sshll.u32 s7, $0x5;
	s9 =	sor.u32 s14, s9;
	[tilespmem:s8+$0x18020] =	vst v5;
	v10 =	vld.idx.msk [tilespmem:v14+s30+$0x0], $0xffff  }
0x239: {  	s9 =	sor.u32 s10, s9;
	[tilespmem:s8+$0x18030] =	vst v6;
	v6 =	vmov s11;
	s11 =	sor.u32 $0x80, s11;
	v5 =	vld.idx.msk [tilespmem:v12+s30+$0x0], $0xffff  }
0x23a: {  	v12 =	vmov s11;
	v11 =	vld.idx.msk [tilespmem:v11+s30+$0x0], $0xffff;
	[tilespmem:s9+$0x18070] =	vst v13  }
0x23b: {  	s12 =	simm.s32 $0x0;
	v13 =	vld.idx.msk [tilespmem:v15+s30+$0x0], $0xffff;
	[tilespmem:s9+$0x18040] =	vst v8;
	v8 =	vshrl.u32 v12, $0x7  }
0x23c: {  	v6 =	vshrl.u32 v6, $0x7;
	v12 =	vmov s12;
	v9 =	vld.idx.msk [tilespmem:v9+s30+$0x0], $0xffff;
	[tilespmem:s9+$0x18050] =	vst v7;
	v8 =	vshll.u32 v8, v1  }
0x23d: {  	v6 =	vshll.u32 v6, v1;
	v14 =	vshll.u32 v12, $0x9;
	[tilespmem:s9+$0x18060] =	vst v10;
	v8 =	vbroadcast v8, $0x0  }
0x23e: {  	s13 =	simm.s32 $0x8;
	v7 =	vbroadcast v6, $0x0;
	v12 =	vshll.u32 v12, $0x7;
	v10 =	vand.u32 $0x3000, v14;
	[tilespmem:s9+$0x18000] =	vst v5  }
0x23f: {  	s10 =	sand.u32 $0x8, s13;
	v5 =	vand.u32 $0x380, v12;
	[tilespmem:s9+$0x18010] =	vst v11;
	v8 =	vadd.s32 v10, v8  }
0x240: {  	s8 =	sshll.u32 s10, $0x5;
	v6 =	vor.u32 v10, v6;
	v7 =	vor.u32 v10, v7;
	[tilespmem:s9+$0x18020] =	vst v13;
	v8 =	vor.u32 v5, v8  }
0x241: {  	s14 =	sor.u32 $0x80, s8;
	s11 =	simm.s32 $0x0;
	v6 =	vor.u32 v5, v6;
	v5 =	vor.u32 v5, v7;
	[tilespmem:s9+$0x18030] =	vst v9;
	v7 =	vor.u32 v4, v8  }
0x242: {  	v12 =	vmov s14;
	v14 =	vmov s11;
	v9 =	vor.u32 v0, v8;
	[tilespmem:s30], [sflag:$0x1] =	stream.linear.gather [hbm4b:s17+s2], $0x4000, $0x38;
	[tilespmem:$0x1C000] =	vst v63  }
0x243: {  	v11 =	vmov s8;
	v12 =	vshrl.u32 v12, $0x7;
	v10 =	vor.u32 v2, v8;
	_ =	swait.ge [sflag:s0], $0x4000  }
0x244: {  	v16 =	vshll.u32 v14, $0x9;
	v14 =	vshll.u32 v14, $0x7;
	v8 =	vor.u32 v3, v8;
	[sflag:s0] =	ssyncset.done $0x0  }
0x245: {  	v12 =	vshll.u32 v12, v1;
	v6 =	vbroadcast v6, $0x0;
	v13 =	vor.u32 v2, v5;
	[sflag:s0] =	ssyncadd.s32 $0xFFFFC000  }
0x246: {  	v11 =	vshrl.u32 v11, $0x7;
	v12 =	vbroadcast v12, $0x0;
	v15 =	vor.u32 v3, v5;
	v7 =	vld.idx.msk [tilespmem:v7+s31+$0x0], $0xffff  }
0x247: {  	v16 =	vand.u32 $0x3000, v16;
	v11 =	vshll.u32 v11, v1;
	v6 =	vor.u32 v0, v6;
	v9 =	vld.idx.msk [tilespmem:v9+s31+$0x0], $0xffff  }
0x248: {  	s7 =	sshll.u32 s7, $0x7;
	s12 =	simm.s32 $0x0;
	v14 =	vand.u32 $0x380, v14;
	v17 =	vbroadcast v11, $0x0;
	v12 =	vadd.s32 v16, v12;
	v10 =	vld.idx.msk [tilespmem:v10+s31+$0x0], $0xffff  }
0x249: {  	s13 =	sand.u32 $0x1800, s12;
	s14 =	simm.s32 $0x0;
	s8 =	simm.s32 $0x10;
	v18 =	vor.u32 v4, v5;
	v5 =	vor.u32 v16, v11;
	v11 =	vor.u32 v14, v12;
	v12 =	vld.idx.msk [tilespmem:v8+s31+$0x0], $0xffff  }
0x24a: {  	s11 =	sand.u32 $0x380, s14;
	s9 =	sor.u32 s7, s13;
	s7 =	sand.u32 $0x8, s8;
	v5 =	vor.u32 v14, v5;
	v8 =	vor.u32 v16, v17;
	v16 =	vor.u32 v4, v11;
	v13 =	vld.idx.msk [tilespmem:v13+s31+$0x0], $0xffff  }
0x24b: {  	s9 =	sor.u32 s11, s9;
	s12 =	sshll.u32 s7, $0x5;
	v5 =	vbroadcast v5, $0x0;
	v19 =	vor.u32 v2, v11;
	v20 =	vor.u32 v3, v11;
	v21 =	vld.idx.msk [tilespmem:v15+s31+$0x0], $0xffff  }
0x24c: {  	s11 =	sor.u32 $0x80, s12;
	v17 =	vld.idx.msk [tilespmem:v6+s31+$0x0], $0xffff;
	v6 =	vor.u32 v14, v8;
	v14 =	vor.u32 v0, v11;
	v11 =	vmov s12;
	[tilespmem:s9+$0x1A070] =	vst v7  }
0x24d: {  	v15 =	vmov s11;
	v8 =	vor.u32 v0, v5;
	v11 =	vshrl.u32 v11, $0x7;
	[tilespmem:s9+$0x1A040] =	vst v9  }
0x24e: {  	s13 =	simm.s32 $0x1;
	v5 =	vor.u32 v3, v6;
	v7 =	vor.u32 v2, v6;
	v9 =	vld.idx.msk [tilespmem:v18+s31+$0x0], $0xffff;
	[tilespmem:s9+$0x1A050] =	vst v10;
	v10 =	vshrl.u32 v15, $0x7  }
0x24f: {  	v18 =	vshll.u32 v11, v1;
	[tilespmem:s9+$0x1A060] =	vst v12;
	v11 =	vmov s13;
	v12 =	vld.idx.msk [tilespmem:v16+s31+$0x0], $0xffff;
	v10 =	vshll.u32 v10, v1  }
0x250: {  	s14 =	simm.s32 $0x80;
	[tilespmem:s9+$0x1A010] =	vst v13;
	v15 =	vshll.u32 v11, $0x9;
	v13 =	vshll.u32 v11, $0x7;
	v11 =	vld.idx.msk [tilespmem:v19+s31+$0x0], $0xffff;
	v22 =	vbroadcast v10, $0x0  }
0x251: {  	s11 =	sand.u32 $0x1800, s14;
	v6 =	vor.u32 v4, v6;
	[tilespmem:s9+$0x1A020] =	vst v21;
	v10 =	vld.idx.msk [tilespmem:v14+s31+$0x0], $0xffff;
	v14 =	vbroadcast v18, $0x0;
	v16 =	vand.u32 $0x3000, v15  }
0x252: {  	s12 =	simm.s32 $0x40;
	s13 =	sshll.u32 s10, $0x7;
	s10 =	simm.s32 $0x10;
	[tilespmem:s9+$0x1A000] =	vst v17;
	v15 =	vand.u32 $0x380, v13;
	v13 =	vld.idx.msk [tilespmem:v20+s31+$0x0], $0xffff;
	v17 =	vor.u32 v16, v18;
	v18 =	vadd.s32 v16, v22  }
.LBB2_24:
0x253: {  	s8 =	sadd.s32 $0x8, s8;
	v17 =	vor.u32 v15, v17;
	v14 =	vor.u32 v16, v14;
	v16 =	vor.u32 v15, v18;
	v18 =	vld.idx.msk [tilespmem:v8+s31+$0x0], $0xffff;
	s12 =	sand.u32 $0x380, s12;
	s11 =	sor.u32 s13, s11  }
0x254: {  	s13 =	sand.u32 $0x8, s8;
	p0 =	slt.u32 s8, $0x1F8;
	v8 =	vbroadcast v17, $0x0;
	v14 =	vor.u32 v15, v14;
	v15 =	vor.u32 v4, v16;
	v17 =	vld.idx.msk [tilespmem:v7+s31+$0x0], $0xffff;
	[tilespmem:s9+$0x1A030] =	vst v9;
	s9 =	sor.u32 s12, s11  }
0x255: {  	v19 =	vor.u32 v0, v16;
	v20 =	vor.u32 v2, v16;
	v21 =	vor.u32 v3, v16;
	s12 =	smov.u32 s10;
	s10 =	smov.u32 s8;
	s11 =	sshll.u32 s13, $0x5;
	[tilespmem:s9+$0x1A070] =	vst v12  }
0x256: {  	s14 =	smov.u32 s7;
	v7 =	vor.u32 v2, v14;
	s7 =	smov.u32 s13;
	v9 =	vmov s11;
	s11 =	sor.u32 $0x80, s11;
	v8 =	vor.u32 v0, v8;
	v22 =	vld.idx.msk [tilespmem:v5+s31+$0x0], $0xffff;
	[tilespmem:s9+$0x1A040] =	vst v10  }
0x257: {  	v5 =	vor.u32 v3, v14;
	v10 =	vshrl.u32 v9, $0x7;
	v12 =	vmov s11;
	v9 =	vld.idx.msk [tilespmem:v6+s31+$0x0], $0xffff;
	[tilespmem:s9+$0x1A050] =	vst v11  }
.Ltmp11:
0x258: {  	s11 =	sshrl.u32 s10, $0x4;
	v6 =	vor.u32 v4, v14;
	v23 =	vshll.u32 v10, v1;
	v10 =	vshrl.u32 v12, $0x7;
	[tilespmem:s9+$0x1A060] =	vst v13;
	(pc) =	sbr.rel @p0 .LBB2_24-.Ltmp11, $4  }
0x259: {  	v11 =	vmov s11;
	v14 =	vbroadcast v23, $0x0;
	v10 =	vshll.u32 v10, v1;
	v12 =	vld.idx.msk [tilespmem:v15+s31+$0x0], $0xffff;
	[tilespmem:s9+$0x1A000] =	vst v18  }
0x25a: {  	v13 =	vshll.u32 v11, $0x9;
	v18 =	vbroadcast v10, $0x0;
	v10 =	vld.idx.msk [tilespmem:v19+s31+$0x0], $0xffff;
	[tilespmem:s9+$0x1A010] =	vst v17  }
0x25b: {  	s11 =	sshll.u32 s12, $0x4;
	v16 =	vand.u32 $0x3000, v13;
	v13 =	vshll.u32 v11, $0x7;
	v11 =	vld.idx.msk [tilespmem:v20+s31+$0x0], $0xffff  }
0x25c: {  	s13 =	sshll.u32 s14, $0x7;
	s12 =	sshll.u32 s12, $0x3;
	s11 =	sand.u32 $0x1800, s11;
	v15 =	vand.u32 $0x380, v13;
	v17 =	vor.u32 v16, v23;
	v18 =	vadd.s32 v16, v18;
	v13 =	vld.idx.msk [tilespmem:v21+s31+$0x0], $0xffff;
	[tilespmem:s9+$0x1A020] =	vst v22  }
0x25d: {  	_ =	sdelay $0x1  }
0x25e: {  	v18 =	vor.u32 v15, v18  }
0x25f: {  	s8 =	sand.u32 $0x380, s12;
	s11 =	sor.u32 s13, s11;
	v19 =	vor.u32 v4, v18  }
0x260: {  	v17 =	vor.u32 v15, v17;
	v8 =	vld.idx.msk [tilespmem:v8+s31+$0x0], $0xffff;
	[tilespmem:s9+$0x1A030] =	vst v9;
	s8 =	sor.u32 s8, s11;
	v9 =	vor.u32 v0, v18  }
0x261: {  	v7 =	vld.idx.msk [tilespmem:v7+s31+$0x0], $0xffff;
	v17 =	vbroadcast v17, $0x0;
	v20 =	vor.u32 v2, v18;
	[tilespmem:s8+$0x1A070] =	vst v12  }
0x262: {  	v5 =	vld.idx.msk [tilespmem:v5+s31+$0x0], $0xffff;
	v12 =	vor.u32 v16, v14;
	v14 =	vor.u32 v3, v18;
	[tilespmem:s8+$0x1A040] =	vst v10  }
0x263: {  	v6 =	vld.idx.msk [tilespmem:v6+s31+$0x0], $0xffff;
	v10 =	vor.u32 v15, v12;
	v12 =	vor.u32 v0, v17;
	[tilespmem:s8+$0x1A050] =	vst v11  }
0x264: {  	v11 =	vor.u32 v2, v10;
	[tilespmem:s8+$0x1A060] =	vst v13;
	v13 =	vld.idx.msk [tilespmem:v19+s31+$0x0], $0xffff  }
0x265: {  	s13 =	sshll.u32 s10, $0x4;
	v15 =	vor.u32 v3, v10;
	[tilespmem:s8+$0x1A000] =	vst v8;
	v8 =	vld.idx.msk [tilespmem:v9+s31+$0x0], $0xffff  }
0x266: {  	s14 =	sshll.u32 s10, $0x3;
	s7 =	sshll.u32 s7, $0x7;
	s9 =	sand.u32 $0x1800, s13;
	[tilespmem:s8+$0x1A010] =	vst v7;
	v9 =	vor.u32 v4, v10;
	v7 =	vld.idx.msk [tilespmem:v20+s31+$0x0], $0xffff  }
0x267: {  	s10 =	sand.u32 $0x380, s14;
	s7 =	sor.u32 s7, s9;
	[tilespmem:s8+$0x1A020] =	vst v5;
	v10 =	vld.idx.msk [tilespmem:v14+s31+$0x0], $0xffff  }
0x268: {  	s9 =	sor.u32 s10, s7;
	[tilespmem:s8+$0x1A030] =	vst v6;
	v5 =	vld.idx.msk [tilespmem:v12+s31+$0x0], $0xffff  }
0x269: {  	v6 =	vld.idx.msk [tilespmem:v11+s31+$0x0], $0xffff;
	[tilespmem:s9+$0x1A070] =	vst v13  }
0x26a: {  	s8 =	simm.s32 $0x0;
	v11 =	vld.idx.msk [tilespmem:v15+s31+$0x0], $0xffff;
	[tilespmem:s9+$0x1A040] =	vst v8  }
0x26b: {  	s7 =	sand.u32 $0x8, s8;
	v8 =	vld.idx.msk [tilespmem:v9+s31+$0x0], $0xffff;
	[tilespmem:s9+$0x1A050] =	vst v7  }
0x26c: {  	s10 =	sshll.u32 s7, $0x5;
	[tilespmem:s9+$0x1A060] =	vst v10  }
0x26d: {  	s11 =	simm.s32 $0x0;
	s8 =	sor.u32 $0x80, s10;
	[tilespmem:s9+$0x1A000] =	vst v5  }
0x26e: {  	v7 =	vmov s11;
	[tilespmem:s9+$0x1A010] =	vst v6;
	v6 =	vmov s8  }
0x26f: {  	v9 =	vshll.u32 v7, $0x9;
	v5 =	vmov s10;
	[tilespmem:s9+$0x1A020] =	vst v11;
	v6 =	vshrl.u32 v6, $0x7  }
0x270: {  	s12 =	simm.s32 $0x18000;
	s13 =	simm.s32 $0x8;
	s11 =	simm.s32 $0x0;
	v7 =	vshll.u32 v7, $0x7;
	v5 =	vshrl.u32 v5, $0x7;
	[tilespmem:s9+$0x1A030] =	vst v8;
	v6 =	vshll.u32 v6, v1  }
0x271: {  	v14 =	vmov s11;
	v5 =	vshll.u32 v5, v1;
	[hbm4b:s21+s2] =	stream.linear.scatter [tilespmem:s12], [sflag:$0x2], $0x4000, $0x38;
	v6 =	vbroadcast v6, $0x0;
	[tilespmem:$0x1C000] =	vst v63  }
0x272: {  	v9 =	vand.u32 $0x3000, v9;
	v7 =	vand.u32 $0x380, v7;
	s10 =	sand.u32 $0x8, s13;
	v8 =	vbroadcast v5, $0x0  }
0x273: {  	v16 =	vshll.u32 v14, $0x9;
	v14 =	vshll.u32 v14, $0x7;
	[tilespmem:s31], [sflag:$0x1] =	stream.linear.gather [hbm4b:s28+s2], $0x4000, $0x38;
	v6 =	vadd.s32 v9, v6;
	[tilespmem:$0x1C000] =	vst v63  }
0x274: {  	s8 =	sshll.u32 s10, $0x5;
	v5 =	vor.u32 v9, v5;
	v8 =	vor.u32 v9, v8;
	_ =	swait.ge [sflag:s0], $0x4000;
	v6 =	vor.u32 v7, v6  }
0x275: {  	s14 =	sor.u32 $0x80, s8;
	v5 =	vor.u32 v7, v5;
	v7 =	vor.u32 v7, v8;
	[sflag:s0] =	ssyncset.done $0x0;
	v8 =	vor.u32 v4, v6  }
0x276: {  	v16 =	vand.u32 $0x3000, v16;
	v12 =	vmov s14;
	v9 =	vor.u32 v0, v6;
	[sflag:s0] =	ssyncadd.s32 $0xFFFFC000  }
0x277: {  	v11 =	vmov s8;
	v12 =	vshrl.u32 v12, $0x7;
	v10 =	vor.u32 v2, v6;
	_ =	swait.ge [sflag:s5], $0x4000  }
0x278: {  	v5 =	vbroadcast v5, $0x0;
	v12 =	vshll.u32 v12, v1;
	v6 =	vor.u32 v3, v6;
	[sflag:s5] =	ssyncset.done $0x0  }
0x279: {  	v11 =	vshrl.u32 v11, $0x7;
	v12 =	vbroadcast v12, $0x0;
	v13 =	vor.u32 v2, v7;
	[sflag:s5] =	ssyncadd.s32 $0xFFFFC000  }
0x27a: {  	v14 =	vand.u32 $0x380, v14;
	v11 =	vshll.u32 v11, v1;
	v5 =	vor.u32 v0, v5;
	v8 =	vld.idx.msk [tilespmem:v8+s2+$0x0], $0xffff  }
0x27b: {  	s7 =	sshll.u32 s7, $0x7;
	s12 =	simm.s32 $0x0;
	v17 =	vbroadcast v11, $0x0;
	v15 =	vor.u32 v3, v7;
	v12 =	vadd.s32 v16, v12;
	v9 =	vld.idx.msk [tilespmem:v9+s2+$0x0], $0xffff  }
0x27c: {  	s8 =	simm.s32 $0x10;
	s14 =	simm.s32 $0x0;
	s13 =	sand.u32 $0x1800, s12;
	v18 =	vor.u32 v4, v7;
	v7 =	vor.u32 v16, v11;
	v11 =	vor.u32 v14, v12;
	v10 =	vld.idx.msk [tilespmem:v10+s2+$0x0], $0xffff  }
0x27d: {  	s11 =	sand.u32 $0x380, s14;
	s9 =	sor.u32 s7, s13;
	s7 =	sand.u32 $0x8, s8;
	v7 =	vor.u32 v14, v7;
	v12 =	vor.u32 v16, v17;
	v16 =	vor.u32 v4, v11;
	v6 =	vld.idx.msk [tilespmem:v6+s2+$0x0], $0xffff  }
0x27e: {  	s9 =	sor.u32 s11, s9;
	s12 =	sshll.u32 s7, $0x5;
	v14 =	vor.u32 v14, v12;
	v19 =	vor.u32 v0, v11;
	v20 =	vor.u32 v2, v11;
	v13 =	vld.idx.msk [tilespmem:v13+s2+$0x0], $0xffff  }
0x27f: {  	s11 =	sor.u32 $0x80, s12;
	v21 =	vor.u32 v3, v11;
	v11 =	vmov s12;
	v17 =	vld.idx.msk [tilespmem:v5+s2+$0x0], $0xffff;
	v5 =	vbroadcast v7, $0x0;
	[tilespmem:s9+$0x10070] =	vst v8  }
0x280: {  	v12 =	vmov s11;
	v11 =	vshrl.u32 v11, $0x7;
	v7 =	vor.u32 v2, v14;
	v22 =	vld.idx.msk [tilespmem:v15+s2+$0x0], $0xffff;
	[tilespmem:s9+$0x10040] =	vst v9  }
0x281: {  	s13 =	simm.s32 $0x1;
	v8 =	vor.u32 v0, v5;
	v5 =	vor.u32 v3, v14;
	v9 =	vld.idx.msk [tilespmem:v18+s2+$0x0], $0xffff;
	[tilespmem:s9+$0x10050] =	vst v10;
	v10 =	vshrl.u32 v12, $0x7  }
0x282: {  	v18 =	vshll.u32 v11, v1;
	[tilespmem:s9+$0x10060] =	vst v6;
	v11 =	vmov s13;
	v12 =	vld.idx.msk [tilespmem:v16+s2+$0x0], $0xffff;
	v10 =	vshll.u32 v10, v1  }
0x283: {  	s14 =	simm.s32 $0x80;
	[tilespmem:s9+$0x10010] =	vst v13;
	v15 =	vshll.u32 v11, $0x9;
	v13 =	vshll.u32 v11, $0x7;
	v11 =	vld.idx.msk [tilespmem:v20+s2+$0x0], $0xffff;
	v23 =	vbroadcast v10, $0x0  }
0x284: {  	s11 =	sand.u32 $0x1800, s14;
	v6 =	vor.u32 v4, v14;
	[tilespmem:s9+$0x10000] =	vst v17;
	v14 =	vbroadcast v18, $0x0;
	v10 =	vld.idx.msk [tilespmem:v19+s2+$0x0], $0xffff;
	v16 =	vand.u32 $0x3000, v15  }
0x285: {  	s12 =	simm.s32 $0x40;
	s13 =	sshll.u32 s10, $0x7;
	[tilespmem:s9+$0x10020] =	vst v22;
	s10 =	simm.s32 $0x10;
	v15 =	vand.u32 $0x380, v13;
	v13 =	vld.idx.msk [tilespmem:v21+s2+$0x0], $0xffff;
	v17 =	vor.u32 v16, v18;
	v18 =	vadd.s32 v16, v23  }
.LBB2_26:
0x286: {  	s8 =	sadd.s32 $0x8, s8;
	v17 =	vor.u32 v15, v17;
	v14 =	vor.u32 v16, v14;
	v16 =	vor.u32 v15, v18;
	v18 =	vld.idx.msk [tilespmem:v8+s2+$0x0], $0xffff;
	s12 =	sand.u32 $0x380, s12;
	s11 =	sor.u32 s13, s11  }
0x287: {  	s13 =	sand.u32 $0x8, s8;
	p0 =	slt.u32 s8, $0x1F8;
	v8 =	vbroadcast v17, $0x0;
	v14 =	vor.u32 v15, v14;
	v15 =	vor.u32 v4, v16;
	v17 =	vld.idx.msk [tilespmem:v7+s2+$0x0], $0xffff;
	[tilespmem:s9+$0x10030] =	vst v9;
	s9 =	sor.u32 s12, s11  }
0x288: {  	v19 =	vor.u32 v0, v16;
	v20 =	vor.u32 v2, v16;
	v21 =	vor.u32 v3, v16;
	s12 =	smov.u32 s10;
	s10 =	smov.u32 s8;
	s11 =	sshll.u32 s13, $0x5;
	[tilespmem:s9+$0x10070] =	vst v12  }
0x289: {  	s14 =	smov.u32 s7;
	v7 =	vor.u32 v2, v14;
	s7 =	smov.u32 s13;
	v9 =	vmov s11;
	s11 =	sor.u32 $0x80, s11;
	v8 =	vor.u32 v0, v8;
	v22 =	vld.idx.msk [tilespmem:v5+s2+$0x0], $0xffff;
	[tilespmem:s9+$0x10040] =	vst v10  }
0x28a: {  	v5 =	vor.u32 v3, v14;
	v10 =	vshrl.u32 v9, $0x7;
	v12 =	vmov s11;
	v9 =	vld.idx.msk [tilespmem:v6+s2+$0x0], $0xffff;
	[tilespmem:s9+$0x10050] =	vst v11  }
.Ltmp12:
0x28b: {  	s11 =	sshrl.u32 s10, $0x4;
	v6 =	vor.u32 v4, v14;
	v23 =	vshll.u32 v10, v1;
	v10 =	vshrl.u32 v12, $0x7;
	[tilespmem:s9+$0x10060] =	vst v13;
	(pc) =	sbr.rel @p0 .LBB2_26-.Ltmp12, $4  }
0x28c: {  	v11 =	vmov s11;
	v14 =	vbroadcast v23, $0x0;
	v10 =	vshll.u32 v10, v1;
	v12 =	vld.idx.msk [tilespmem:v15+s2+$0x0], $0xffff;
	[tilespmem:s9+$0x10000] =	vst v18  }
0x28d: {  	v13 =	vshll.u32 v11, $0x9;
	v18 =	vbroadcast v10, $0x0;
	v10 =	vld.idx.msk [tilespmem:v19+s2+$0x0], $0xffff;
	[tilespmem:s9+$0x10010] =	vst v17  }
0x28e: {  	s11 =	sshll.u32 s12, $0x4;
	v16 =	vand.u32 $0x3000, v13;
	v13 =	vshll.u32 v11, $0x7;
	v11 =	vld.idx.msk [tilespmem:v20+s2+$0x0], $0xffff  }
0x28f: {  	s13 =	sshll.u32 s14, $0x7;
	s12 =	sshll.u32 s12, $0x3;
	s11 =	sand.u32 $0x1800, s11;
	v15 =	vand.u32 $0x380, v13;
	v17 =	vor.u32 v16, v23;
	v18 =	vadd.s32 v16, v18;
	v13 =	vld.idx.msk [tilespmem:v21+s2+$0x0], $0xffff;
	[tilespmem:s9+$0x10020] =	vst v22  }
0x290: {  	_ =	sdelay $0x1  }
0x291: {  	v18 =	vor.u32 v15, v18  }
0x292: {  	s8 =	sand.u32 $0x380, s12;
	s11 =	sor.u32 s13, s11;
	v19 =	vor.u32 v4, v18  }
0x293: {  	v17 =	vor.u32 v15, v17;
	v8 =	vld.idx.msk [tilespmem:v8+s2+$0x0], $0xffff;
	[tilespmem:s9+$0x10030] =	vst v9;
	s11 =	sor.u32 s8, s11;
	v9 =	vor.u32 v0, v18  }
0x294: {  	v7 =	vld.idx.msk [tilespmem:v7+s2+$0x0], $0xffff;
	v17 =	vbroadcast v17, $0x0;
	v20 =	vor.u32 v2, v18;
	[tilespmem:s11+$0x10070] =	vst v12  }
0x295: {  	v5 =	vld.idx.msk [tilespmem:v5+s2+$0x0], $0xffff;
	v12 =	vor.u32 v16, v14;
	v14 =	vor.u32 v3, v18;
	[tilespmem:s11+$0x10040] =	vst v10  }
0x296: {  	v6 =	vld.idx.msk [tilespmem:v6+s2+$0x0], $0xffff;
	v10 =	vor.u32 v15, v12;
	v12 =	vor.u32 v0, v17;
	[tilespmem:s11+$0x10050] =	vst v11  }
0x297: {  	s14 =	simm.s32 $0x0;
	v11 =	vor.u32 v2, v10;
	[tilespmem:s11+$0x10060] =	vst v13;
	v13 =	vld.idx.msk [tilespmem:v19+s2+$0x0], $0xffff  }
0x298: {  	s13 =	sshll.u32 s10, $0x4;
	s7 =	sshll.u32 s7, $0x7;
	s8 =	sand.u32 $0x8, s14;
	v15 =	vor.u32 v3, v10;
	[tilespmem:s11+$0x10000] =	vst v8;
	v8 =	vld.idx.msk [tilespmem:v9+s2+$0x0], $0xffff  }
0x299: {  	s12 =	sand.u32 $0x1800, s13;
	s13 =	sshll.u32 s10, $0x3;
	s14 =	sshll.u32 s8, $0x5;
	[tilespmem:s11+$0x10010] =	vst v7;
	v9 =	vor.u32 v4, v10;
	v7 =	vld.idx.msk [tilespmem:v20+s2+$0x0], $0xffff  }
0x29a: {  	s9 =	sand.u32 $0x380, s13;
	s7 =	sor.u32 s7, s12;
	s10 =	sor.u32 $0x80, s14;
	[tilespmem:s11+$0x10020] =	vst v5;
	v10 =	vld.idx.msk [tilespmem:v14+s2+$0x0], $0xffff  }
0x29b: {  	s7 =	sor.u32 s9, s7;
	[tilespmem:s11+$0x10030] =	vst v6;
	v6 =	vmov s10;
	v12 =	vld.idx.msk [tilespmem:v12+s2+$0x0], $0xffff  }
0x29c: {  	s12 =	simm.s32 $0x0;
	v6 =	vshrl.u32 v6, $0x7;
	v11 =	vld.idx.msk [tilespmem:v11+s2+$0x0], $0xffff;
	[tilespmem:s7+$0x10070] =	vst v13  }
0x29d: {  	s13 =	simm.s32 $0x8;
	v5 =	vmov s14;
	v6 =	vshll.u32 v6, v1;
	v14 =	vld.idx.msk [tilespmem:v15+s2+$0x0], $0xffff;
	v13 =	vmov s12;
	[tilespmem:s7+$0x10040] =	vst v8  }
0x29e: {  	s10 =	sand.u32 $0x8, s13;
	v5 =	vshrl.u32 v5, $0x7;
	v6 =	vbroadcast v6, $0x0;
	v9 =	vld.idx.msk [tilespmem:v9+s2+$0x0], $0xffff;
	[tilespmem:s7+$0x10050] =	vst v7;
	v15 =	vshll.u32 v13, $0x9  }
0x29f: {  	s9 =	sshll.u32 s10, $0x5;
	v5 =	vshll.u32 v5, v1;
	v13 =	vshll.u32 v13, $0x7;
	[tilespmem:s7+$0x10060] =	vst v10;
	v7 =	vand.u32 $0x3000, v15  }
0x2a0: {  	s14 =	sor.u32 $0x80, s9;
	v8 =	vbroadcast v5, $0x0;
	v10 =	vand.u32 $0x380, v13;
	[tilespmem:s7+$0x10000] =	vst v12;
	v6 =	vadd.s32 v7, v6  }
0x2a1: {  	v12 =	vmov s14;
	v5 =	vor.u32 v7, v5;
	[tilespmem:s7+$0x10010] =	vst v11;
	v6 =	vor.u32 v10, v6  }
0x2a2: {  	v7 =	vor.u32 v7, v8;
	[tilespmem:s7+$0x10020] =	vst v14;
	v12 =	vshrl.u32 v12, $0x7;
	v8 =	vor.u32 v4, v6  }
0x2a3: {  	s11 =	simm.s32 $0x0;
	v5 =	vor.u32 v10, v5;
	v7 =	vor.u32 v10, v7;
	v10 =	vor.u32 v0, v6;
	[tilespmem:s7+$0x10030] =	vst v9  }
0x2a4: {  	v14 =	vmov s11;
	v12 =	vshll.u32 v12, v1;
	v11 =	vor.u32 v2, v6;
	_ =	swait.ge [sflag:s0], $0x4000  }
0x2a5: {  	v16 =	vshll.u32 v14, $0x9;
	v14 =	vshll.u32 v14, $0x7;
	v6 =	vor.u32 v3, v6;
	[sflag:s0] =	ssyncset.done $0x0  }
0x2a6: {  	v5 =	vbroadcast v5, $0x0;
	v9 =	vmov s9;
	v13 =	vor.u32 v2, v7;
	[sflag:s0] =	ssyncadd.s32 $0xFFFFC000  }
0x2a7: {  	v15 =	vor.u32 v3, v7;
	v12 =	vbroadcast v12, $0x0;
	v9 =	vshrl.u32 v9, $0x7;
	v8 =	vld.idx.msk [tilespmem:v8+s29+$0x0], $0xffff  }
0x2a8: {  	v16 =	vand.u32 $0x3000, v16;
	v5 =	vor.u32 v0, v5;
	v9 =	vshll.u32 v9, v1;
	v10 =	vld.idx.msk [tilespmem:v10+s29+$0x0], $0xffff  }
0x2a9: {  	s13 =	simm.s32 $0x0;
	s12 =	simm.s32 $0x0;
	v14 =	vand.u32 $0x380, v14;
	v12 =	vadd.s32 v16, v12;
	v17 =	vbroadcast v9, $0x0;
	v11 =	vld.idx.msk [tilespmem:v11+s29+$0x0], $0xffff  }
0x2aa: {  	s14 =	sshll.u32 s8, $0x7;
	s8 =	simm.s32 $0x10;
	s7 =	sand.u32 $0x1800, s12;
	v18 =	vor.u32 v4, v7;
	v7 =	vor.u32 v16, v9;
	v9 =	vor.u32 v14, v12;
	v6 =	vld.idx.msk [tilespmem:v6+s29+$0x0], $0xffff  }
0x2ab: {  	s9 =	sand.u32 $0x380, s13;
	s11 =	sor.u32 s14, s7;
	s7 =	sand.u32 $0x8, s8;
	v7 =	vor.u32 v14, v7;
	v12 =	vor.u32 v16, v17;
	v16 =	vor.u32 v4, v9;
	v13 =	vld.idx.msk [tilespmem:v13+s29+$0x0], $0xffff  }
0x2ac: {  	s9 =	sor.u32 s9, s11;
	s12 =	sshll.u32 s7, $0x5;
	v19 =	vor.u32 v0, v9;
	v20 =	vor.u32 v2, v9;
	v21 =	vor.u32 v3, v9;
	v22 =	vld.idx.msk [tilespmem:v15+s29+$0x0], $0xffff  }
0x2ad: {  	s11 =	sor.u32 $0x80, s12;
	v9 =	vmov s12;
	v14 =	vor.u32 v14, v12;
	v17 =	vld.idx.msk [tilespmem:v5+s29+$0x0], $0xffff;
	v5 =	vbroadcast v7, $0x0;
	[tilespmem:s9+$0x12070] =	vst v8  }
0x2ae: {  	v12 =	vshrl.u32 v9, $0x7;
	v7 =	vor.u32 v2, v14;
	[tilespmem:s9+$0x12040] =	vst v10;
	v10 =	vmov s11  }
0x2af: {  	s13 =	simm.s32 $0x1;
	v9 =	vld.idx.msk [tilespmem:v18+s29+$0x0], $0xffff;
	v18 =	vshll.u32 v12, v1;
	v8 =	vor.u32 v0, v5;
	[tilespmem:s9+$0x12050] =	vst v11;
	v10 =	vshrl.u32 v10, $0x7  }
0x2b0: {  	v5 =	vor.u32 v3, v14;
	[tilespmem:s9+$0x12060] =	vst v6;
	v11 =	vmov s13;
	v12 =	vld.idx.msk [tilespmem:v16+s29+$0x0], $0xffff;
	v10 =	vshll.u32 v10, v1  }
0x2b1: {  	[tilespmem:s9+$0x12010] =	vst v13;
	v15 =	vshll.u32 v11, $0x9;
	v13 =	vshll.u32 v11, $0x7;
	v11 =	vld.idx.msk [tilespmem:v20+s29+$0x0], $0xffff;
	v23 =	vbroadcast v10, $0x0  }
0x2b2: {  	s14 =	simm.s32 $0x80;
	s12 =	simm.s32 $0x40;
	v6 =	vor.u32 v4, v14;
	v14 =	vbroadcast v18, $0x0;
	[tilespmem:s9+$0x12020] =	vst v22;
	v16 =	vand.u32 $0x3000, v15;
	v10 =	vld.idx.msk [tilespmem:v19+s29+$0x0], $0xffff  }
0x2b3: {  	s11 =	sand.u32 $0x1800, s14;
	s13 =	sshll.u32 s10, $0x7;
	s10 =	simm.s32 $0x10;
	[tilespmem:s9+$0x12000] =	vst v17;
	v15 =	vand.u32 $0x380, v13;
	v13 =	vld.idx.msk [tilespmem:v21+s29+$0x0], $0xffff;
	v17 =	vor.u32 v16, v18;
	v18 =	vadd.s32 v16, v23  }
.LBB2_28:
0x2b4: {  	s8 =	sadd.s32 $0x8, s8;
	v17 =	vor.u32 v15, v17;
	v14 =	vor.u32 v16, v14;
	v16 =	vor.u32 v15, v18;
	v18 =	vld.idx.msk [tilespmem:v8+s29+$0x0], $0xffff;
	s12 =	sand.u32 $0x380, s12;
	s11 =	sor.u32 s13, s11  }
0x2b5: {  	s13 =	sand.u32 $0x8, s8;
	p0 =	slt.u32 s8, $0x1F8;
	v8 =	vbroadcast v17, $0x0;
	v14 =	vor.u32 v15, v14;
	v15 =	vor.u32 v4, v16;
	v17 =	vld.idx.msk [tilespmem:v7+s29+$0x0], $0xffff;
	[tilespmem:s9+$0x12030] =	vst v9;
	s9 =	sor.u32 s12, s11  }
0x2b6: {  	v19 =	vor.u32 v0, v16;
	v20 =	vor.u32 v2, v16;
	v21 =	vor.u32 v3, v16;
	s12 =	smov.u32 s10;
	s10 =	smov.u32 s8;
	s11 =	sshll.u32 s13, $0x5;
	[tilespmem:s9+$0x12070] =	vst v12  }
0x2b7: {  	s14 =	smov.u32 s7;
	v7 =	vor.u32 v2, v14;
	s7 =	smov.u32 s13;
	v9 =	vmov s11;
	s11 =	sor.u32 $0x80, s11;
	v8 =	vor.u32 v0, v8;
	v22 =	vld.idx.msk [tilespmem:v5+s29+$0x0], $0xffff;
	[tilespmem:s9+$0x12040] =	vst v10  }
0x2b8: {  	v5 =	vor.u32 v3, v14;
	v10 =	vshrl.u32 v9, $0x7;
	v12 =	vmov s11;
	v9 =	vld.idx.msk [tilespmem:v6+s29+$0x0], $0xffff;
	[tilespmem:s9+$0x12050] =	vst v11  }
.Ltmp13:
0x2b9: {  	s11 =	sshrl.u32 s10, $0x4;
	v6 =	vor.u32 v4, v14;
	v23 =	vshll.u32 v10, v1;
	v10 =	vshrl.u32 v12, $0x7;
	[tilespmem:s9+$0x12060] =	vst v13;
	(pc) =	sbr.rel @p0 .LBB2_28-.Ltmp13, $4  }
0x2ba: {  	v11 =	vmov s11;
	v14 =	vbroadcast v23, $0x0;
	v10 =	vshll.u32 v10, v1;
	v12 =	vld.idx.msk [tilespmem:v15+s29+$0x0], $0xffff;
	[tilespmem:s9+$0x12000] =	vst v18  }
0x2bb: {  	v13 =	vshll.u32 v11, $0x9;
	v18 =	vbroadcast v10, $0x0;
	v10 =	vld.idx.msk [tilespmem:v19+s29+$0x0], $0xffff;
	[tilespmem:s9+$0x12010] =	vst v17  }
0x2bc: {  	s11 =	sshll.u32 s12, $0x4;
	v16 =	vand.u32 $0x3000, v13;
	v13 =	vshll.u32 v11, $0x7;
	v11 =	vld.idx.msk [tilespmem:v20+s29+$0x0], $0xffff  }
0x2bd: {  	s13 =	sshll.u32 s14, $0x7;
	s12 =	sshll.u32 s12, $0x3;
	s11 =	sand.u32 $0x1800, s11;
	v15 =	vand.u32 $0x380, v13;
	v17 =	vor.u32 v16, v23;
	v18 =	vadd.s32 v16, v18;
	v13 =	vld.idx.msk [tilespmem:v21+s29+$0x0], $0xffff;
	[tilespmem:s9+$0x12020] =	vst v22  }
0x2be: {  	_ =	sdelay $0x1  }
0x2bf: {  	v18 =	vor.u32 v15, v18;
	s8 =	sand.u32 $0x380, s12;
	s11 =	sor.u32 s13, s11  }
0x2c0: {  	v17 =	vor.u32 v15, v17;
	[tilespmem:s9+$0x12030] =	vst v9;
	v19 =	vor.u32 v4, v18;
	s8 =	sor.u32 s8, s11  }
0x2c1: {  	v8 =	vld.idx.msk [tilespmem:v8+s29+$0x0], $0xffff;
	v9 =	vor.u32 v0, v18;
	[tilespmem:s8+$0x12070] =	vst v12;
	v12 =	vor.u32 v16, v14  }
0x2c2: {  	v7 =	vld.idx.msk [tilespmem:v7+s29+$0x0], $0xffff;
	v17 =	vbroadcast v17, $0x0;
	v20 =	vor.u32 v2, v18;
	[tilespmem:s8+$0x12040] =	vst v10;
	v10 =	vor.u32 v15, v12  }
0x2c3: {  	v6 =	vld.idx.msk [tilespmem:v6+s29+$0x0], $0xffff;
	[tilespmem:s8+$0x12050] =	vst v11;
	v11 =	vor.u32 v2, v10  }
0x2c4: {  	v5 =	vld.idx.msk [tilespmem:v5+s29+$0x0], $0xffff;
	v12 =	vor.u32 v0, v17  }
0x2c5: {  	v14 =	vor.u32 v3, v18;
	[tilespmem:s8+$0x12060] =	vst v13;
	v13 =	vld.idx.msk [tilespmem:v19+s29+$0x0], $0xffff  }
0x2c6: {  	s13 =	sshll.u32 s10, $0x4;
	v15 =	vor.u32 v3, v10;
	[tilespmem:s8+$0x12000] =	vst v8;
	v8 =	vld.idx.msk [tilespmem:v9+s29+$0x0], $0xffff  }
0x2c7: {  	s14 =	sshll.u32 s10, $0x3;
	s7 =	sshll.u32 s7, $0x7;
	s9 =	sand.u32 $0x1800, s13;
	[tilespmem:s8+$0x12010] =	vst v7;
	v9 =	vor.u32 v4, v10;
	v7 =	vld.idx.msk [tilespmem:v20+s29+$0x0], $0xffff  }
0x2c8: {  	s10 =	sand.u32 $0x380, s14;
	s7 =	sor.u32 s7, s9;
	[tilespmem:s8+$0x12030] =	vst v6;
	v6 =	vld.idx.msk [tilespmem:v11+s29+$0x0], $0xffff  }
0x2c9: {  	s9 =	sor.u32 s10, s7;
	s10 =	simm.s32 $0x0;
	[tilespmem:s8+$0x12020] =	vst v5;
	v5 =	vld.idx.msk [tilespmem:v12+s29+$0x0], $0xffff  }
0x2ca: {  	s7 =	sand.u32 $0x8, s10;
	v10 =	vld.idx.msk [tilespmem:v14+s29+$0x0], $0xffff;
	[tilespmem:s9+$0x12070] =	vst v13  }
0x2cb: {  	s11 =	sshll.u32 s7, $0x5;
	v11 =	vld.idx.msk [tilespmem:v15+s29+$0x0], $0xffff;
	[tilespmem:s9+$0x12040] =	vst v8  }
0x2cc: {  	s12 =	simm.s32 $0x0;
	s8 =	sor.u32 $0x80, s11;
	v8 =	vld.idx.msk [tilespmem:v9+s29+$0x0], $0xffff;
	[tilespmem:s9+$0x12050] =	vst v7  }
0x2cd: {  	v7 =	vmov s12;
	[tilespmem:s9+$0x12010] =	vst v6;
	v6 =	vmov s8  }
0x2ce: {  	v9 =	vshll.u32 v7, $0x9;
	[tilespmem:s9+$0x12000] =	vst v5;
	v5 =	vmov s11;
	v6 =	vshrl.u32 v6, $0x7  }
0x2cf: {  	s13 =	simm.s32 $0x8;
	[tilespmem:s9+$0x12060] =	vst v10;
	v7 =	vshll.u32 v7, $0x7;
	v5 =	vshrl.u32 v5, $0x7;
	v6 =	vshll.u32 v6, v1  }
0x2d0: {  	s10 =	sand.u32 $0x8, s13;
	v9 =	vand.u32 $0x3000, v9;
	s11 =	simm.s32 $0x0;
	[tilespmem:s9+$0x12020] =	vst v11;
	v5 =	vshll.u32 v5, v1;
	v6 =	vbroadcast v6, $0x0  }
0x2d1: {  	v7 =	vand.u32 $0x380, v7;
	s8 =	sshll.u32 s10, $0x5;
	v14 =	vmov s11;
	[tilespmem:s9+$0x12030] =	vst v8;
	v8 =	vbroadcast v5, $0x0  }
0x2d2: {  	v11 =	vmov s8;
	v16 =	vshll.u32 v14, $0x9;
	[hbm4b:s22+s2] =	stream.linear.scatter [tilespmem:s1], [sflag:$0x2], $0x4000, $0x38;
	v6 =	vadd.s32 v9, v6;
	[tilespmem:$0x1C000] =	vst v63  }
0x2d3: {  	v5 =	vor.u32 v9, v5;
	v8 =	vor.u32 v9, v8;
	_ =	swait.ge [sflag:s0], $0x4000;
	v6 =	vor.u32 v7, v6  }
0x2d4: {  	s14 =	sor.u32 $0x80, s8;
	v5 =	vor.u32 v7, v5;
	[sflag:s0] =	ssyncset.done $0x0;
	v7 =	vor.u32 v7, v8;
	v8 =	vor.u32 v4, v6  }
0x2d5: {  	v12 =	vmov s14;
	v5 =	vbroadcast v5, $0x0;
	[sflag:s0] =	ssyncadd.s32 $0xFFFFC000;
	v9 =	vor.u32 v0, v6  }
0x2d6: {  	v14 =	vshll.u32 v14, $0x7;
	v12 =	vshrl.u32 v12, $0x7;
	v10 =	vor.u32 v2, v6;
	_ =	swait.ge [sflag:s5], $0x4000  }
0x2d7: {  	v11 =	vshrl.u32 v11, $0x7;
	v12 =	vshll.u32 v12, v1;
	v5 =	vor.u32 v0, v5;
	[sflag:s5] =	ssyncset.done $0x0  }
0x2d8: {  	v16 =	vand.u32 $0x3000, v16;
	v12 =	vbroadcast v12, $0x0;
	v13 =	vor.u32 v2, v7;
	[sflag:s5] =	ssyncadd.s32 $0xFFFFC000  }
0x2d9: {  	v14 =	vand.u32 $0x380, v14;
	v11 =	vshll.u32 v11, v1;
	v6 =	vor.u32 v3, v6;
	v8 =	vld.idx.msk [tilespmem:v8+s30+$0x0], $0xffff  }
0x2da: {  	s7 =	sshll.u32 s7, $0x7;
	s12 =	simm.s32 $0x0;
	v17 =	vbroadcast v11, $0x0;
	v15 =	vor.u32 v3, v7;
	v12 =	vadd.s32 v16, v12;
	v9 =	vld.idx.msk [tilespmem:v9+s30+$0x0], $0xffff  }
0x2db: {  	s13 =	sand.u32 $0x1800, s12;
	s8 =	simm.s32 $0x10;
	s14 =	simm.s32 $0x0;
	v18 =	vor.u32 v4, v7;
	v7 =	vor.u32 v16, v11;
	v11 =	vor.u32 v14, v12;
	v10 =	vld.idx.msk [tilespmem:v10+s30+$0x0], $0xffff  }
0x2dc: {  	s9 =	sor.u32 s7, s13;
	s7 =	sand.u32 $0x8, s8;
	s11 =	sand.u32 $0x380, s14;
	v7 =	vor.u32 v14, v7;
	v12 =	vor.u32 v16, v17;
	v16 =	vor.u32 v4, v11;
	v17 =	vld.idx.msk [tilespmem:v5+s30+$0x0], $0xffff  }
0x2dd: {  	s12 =	sshll.u32 s7, $0x5;
	s9 =	sor.u32 s11, s9;
	v14 =	vor.u32 v14, v12;
	v19 =	vor.u32 v0, v11;
	v20 =	vor.u32 v2, v11;
	v13 =	vld.idx.msk [tilespmem:v13+s30+$0x0], $0xffff  }
0x2de: {  	s11 =	sor.u32 $0x80, s12;
	v21 =	vor.u32 v3, v11;
	v11 =	vmov s12;
	v5 =	vbroadcast v7, $0x0;
	v6 =	vld.idx.msk [tilespmem:v6+s30+$0x0], $0xffff;
	[tilespmem:s9+$0x14070] =	vst v8  }
0x2df: {  	v12 =	vmov s11;
	v11 =	vshrl.u32 v11, $0x7;
	v7 =	vor.u32 v2, v14;
	v22 =	vld.idx.msk [tilespmem:v15+s30+$0x0], $0xffff;
	[tilespmem:s9+$0x14040] =	vst v9  }
0x2e0: {  	s13 =	simm.s32 $0x1;
	v8 =	vor.u32 v0, v5;
	v5 =	vor.u32 v3, v14;
	v9 =	vld.idx.msk [tilespmem:v18+s30+$0x0], $0xffff;
	[tilespmem:s9+$0x14050] =	vst v10;
	v10 =	vshrl.u32 v12, $0x7  }
0x2e1: {  	[tilespmem:s9+$0x14000] =	vst v17;
	v18 =	vshll.u32 v11, v1;
	v11 =	vmov s13;
	v12 =	vld.idx.msk [tilespmem:v16+s30+$0x0], $0xffff;
	v10 =	vshll.u32 v10, v1  }
0x2e2: {  	s14 =	simm.s32 $0x80;
	[tilespmem:s9+$0x14010] =	vst v13;
	v15 =	vshll.u32 v11, $0x9;
	v13 =	vshll.u32 v11, $0x7;
	v11 =	vld.idx.msk [tilespmem:v20+s30+$0x0], $0xffff;
	v23 =	vbroadcast v10, $0x0  }
0x2e3: {  	s11 =	sand.u32 $0x1800, s14;
	[tilespmem:s9+$0x14060] =	vst v6;
	v6 =	vor.u32 v4, v14;
	v14 =	vbroadcast v18, $0x0;
	v10 =	vld.idx.msk [tilespmem:v19+s30+$0x0], $0xffff;
	v16 =	vand.u32 $0x3000, v15  }
0x2e4: {  	s12 =	simm.s32 $0x40;
	s13 =	sshll.u32 s10, $0x7;
	[tilespmem:s9+$0x14020] =	vst v22;
	s10 =	simm.s32 $0x10;
	v15 =	vand.u32 $0x380, v13;
	v13 =	vld.idx.msk [tilespmem:v21+s30+$0x0], $0xffff;
	v17 =	vor.u32 v16, v18;
	v18 =	vadd.s32 v16, v23  }
.LBB2_30:
0x2e5: {  	s8 =	sadd.s32 $0x8, s8;
	v17 =	vor.u32 v15, v17;
	v14 =	vor.u32 v16, v14;
	v16 =	vor.u32 v15, v18;
	v18 =	vld.idx.msk [tilespmem:v8+s30+$0x0], $0xffff;
	s12 =	sand.u32 $0x380, s12;
	s11 =	sor.u32 s13, s11  }
0x2e6: {  	s13 =	sand.u32 $0x8, s8;
	p0 =	slt.u32 s8, $0x1F8;
	v8 =	vbroadcast v17, $0x0;
	v14 =	vor.u32 v15, v14;
	v15 =	vor.u32 v4, v16;
	v17 =	vld.idx.msk [tilespmem:v7+s30+$0x0], $0xffff;
	[tilespmem:s9+$0x14030] =	vst v9;
	s9 =	sor.u32 s12, s11  }
0x2e7: {  	v19 =	vor.u32 v0, v16;
	v20 =	vor.u32 v2, v16;
	v21 =	vor.u32 v3, v16;
	s12 =	smov.u32 s10;
	s10 =	smov.u32 s8;
	s11 =	sshll.u32 s13, $0x5;
	[tilespmem:s9+$0x14070] =	vst v12  }
0x2e8: {  	s14 =	smov.u32 s7;
	v7 =	vor.u32 v2, v14;
	s7 =	smov.u32 s13;
	v9 =	vmov s11;
	s11 =	sor.u32 $0x80, s11;
	v8 =	vor.u32 v0, v8;
	v22 =	vld.idx.msk [tilespmem:v5+s30+$0x0], $0xffff;
	[tilespmem:s9+$0x14040] =	vst v10  }
0x2e9: {  	v5 =	vor.u32 v3, v14;
	v10 =	vshrl.u32 v9, $0x7;
	v12 =	vmov s11;
	v9 =	vld.idx.msk [tilespmem:v6+s30+$0x0], $0xffff;
	[tilespmem:s9+$0x14050] =	vst v11  }
.Ltmp14:
0x2ea: {  	s11 =	sshrl.u32 s10, $0x4;
	v6 =	vor.u32 v4, v14;
	v23 =	vshll.u32 v10, v1;
	v10 =	vshrl.u32 v12, $0x7;
	[tilespmem:s9+$0x14060] =	vst v13;
	(pc) =	sbr.rel @p0 .LBB2_30-.Ltmp14, $4  }
0x2eb: {  	v11 =	vmov s11;
	v14 =	vbroadcast v23, $0x0;
	v10 =	vshll.u32 v10, v1;
	v12 =	vld.idx.msk [tilespmem:v15+s30+$0x0], $0xffff;
	[tilespmem:s9+$0x14000] =	vst v18  }
0x2ec: {  	v13 =	vshll.u32 v11, $0x9;
	v18 =	vbroadcast v10, $0x0;
	v10 =	vld.idx.msk [tilespmem:v19+s30+$0x0], $0xffff;
	[tilespmem:s9+$0x14010] =	vst v17  }
0x2ed: {  	s11 =	sshll.u32 s12, $0x4;
	v16 =	vand.u32 $0x3000, v13;
	v13 =	vshll.u32 v11, $0x7;
	v11 =	vld.idx.msk [tilespmem:v20+s30+$0x0], $0xffff  }
0x2ee: {  	s13 =	sshll.u32 s14, $0x7;
	s12 =	sshll.u32 s12, $0x3;
	s11 =	sand.u32 $0x1800, s11;
	v15 =	vand.u32 $0x380, v13;
	v17 =	vor.u32 v16, v23;
	v18 =	vadd.s32 v16, v18;
	v13 =	vld.idx.msk [tilespmem:v21+s30+$0x0], $0xffff;
	[tilespmem:s9+$0x14020] =	vst v22  }
0x2ef: {  	_ =	sdelay $0x1  }
0x2f0: {  	v18 =	vor.u32 v15, v18  }
0x2f1: {  	s8 =	sand.u32 $0x380, s12;
	s11 =	sor.u32 s13, s11;
	v19 =	vor.u32 v4, v18  }
0x2f2: {  	v17 =	vor.u32 v15, v17;
	v8 =	vld.idx.msk [tilespmem:v8+s30+$0x0], $0xffff;
	[tilespmem:s9+$0x14030] =	vst v9;
	s11 =	sor.u32 s8, s11;
	v9 =	vor.u32 v0, v18  }
0x2f3: {  	v7 =	vld.idx.msk [tilespmem:v7+s30+$0x0], $0xffff;
	v17 =	vbroadcast v17, $0x0;
	v20 =	vor.u32 v2, v18;
	[tilespmem:s11+$0x14070] =	vst v12  }
0x2f4: {  	v5 =	vld.idx.msk [tilespmem:v5+s30+$0x0], $0xffff;
	v12 =	vor.u32 v16, v14;
	v14 =	vor.u32 v3, v18;
	[tilespmem:s11+$0x14040] =	vst v10  }
0x2f5: {  	v6 =	vld.idx.msk [tilespmem:v6+s30+$0x0], $0xffff;
	v10 =	vor.u32 v15, v12;
	v12 =	vor.u32 v0, v17;
	[tilespmem:s11+$0x14050] =	vst v11  }
0x2f6: {  	s14 =	simm.s32 $0x0;
	v11 =	vor.u32 v2, v10;
	[tilespmem:s11+$0x14060] =	vst v13;
	v13 =	vld.idx.msk [tilespmem:v19+s30+$0x0], $0xffff  }
0x2f7: {  	s13 =	sshll.u32 s10, $0x4;
	s7 =	sshll.u32 s7, $0x7;
	s8 =	sand.u32 $0x8, s14;
	v15 =	vor.u32 v3, v10;
	[tilespmem:s11+$0x14000] =	vst v8;
	v8 =	vld.idx.msk [tilespmem:v9+s30+$0x0], $0xffff  }
0x2f8: {  	s12 =	sand.u32 $0x1800, s13;
	s13 =	sshll.u32 s10, $0x3;
	s14 =	sshll.u32 s8, $0x5;
	[tilespmem:s11+$0x14010] =	vst v7;
	v9 =	vor.u32 v4, v10;
	v7 =	vld.idx.msk [tilespmem:v20+s30+$0x0], $0xffff  }
0x2f9: {  	s9 =	sand.u32 $0x380, s13;
	s7 =	sor.u32 s7, s12;
	s10 =	sor.u32 $0x80, s14;
	[tilespmem:s11+$0x14020] =	vst v5;
	v10 =	vld.idx.msk [tilespmem:v14+s30+$0x0], $0xffff  }
0x2fa: {  	s7 =	sor.u32 s9, s7;
	[tilespmem:s11+$0x14030] =	vst v6;
	v6 =	vmov s10;
	v12 =	vld.idx.msk [tilespmem:v12+s30+$0x0], $0xffff  }
0x2fb: {  	s12 =	simm.s32 $0x0;
	v6 =	vshrl.u32 v6, $0x7;
	v11 =	vld.idx.msk [tilespmem:v11+s30+$0x0], $0xffff;
	[tilespmem:s7+$0x14070] =	vst v13  }
0x2fc: {  	s13 =	simm.s32 $0x8;
	v5 =	vmov s14;
	v6 =	vshll.u32 v6, v1;
	v14 =	vld.idx.msk [tilespmem:v15+s30+$0x0], $0xffff;
	v13 =	vmov s12;
	[tilespmem:s7+$0x14040] =	vst v8  }
0x2fd: {  	s10 =	sand.u32 $0x8, s13;
	v5 =	vshrl.u32 v5, $0x7;
	v6 =	vbroadcast v6, $0x0;
	v9 =	vld.idx.msk [tilespmem:v9+s30+$0x0], $0xffff;
	[tilespmem:s7+$0x14050] =	vst v7;
	v15 =	vshll.u32 v13, $0x9  }
0x2fe: {  	s9 =	sshll.u32 s10, $0x5;
	v5 =	vshll.u32 v5, v1;
	v13 =	vshll.u32 v13, $0x7;
	[tilespmem:s7+$0x14060] =	vst v10;
	v7 =	vand.u32 $0x3000, v15  }
0x2ff: {  	s14 =	sor.u32 $0x80, s9;
	v8 =	vbroadcast v5, $0x0;
	v10 =	vand.u32 $0x380, v13;
	[tilespmem:s7+$0x14000] =	vst v12;
	v6 =	vadd.s32 v7, v6  }
0x300: {  	v12 =	vmov s14;
	v5 =	vor.u32 v7, v5;
	[tilespmem:s7+$0x14010] =	vst v11;
	v6 =	vor.u32 v10, v6  }
0x301: {  	v7 =	vor.u32 v7, v8;
	[tilespmem:s7+$0x14020] =	vst v14;
	v12 =	vshrl.u32 v12, $0x7;
	v8 =	vor.u32 v4, v6  }
0x302: {  	s11 =	simm.s32 $0x0;
	v5 =	vor.u32 v10, v5;
	v7 =	vor.u32 v10, v7;
	v10 =	vor.u32 v0, v6;
	[tilespmem:s7+$0x14030] =	vst v9  }
0x303: {  	v14 =	vmov s11;
	v12 =	vshll.u32 v12, v1;
	v11 =	vor.u32 v2, v6;
	_ =	swait.ge [sflag:s0], $0x4000  }
0x304: {  	v16 =	vshll.u32 v14, $0x9;
	v14 =	vshll.u32 v14, $0x7;
	v6 =	vor.u32 v3, v6;
	[sflag:s0] =	ssyncset.done $0x0  }
0x305: {  	v5 =	vbroadcast v5, $0x0;
	v9 =	vmov s9;
	v13 =	vor.u32 v2, v7;
	[sflag:s0] =	ssyncadd.s32 $0xFFFFC000  }
0x306: {  	v15 =	vor.u32 v3, v7;
	v12 =	vbroadcast v12, $0x0;
	v9 =	vshrl.u32 v9, $0x7;
	v8 =	vld.idx.msk [tilespmem:v8+s31+$0x0], $0xffff  }
0x307: {  	v16 =	vand.u32 $0x3000, v16;
	v5 =	vor.u32 v0, v5;
	v9 =	vshll.u32 v9, v1;
	v10 =	vld.idx.msk [tilespmem:v10+s31+$0x0], $0xffff  }
0x308: {  	s13 =	simm.s32 $0x0;
	s12 =	simm.s32 $0x0;
	v14 =	vand.u32 $0x380, v14;
	v12 =	vadd.s32 v16, v12;
	v17 =	vbroadcast v9, $0x0;
	v11 =	vld.idx.msk [tilespmem:v11+s31+$0x0], $0xffff  }
0x309: {  	s14 =	sshll.u32 s8, $0x7;
	s8 =	simm.s32 $0x10;
	s7 =	sand.u32 $0x1800, s12;
	v18 =	vor.u32 v4, v7;
	v7 =	vor.u32 v16, v9;
	v9 =	vor.u32 v14, v12;
	v6 =	vld.idx.msk [tilespmem:v6+s31+$0x0], $0xffff  }
0x30a: {  	s9 =	sand.u32 $0x380, s13;
	s11 =	sor.u32 s14, s7;
	s7 =	sand.u32 $0x8, s8;
	v7 =	vor.u32 v14, v7;
	v12 =	vor.u32 v16, v17;
	v16 =	vor.u32 v4, v9;
	v13 =	vld.idx.msk [tilespmem:v13+s31+$0x0], $0xffff  }
0x30b: {  	s9 =	sor.u32 s9, s11;
	s12 =	sshll.u32 s7, $0x5;
	v19 =	vor.u32 v0, v9;
	v20 =	vor.u32 v2, v9;
	v21 =	vor.u32 v3, v9;
	v22 =	vld.idx.msk [tilespmem:v15+s31+$0x0], $0xffff  }
0x30c: {  	s11 =	sor.u32 $0x80, s12;
	v9 =	vmov s12;
	v14 =	vor.u32 v14, v12;
	v17 =	vld.idx.msk [tilespmem:v5+s31+$0x0], $0xffff;
	v5 =	vbroadcast v7, $0x0;
	[tilespmem:s9+$0x16070] =	vst v8  }
0x30d: {  	v12 =	vshrl.u32 v9, $0x7;
	v7 =	vor.u32 v2, v14;
	[tilespmem:s9+$0x16040] =	vst v10;
	v10 =	vmov s11  }
0x30e: {  	s13 =	simm.s32 $0x1;
	v9 =	vld.idx.msk [tilespmem:v18+s31+$0x0], $0xffff;
	v18 =	vshll.u32 v12, v1;
	v8 =	vor.u32 v0, v5;
	[tilespmem:s9+$0x16050] =	vst v11;
	v10 =	vshrl.u32 v10, $0x7  }
0x30f: {  	v5 =	vor.u32 v3, v14;
	[tilespmem:s9+$0x16060] =	vst v6;
	v11 =	vmov s13;
	v12 =	vld.idx.msk [tilespmem:v16+s31+$0x0], $0xffff;
	v10 =	vshll.u32 v10, v1  }
0x310: {  	[tilespmem:s9+$0x16010] =	vst v13;
	v15 =	vshll.u32 v11, $0x9;
	v13 =	vshll.u32 v11, $0x7;
	v11 =	vld.idx.msk [tilespmem:v20+s31+$0x0], $0xffff;
	v23 =	vbroadcast v10, $0x0  }
0x311: {  	s14 =	simm.s32 $0x80;
	s12 =	simm.s32 $0x40;
	v6 =	vor.u32 v4, v14;
	v14 =	vbroadcast v18, $0x0;
	[tilespmem:s9+$0x16020] =	vst v22;
	v16 =	vand.u32 $0x3000, v15;
	v10 =	vld.idx.msk [tilespmem:v19+s31+$0x0], $0xffff  }
0x312: {  	s11 =	sand.u32 $0x1800, s14;
	s13 =	sshll.u32 s10, $0x7;
	s10 =	simm.s32 $0x10;
	[tilespmem:s9+$0x16000] =	vst v17;
	v15 =	vand.u32 $0x380, v13;
	v13 =	vld.idx.msk [tilespmem:v21+s31+$0x0], $0xffff;
	v17 =	vor.u32 v16, v18;
	v18 =	vadd.s32 v16, v23  }
.LBB2_32:
0x313: {  	s8 =	sadd.s32 $0x8, s8;
	v17 =	vor.u32 v15, v17;
	v14 =	vor.u32 v16, v14;
	v16 =	vor.u32 v15, v18;
	v18 =	vld.idx.msk [tilespmem:v8+s31+$0x0], $0xffff;
	s12 =	sand.u32 $0x380, s12;
	s11 =	sor.u32 s13, s11  }
0x314: {  	s13 =	sand.u32 $0x8, s8;
	p0 =	slt.u32 s8, $0x1F8;
	v8 =	vbroadcast v17, $0x0;
	v14 =	vor.u32 v15, v14;
	v15 =	vor.u32 v4, v16;
	v17 =	vld.idx.msk [tilespmem:v7+s31+$0x0], $0xffff;
	[tilespmem:s9+$0x16030] =	vst v9;
	s9 =	sor.u32 s12, s11  }
0x315: {  	v19 =	vor.u32 v0, v16;
	v20 =	vor.u32 v2, v16;
	v21 =	vor.u32 v3, v16;
	s12 =	smov.u32 s10;
	s10 =	smov.u32 s8;
	s11 =	sshll.u32 s13, $0x5;
	[tilespmem:s9+$0x16070] =	vst v12  }
0x316: {  	s14 =	smov.u32 s7;
	v7 =	vor.u32 v2, v14;
	s7 =	smov.u32 s13;
	v9 =	vmov s11;
	s11 =	sor.u32 $0x80, s11;
	v8 =	vor.u32 v0, v8;
	v22 =	vld.idx.msk [tilespmem:v5+s31+$0x0], $0xffff;
	[tilespmem:s9+$0x16040] =	vst v10  }
0x317: {  	v5 =	vor.u32 v3, v14;
	v10 =	vshrl.u32 v9, $0x7;
	v12 =	vmov s11;
	v9 =	vld.idx.msk [tilespmem:v6+s31+$0x0], $0xffff;
	[tilespmem:s9+$0x16050] =	vst v11  }
.Ltmp15:
0x318: {  	s11 =	sshrl.u32 s10, $0x4;
	v6 =	vor.u32 v4, v14;
	v23 =	vshll.u32 v10, v1;
	v10 =	vshrl.u32 v12, $0x7;
	[tilespmem:s9+$0x16060] =	vst v13;
	(pc) =	sbr.rel @p0 .LBB2_32-.Ltmp15, $4  }
0x319: {  	v11 =	vmov s11;
	v14 =	vbroadcast v23, $0x0;
	v10 =	vshll.u32 v10, v1;
	v12 =	vld.idx.msk [tilespmem:v15+s31+$0x0], $0xffff;
	[tilespmem:s9+$0x16000] =	vst v18  }
0x31a: {  	v13 =	vshll.u32 v11, $0x9;
	v18 =	vbroadcast v10, $0x0;
	v10 =	vld.idx.msk [tilespmem:v19+s31+$0x0], $0xffff;
	[tilespmem:s9+$0x16010] =	vst v17  }
0x31b: {  	s11 =	sshll.u32 s12, $0x4;
	v16 =	vand.u32 $0x3000, v13;
	v13 =	vshll.u32 v11, $0x7;
	v11 =	vld.idx.msk [tilespmem:v20+s31+$0x0], $0xffff  }
0x31c: {  	s13 =	sshll.u32 s14, $0x7;
	s12 =	sshll.u32 s12, $0x3;
	s11 =	sand.u32 $0x1800, s11;
	v15 =	vand.u32 $0x380, v13;
	v17 =	vor.u32 v16, v23;
	v18 =	vadd.s32 v16, v18;
	v13 =	vld.idx.msk [tilespmem:v21+s31+$0x0], $0xffff;
	[tilespmem:s9+$0x16020] =	vst v22  }
0x31d: {  	_ =	sdelay $0x1  }
0x31e: {  	v18 =	vor.u32 v15, v18  }
0x31f: {  	s8 =	sand.u32 $0x380, s12;
	s11 =	sor.u32 s13, s11;
	v19 =	vor.u32 v4, v18  }
0x320: {  	v8 =	vld.idx.msk [tilespmem:v8+s31+$0x0], $0xffff;
	[tilespmem:s9+$0x16030] =	vst v9;
	s8 =	sor.u32 s8, s11;
	v52 =	vor.u32 v0, v18  }
0x321: {  	v7 =	vld.idx.msk [tilespmem:v7+s31+$0x0], $0xffff;
	v14 =	vor.u32 v16, v14;
	v53 =	vor.u32 v2, v18;
	[tilespmem:s8+$0x16070] =	vst v12  }
0x322: {  	v5 =	vld.idx.msk [tilespmem:v5+s31+$0x0], $0xffff;
	v54 =	vor.u32 v3, v18;
	v55 =	vor.u32 v15, v14;
	[tilespmem:s8+$0x16040] =	vst v10  }
0x323: {  	v17 =	vor.u32 v15, v17;
	v6 =	vld.idx.msk [tilespmem:v6+s31+$0x0], $0xffff;
	v57 =	vor.u32 v2, v55;
	[tilespmem:s8+$0x16050] =	vst v11  }
0x324: {  	v17 =	vbroadcast v17, $0x0;
	v15 =	vor.u32 v3, v55;
	[tilespmem:s8+$0x16060] =	vst v13;
	v58 =	vld.idx.msk [tilespmem:v19+s31+$0x0], $0xffff  }
0x325: {  	s13 =	sshll.u32 s10, $0x4;
	v60 =	vor.u32 v4, v55;
	[tilespmem:s8+$0x16000] =	vst v8;
	v59 =	vld.idx.msk [tilespmem:v52+s31+$0x0], $0xffff  }
0x326: {  	s14 =	sshll.u32 s10, $0x3;
	s7 =	sshll.u32 s7, $0x7;
	s9 =	sand.u32 $0x1800, s13;
	v56 =	vor.u32 v0, v17;
	[tilespmem:s8+$0x16010] =	vst v7;
	v7 =	vld.idx.msk [tilespmem:v53+s31+$0x0], $0xffff  }
0x327: {  	s10 =	sand.u32 $0x380, s14;
	s7 =	sor.u32 s7, s9;
	[tilespmem:s8+$0x16020] =	vst v5;
	v61 =	vld.idx.msk [tilespmem:v54+s31+$0x0], $0xffff  }
0x328: {  	s7 =	sor.u32 s10, s7;
	[tilespmem:s8+$0x16030] =	vst v6;
	v6 =	vld.idx.msk [tilespmem:v57+s31+$0x0], $0xffff  }
0x329: {  	v62 =	vld.idx.msk [tilespmem:v15+s31+$0x0], $0xffff;
	[tilespmem:s7+$0x16070] =	vst v58  }
0x32a: {  	v63 =	vld.idx.msk [tilespmem:v60+s31+$0x0], $0xffff;
	[tilespmem:s7+$0x16040] =	vst v59  }
0x32b: {  	v5 =	vld.idx.msk [tilespmem:v56+s31+$0x0], $0xffff;
	[tilespmem:s7+$0x16050] =	vst v7  }
0x32c: {  	[tilespmem:s7+$0x16060] =	vst v61  }
0x32d: {  	[tilespmem:s7+$0x16010] =	vst v6  }
0x32e: {  	[tilespmem:s7+$0x16020] =	vst v62  }
0x32f: {  	[tilespmem:s7+$0x16030] =	vst v63  }
0x330: {  	[tilespmem:s7+$0x16000] =	vst v5  }
0x331: {  	[hbm4b:s23+s2] =	stream.linear.scatter [tilespmem:s4], [sflag:$0x2], $0x4000, $0x38;
	[tilespmem:$0x1C000] =	vst v63  }
0x332: {  	_ =	swait.ge [sflag:s5], $0x4000  }
0x333: {  	[sflag:s5] =	ssyncset.done $0x0  }
0x334: {  	s6 =	sadd.s32 $0x1, s6;
	[sflag:s5] =	ssyncadd.s32 $0xFFFFC000  }
0x335: {  	p0 =	sne.s32 s6, s25;
	_ =	swait.ge [sflag:s5], $0x4000  }
.Ltmp16:
0x336: {  	[sflag:s5] =	ssyncset.done $0x0;
	(pc) =	sbr.rel @p0 .LBB2_1-.Ltmp16, $4  }
0x337: {  	[sflag:s5] =	ssyncadd.s32 $0xFFFFC000  }
0x338: {  	_ =	swait.ge [sflag:s5], $0x4000  }
0x339: {  	[sflag:s5] =	ssyncset.done $0x0  }
0x33a: {  	[sflag:s5] =	ssyncadd.s32 $0xFFFFC000  }
0x33b: {  	_ =	sfence.sel $0x180000  }
0x33c: {  	[bflag:$0x0] =	sbarrier.arrive $0xFFFF  }
0x33d: {  	_ =	strace $0x90000047  }
0x33e: {  	s0 =	stileid.u32;
	[bflag:$0x2] =	sbarrier.arrive $0xFFFF  }
0x33f: {  	p0 =	sne.s32 s0, $0x0;
	s0 =	rddreg [dreg:$0x2]  }
0x340: {  	s0 =	sadd.s32 @!p0 $0x100000, s0  }
0x341: {  	[sflag:s0] =	ssyncadd.tile.s32 @!p0 $0x1;
	_ =	shalt  }
.Lfunc_end2:
_tile_overlayer_lowered:
.L_overlay_start_2:
0x342: {  	(tag) =	ssettag $0x2  }
0x343: {  	s0 =	rddreg [dreg:$0x0];
	s2 =	stileid.u32  }
0x344: {  	s1 =	rddreg [dreg:$0x1];
	p0 =	sne.s32 s2, $0x0  }
0x345: {  	s3 =	rddreg [dreg:$0x2];
	[bflag:$0x3] =	sbarrier.arrive $0xFFFF;
	s2 =	simm.s32 @!p0 $0x1C03  }
0x346: {  	[timem:s3], [sflag:s2] =	dma.local @!p0 [hbm:s0], s1  }
0x347: {  	s0 =	simm.s32 @!p0 $0x3  }
0x348: {  	_ =	swait.ge @!p0 [sflag:s0], s1  }
0x349: {  	s1 =	ssub.s32 @!p0 $0x0, s1;
	[sflag:s0] =	ssyncset.done @!p0 $0x0  }
0x34a: {  	[sflag:s0] =	ssyncadd.s32 @!p0 s1  }
0x34b: {  	[bflag:$0x3] =	sbarrier.arrive $0xFFFF  }
0x34c: {  	_ =	shalt  }

</sc_bundles>
